<compile_context>
chip_gen: v7x
topology: tpu7x:2x2x1
jax: 0.10.2.dev20260603
libtpu: 0.0.44.dev20260713+nightly
codegen_flags: <defaults>
</compile_context>

<pallas_src>
import functools

import jax
import jax.numpy as jnp
from jax import lax
from jax.experimental import pallas as pl
from jax.experimental.pallas import tpu as pltpu
from jax.experimental.pallas import tpu_sc as plsc

N = 10000
D = 128
G = 16
NC, NS = 2, 16
NW = NC * NS
CH = 128
NPAD = 10112
ZR = NPAD // NS
W0 = 632
WLAST = N - (NS - 1) * W0
R = 1000

@functools.cache
def _mesh():
    return plsc.VectorSubcoreMesh(core_axis_name="c", subcore_axis_name="s")


def _writeback(sh_ref, out_hbm, cid, sid):
    @pl.when(sid < NS - 1)
    def _():
        pltpu.sync_copy(sh_ref.at[pl.ds(sid * W0, W0)],
                        out_hbm.at[pl.ds(cid * N + sid * W0, W0)])

    @pl.when(sid == NS - 1)
    def _():
        base = (NS - 1) * W0
        pltpu.sync_copy(sh_ref.at[pl.ds(base, WLAST)],
                        out_hbm.at[pl.ds(cid * N + base, WLAST)])


def _zero_acc(rows_a, acc_sh, sid):
    z = jnp.zeros((16,), jnp.float32)

    @pl.loop(0, CH)
    def _(i):
        @pl.loop(0, D // 16)
        def _(l):
            rows_a.at[i, pl.ds(l * 16, 16)][...] = z

    @pl.loop(0, ZR // CH)
    def _(m):
        pltpu.sync_copy(rows_a,
                        acc_sh.at[pl.ds(sid * ZR + m * CH, CH)])
    rem = ZR % CH
    if rem:
        pltpu.sync_copy(rows_a.at[pl.ds(0, rem)],
                        acc_sh.at[pl.ds(sid * ZR + (ZR // CH) * CH, rem)])


def _sc_agg_body(K, x_hbm, idx_hbm, accout_hbm,
                 idx_v, rows_a, rows_b, acc_sh,
                 gsem_a, gsem_b, ssem_a, ssem_b):
    cid = lax.axis_index("c")
    sid = lax.axis_index("s")
    wid = cid * NS + sid

    _zero_acc(rows_a, acc_sh, sid)
    plsc.subcore_barrier()

    def g(buf, sem, j):
        pltpu.async_copy(x_hbm.at[idx_v.at[2 * j]], buf, sem)

    def gwait(buf, sem):
        pltpu.make_async_copy(x_hbm.at[idx_v.at[0]], buf, sem).wait()

    def s(buf, sem, j):
        pltpu.async_copy(buf, acc_sh.at[idx_v.at[2 * j + 1]], sem, add=True)

    def swait(buf, sem):
        pltpu.make_async_copy(buf, acc_sh.at[idx_v.at[1]], sem).wait()

    A = (rows_a, gsem_a, ssem_a)
    B = (rows_b, gsem_b, ssem_b)

    @pl.loop(0, K // 8)
    def _(b):
        pltpu.sync_copy(idx_hbm.at[wid, pl.ds(b * 16, 16)], idx_v)
        g(rows_a, gsem_a, 0)
        for jj in range(1, 8):
            (bp, gp, sp), (bq, gq, sq) = (A, B) if jj % 2 == 0 else (B, A)
            if jj >= 2:
                swait(bp, sp)
            g(bp, gp, jj)
            gwait(bq, gq)
            s(bq, sq, jj - 1)
        gwait(rows_b, gsem_b)
        s(rows_b, ssem_b, 7)
        swait(rows_a, ssem_a)
        swait(rows_b, ssem_b)

    plsc.subcore_barrier()
    _writeback(acc_sh, accout_hbm, cid, sid)


def _sc_agg(x, idx3):
    K = idx3.shape[1] // 2
    scratch = [
        pltpu.VMEM((16, CH), jnp.int32),
        pltpu.VMEM((CH, D), jnp.float32),
        pltpu.VMEM((CH, D), jnp.float32),
        pltpu.VMEM_SHARED((NPAD, D), jnp.float32),
        pltpu.SemaphoreType.DMA,
        pltpu.SemaphoreType.DMA,
        pltpu.SemaphoreType.DMA,
        pltpu.SemaphoreType.DMA,
    ]
    k = pl.kernel(functools.partial(_sc_agg_body, K),
                  out_type=jax.ShapeDtypeStruct((NC * N, D), jnp.float32),
                  mesh=_mesh(), scratch_types=scratch)
    return k(x, idx3)


CW = 128


def _sc_cnt_body(K, dst_hbm, zcnt_hbm, ones_hbm, cntout_hbm,
                 dst_v, ones_v, cnt_sh, sem):
    cid = lax.axis_index("c")
    sid = lax.axis_index("s")
    wid = cid * NS + sid

    pltpu.sync_copy(zcnt_hbm.at[pl.ds(sid * ZR, ZR)],
                    cnt_sh.at[pl.ds(sid * ZR, ZR)])
    pltpu.sync_copy(ones_hbm, ones_v)
    plsc.subcore_barrier()

    @pl.loop(0, K // 8)
    def _(b):
        pltpu.sync_copy(dst_hbm.at[wid, pl.ds(b * 8, 8)], dst_v)
        for j in range(8):
            pltpu.async_copy(ones_v, cnt_sh.at[dst_v.at[j]], sem, add=True)
        for j in range(8):
            pltpu.make_async_copy(ones_v, cnt_sh.at[dst_v.at[0]], sem).wait()

    plsc.subcore_barrier()
    _writeback(cnt_sh, cntout_hbm, cid, sid)


def _sc_cnt(dst3):
    K = dst3.shape[1]
    scratch = [
        pltpu.VMEM((8, CH), jnp.int32),
        pltpu.VMEM((CH, CW), jnp.float32),
        pltpu.VMEM_SHARED((NPAD, CW), jnp.float32),
        pltpu.SemaphoreType.DMA,
    ]
    k = pl.kernel(functools.partial(_sc_cnt_body, K),
                  out_type=jax.ShapeDtypeStruct((NC * N, CW), jnp.float32),
                  mesh=_mesh(), scratch_types=scratch)
    return k(dst3, jnp.zeros((NPAD, CW), jnp.float32),
             jnp.ones((CH, CW), jnp.float32))


def _xw_body(x_ref, w_ref, b_ref, o_ref):
    o_ref[...] = (jnp.dot(x_ref[...], w_ref[...],
                          preferred_element_type=jnp.float32) + b_ref[...])


def _xw_b(x, W, b2d):
    return pl.pallas_call(
        _xw_body,
        grid=(N // R,),
        in_specs=[pl.BlockSpec((R, D), lambda i: (i, 0)),
                  pl.BlockSpec((D, D), lambda i: (0, 0)),
                  pl.BlockSpec((1, D), lambda i: (0, 0))],
        out_specs=pl.BlockSpec((R, D), lambda i: (i, 0)),
        out_shape=jax.ShapeDtypeStruct((N, D), jnp.float32),
    )(x, W, b2d)


def _mean_of(p0, p1, c0, c1):
    cnt = jnp.maximum((c0 + c1)[:, 0:1], 1.0)
    return (p0 + p1) / cnt


def _comb_body(p0_ref, p1_ref, c0_ref, c1_ref, xr_ref, w_ref, o_ref):
    mean = _mean_of(p0_ref[...], p1_ref[...], c0_ref[...], c1_ref[...])
    o_ref[...] = jnp.maximum(
        jnp.dot(mean, w_ref[...], preferred_element_type=jnp.float32)
        + xr_ref[...], 0.0)


def _layer_combine(parts, cnts, xr, Wl):
    nb = N // R
    return pl.pallas_call(
        _comb_body,
        grid=(nb,),
        in_specs=[pl.BlockSpec((R, D), lambda i: (i, 0)),
                  pl.BlockSpec((R, D), lambda i: (i + nb, 0)),
                  pl.BlockSpec((R, CW), lambda i: (i, 0)),
                  pl.BlockSpec((R, CW), lambda i: (i + nb, 0)),
                  pl.BlockSpec((R, D), lambda i: (i, 0)),
                  pl.BlockSpec((D, D), lambda i: (0, 0))],
        out_specs=pl.BlockSpec((R, D), lambda i: (i, 0)),
        out_shape=jax.ShapeDtypeStruct((N, D), jnp.float32),
    )(parts, parts, cnts, cnts, xr, Wl)


def _final_body(p0_ref, p1_ref, c0_ref, c1_ref, xr_ref, w_ref, b_ref,
                wo_ref, bo_ref, o_ref, gsum, gcnt):
    i = pl.program_id(0)

    @pl.when(i == 0)
    def _():
        gsum[...] = jnp.zeros_like(gsum)
        gcnt[...] = jnp.zeros_like(gcnt)

    mean = _mean_of(p0_ref[...], p1_ref[...], c0_ref[...], c1_ref[...])
    h = jnp.maximum(
        jnp.dot(mean, w_ref[...], preferred_element_type=jnp.float32)
        + xr_ref[...], 0.0)
    oh = (b_ref[...] == lax.broadcasted_iota(jnp.int32, (R, G), 1)
          ).astype(jnp.float32)
    gsum[...] += lax.dot_general(oh, h, (((0,), (0,)), ((), ())),
                                 preferred_element_type=jnp.float32)
    gcnt[...] += lax.dot_general(oh, jnp.ones((R, D), jnp.float32),
                                 (((0,), (0,)), ((), ())),
                                 preferred_element_type=jnp.float32)

    @pl.when(i == pl.num_programs(0) - 1)
    def _():
        g = gsum[...] / jnp.maximum(gcnt[...], 1.0)
        o_ref[...] = (jnp.dot(g, wo_ref[...],
                              preferred_element_type=jnp.float32) + bo_ref[...])


def _final(parts, cnts, xr, Wl, batch2d, Wo, bo2d):
    nb = N // R
    return pl.pallas_call(
        _final_body,
        grid=(nb,),
        in_specs=[pl.BlockSpec((R, D), lambda i: (i, 0)),
                  pl.BlockSpec((R, D), lambda i: (i + nb, 0)),
                  pl.BlockSpec((R, CW), lambda i: (i, 0)),
                  pl.BlockSpec((R, CW), lambda i: (i + nb, 0)),
                  pl.BlockSpec((R, D), lambda i: (i, 0)),
                  pl.BlockSpec((D, D), lambda i: (0, 0)),
                  pl.BlockSpec((R, 1), lambda i: (i, 0)),
                  pl.BlockSpec((D, 1), lambda i: (0, 0)),
                  pl.BlockSpec((1, 1), lambda i: (0, 0))],
        out_specs=pl.BlockSpec((G, 1), lambda i: (0, 0)),
        out_shape=jax.ShapeDtypeStruct((G, 1), jnp.float32),
        scratch_shapes=[pltpu.VMEM((G, D), jnp.float32),
                        pltpu.VMEM((G, D), jnp.float32)],
    )(parts, parts, cnts, cnts, xr, Wl, batch2d, Wo, bo2d)


def kernel(x, edge_index, batch, W1l, b1, W1r, W2l, b2, W2r, Wo, bo):
    E = edge_index.shape[1]
    epw = -(-E // (NW * CH * 8)) * CH * 8
    K = epw // CH
    pad = NW * epw - E
    src = jnp.concatenate([edge_index[0], jnp.zeros((pad,), jnp.int32)])
    pad_dst = N + (jnp.arange(pad, dtype=jnp.int32) % (NPAD - N))
    dst = jnp.concatenate([edge_index[1], pad_dst])
    src3 = src.reshape(NW, K, CH)
    dst3 = dst.reshape(NW, K, CH)
    idx3 = jnp.stack([src3, dst3], axis=2).reshape(NW, 2 * K, CH)
    b1_2d = b1.reshape(1, D)
    b2_2d = b2.reshape(1, D)
    bo_2d = bo.reshape(1, 1)
    batch2d = batch.reshape(N, 1)

    cnts = _sc_cnt(dst3)
    parts1 = _sc_agg(x, idx3)
    xr1 = _xw_b(x, W1r, b1_2d)
    h1 = _layer_combine(parts1, cnts, xr1, W1l)

    parts2 = _sc_agg(h1, idx3)
    xr2 = _xw_b(h1, W2r, b2_2d)
    return _final(parts2, cnts, xr2, W2l, batch2d, Wo, bo_2d)

# --- scband reference (transcript-rebuilt; emitter-appended) ---
"""Pipeline reference for scband-traffic-gnn-31971736551689 (READ-ONLY COPY).

The authoritative reference and input builder live on the scoring server;
editing this copy changes nothing except your own understanding.
"""

import jax, jax.numpy as jnp
import numpy as np

N, E, D, H, G = 10000, 320000, 128, 128, 16

def setup_inputs(seed: int = 0) -> dict:
    key = jax.random.key(seed)
    ks = jax.random.split(key, 12)
    x = jax.random.normal(ks[0], (N, D), dtype=jnp.float32)
    edge_index = jax.random.randint(ks[1], (2, E), 0, N, dtype=jnp.int32)
    batch = jnp.sort(jax.random.randint(ks[2], (N,), 0, G, dtype=jnp.int32))
    s_in = 1.0 / np.sqrt(D)
    s_h = 1.0 / np.sqrt(H)
    W1l = jax.random.uniform(ks[3], (D, H), jnp.float32, -s_in, s_in)
    b1 = jax.random.uniform(ks[4], (H,), jnp.float32, -s_in, s_in)
    W1r = jax.random.uniform(ks[5], (D, H), jnp.float32, -s_in, s_in)
    W2l = jax.random.uniform(ks[6], (H, H), jnp.float32, -s_h, s_h)
    b2 = jax.random.uniform(ks[7], (H,), jnp.float32, -s_h, s_h)
    W2r = jax.random.uniform(ks[8], (H, H), jnp.float32, -s_h, s_h)
    Wo = jax.random.uniform(ks[9], (H, 1), jnp.float32, -s_h, s_h)
    bo = jax.random.uniform(ks[10], (1,), jnp.float32, -s_h, s_h)
    return {"x": x, "edge_index": edge_index, "batch": batch, "W1l": W1l, "b1": b1, "W1r": W1r, "W2l": W2l, "b2": b2, "W2r": W2r, "Wo": Wo, "bo": bo}

def _sage_conv(x, edge_index, Wl, b, Wr):
    src = edge_index[0]
    dst = edge_index[1]
    msg = jnp.take(x, src, axis=0)
    summed = jax.ops.segment_sum(msg, dst, num_segments=N)
    cnt = jax.ops.segment_sum(jnp.ones((msg.shape[0],), dtype=x.dtype), dst, num_segments=N)
    mean = summed / jnp.clip(cnt, 1.0)[:, None]
    return mean @ Wl + b + x @ Wr

def reference(x, edge_index, batch, W1l, b1, W1r, W2l, b2, W2r, Wo, bo):
    h = jax.nn.relu(_sage_conv(x, edge_index, W1l, b1, W1r))
    h = jax.nn.relu(_sage_conv(h, edge_index, W2l, b2, W2r))
    gsum = jax.ops.segment_sum(h, batch, num_segments=G)
    gcnt = jax.ops.segment_sum(jnp.ones((h.shape[0],), dtype=h.dtype), batch, num_segments=G)
    g = gsum / jnp.clip(gcnt, 1.0)[:, None]
    return g @ Wo + bo

if __name__ == "__main__":
    import jax
    _d = setup_inputs()
    print(jax.jit(kernel)(*tuple(_d.values())))

</pallas_src>

<mosaic_0001>
#map = affine_map<(d0, d1) -> (0, 0)>
#map1 = affine_map<(d0, d1) -> (0, 0, 0)>
module attributes {stable_mosaic.version = 14 : i64} {
  func.func @_sc_agg_body(%arg0: i32, %arg1: i32, %arg2: memref<10000x128xf32, #tpu.memory_space<hbm>>, %arg3: memref<32x160x128xi32, #tpu.memory_space<hbm>>, %arg4: memref<20000x128xf32, #tpu.memory_space<hbm>>, %arg5: memref<16x128xi32, #tpu.memory_space<vmem>>, %arg6: memref<128x128xf32, #tpu.memory_space<vmem>>, %arg7: memref<128x128xf32, #tpu.memory_space<vmem>>, %arg8: memref<10112x128xf32, #tpu.memory_space<vmem_shared>>, %arg9: memref<!tpu.dma_semaphore, #tpu.memory_space<semaphore_mem>>, %arg10: memref<!tpu.dma_semaphore, #tpu.memory_space<semaphore_mem>>, %arg11: memref<!tpu.dma_semaphore, #tpu.memory_space<semaphore_mem>>, %arg12: memref<!tpu.dma_semaphore, #tpu.memory_space<semaphore_mem>>) attributes {dimension_semantics = [#tpu.dimension_semantics<core_parallel>, #tpu.dimension_semantics<subcore_parallel>], iteration_bounds = array<i64: 2, 16>, scalar_prefetch = 0 : i64, scratch_operands = 8 : i64, tpu.core_type = #tpu.core_type<sc_vector_subcore>, window_params = [{transform_indices = #map}, {transform_indices = #map1}, {transform_indices = #map}]} {
    %mul3A = arith.constant 16 : i32
    %mul3A_0 = arith.muli %arg0, %mul3A : i32
    %add3A = arith.addi %mul3A_0, %arg1 : i32
    %broadcast_in_dim3A = arith.constant 0.000000e+00 : f32
    %broadcast_in_dim3A_1 = vector.broadcast %broadcast_in_dim3A : f32 to vector<16xf32>
    %scan3A = arith.constant 0 : i32
    %scan3A_2 = arith.constant 128 : i32
    %scan3A_3 = arith.addi %scan3A, %scan3A_2 : i32
    %scan3A_4 = arith.constant 1 : i32
    scf.for %scan3A_27 = %scan3A to %scan3A_3 step %scan3A_4  : i32 {
      %mul3A_28 = arith.constant 1 : i32
      %mul3A_29 = arith.muli %scan3A_27, %mul3A_28 : i32
      %add3A_30 = arith.constant 0 : i32
      %add3A_31 = arith.addi %add3A_30, %mul3A_29 : i32
      %scan3A_32 = arith.constant 0 : i32
      %scan3A_33 = arith.constant 8 : i32
      %scan3A_34 = arith.addi %scan3A_32, %scan3A_33 : i32
      %scan3A_35 = arith.constant 1 : i32
      scf.for %scan3A_37 = %scan3A_32 to %scan3A_34 step %scan3A_35  : i32 {
        %mul3A_38 = arith.constant 1 : i32
        %mul3A_39 = arith.muli %scan3A_37, %mul3A_38 : i32
        %add3A_40 = arith.constant 0 : i32
        %add3A_41 = arith.addi %add3A_40, %mul3A_39 : i32
        %mul3A_42 = arith.constant 16 : i32
        %mul3A_43 = arith.muli %add3A_41, %mul3A_42 : i32
        %swap3A = arith.index_cast %add3A_31 : i32 to index
        %swap3A_44 = arith.index_cast %mul3A_43 : i32 to index
        %swap3A_45 = tpu.vector_load %arg6[%swap3A, %swap3A_44] {strides = array<i32>} : memref<128x128xf32, #tpu.memory_space<vmem>>, vector<1x16xf32>,
        %swap3A_46 = vector.shape_cast %swap3A_45 : vector<1x16xf32> to vector<16xf32>
        %swap3A_47 = vector.shape_cast %broadcast_in_dim3A_1 : vector<16xf32> to vector<1x16xf32>
        tpu.vector_store %arg6[%swap3A, %swap3A_44], %swap3A_47 {strides = array<i32>} : memref<128x128xf32, #tpu.memory_space<vmem>>, vector<1x16xf32>,
      }
      %scan3A_36 = arith.constant 8 : i32
    }
    %scan3A_5 = arith.constant 128 : i32
    %scan3A_6 = arith.constant 0 : i32
    %scan3A_7 = arith.constant 4 : i32
    %scan3A_8 = arith.addi %scan3A_6, %scan3A_7 : i32
    %scan3A_9 = arith.constant 1 : i32
    scf.for %scan3A_27 = %scan3A_6 to %scan3A_8 step %scan3A_9  : i32 {
      %mul3A_28 = arith.constant 1 : i32
      %mul3A_29 = arith.muli %scan3A_27, %mul3A_28 : i32
      %add3A_30 = arith.constant 0 : i32
      %add3A_31 = arith.addi %add3A_30, %mul3A_29 : i32
      %mul3A_32 = arith.constant 632 : i32
      %mul3A_33 = arith.muli %arg1, %mul3A_32 : i32
      %mul3A_34 = arith.constant 128 : i32
      %mul3A_35 = arith.muli %add3A_31, %mul3A_34 : i32
      %add3A_36 = arith.addi %mul3A_33, %mul3A_35 : i32
      "tpu.region"() ({
        %run_scoped3A = tpu.sem_alloc : memref<!tpu.dma_semaphore, #tpu.memory_space<semaphore_mem>>
        %dma_start3A = arith.constant 0 : i32
        %dma_start3A_37 = tpu.memref_slice %arg8[%add3A_36, %dma_start3A] : memref<10112x128xf32, #tpu.memory_space<vmem_shared>> -> memref<128x128xf32, #tpu.memory_space<vmem_shared>>
        %dma_start3A_38 = arith.constant 0 : i32
        %dma_start3A_39 = tpu.memref_slice %arg8[%add3A_36, %dma_start3A_38] : memref<10112x128xf32, #tpu.memory_space<vmem_shared>> -> memref<128x128xf32, #tpu.memory_space<vmem_shared>>
        tpu.enqueue_dma source(%arg6 : memref<128x128xf32, #tpu.memory_space<vmem>>) target(%dma_start3A_39 : memref<128x128xf32, #tpu.memory_space<vmem_shared>>) target_semaphore(%run_scoped3A : memref<!tpu.dma_semaphore, #tpu.memory_space<semaphore_mem>>)
        %dma_wait3A = arith.constant 0 : i32
        %dma_wait3A_40 = tpu.memref_slice %arg8[%add3A_36, %dma_wait3A] : memref<10112x128xf32, #tpu.memory_space<vmem_shared>> -> memref<128x128xf32, #tpu.memory_space<vmem_shared>>
        %dma_wait3A_41 = arith.constant 0 : i32
        %dma_wait3A_42 = tpu.memref_slice %arg8[%add3A_36, %dma_wait3A_41] : memref<10112x128xf32, #tpu.memory_space<vmem_shared>> -> memref<128x128xf32, #tpu.memory_space<vmem_shared>>
        tpu.wait_dma2 semaphore(%run_scoped3A : memref<!tpu.dma_semaphore, #tpu.memory_space<semaphore_mem>>) src(%arg6 : memref<128x128xf32, #tpu.memory_space<vmem>>) dst(%dma_wait3A_42 : memref<128x128xf32, #tpu.memory_space<vmem_shared>>)
        tpu.yield
      }) : () -> ()
    }
    %scan3A_10 = arith.constant 4 : i32
    %mul3A_11 = arith.constant 632 : i32
    %mul3A_12 = arith.muli %arg1, %mul3A_11 : i32
    %add3A_13 = arith.constant 512 : i32
    %add3A_14 = arith.addi %mul3A_12, %add3A_13 : i32
    "tpu.region"() ({
      %run_scoped3A = tpu.sem_alloc : memref<!tpu.dma_semaphore, #tpu.memory_space<semaphore_mem>>
      %dma_start3A = arith.constant 0 : i32
      %dma_start3A_27 = arith.constant 0 : i32
      %dma_start3A_28 = tpu.memref_slice %arg6[%dma_start3A, %dma_start3A_27] : memref<128x128xf32, #tpu.memory_space<vmem>> -> memref<120x128xf32, #tpu.memory_space<vmem>>
      %dma_start3A_29 = arith.constant 0 : i32
      %dma_start3A_30 = tpu.memref_slice %arg8[%add3A_14, %dma_start3A_29] : memref<10112x128xf32, #tpu.memory_space<vmem_shared>> -> memref<120x128xf32, #tpu.memory_space<vmem_shared>>
      %dma_start3A_31 = arith.constant 0 : i32
      %dma_start3A_32 = tpu.memref_slice %arg8[%add3A_14, %dma_start3A_31] : memref<10112x128xf32, #tpu.memory_space<vmem_shared>> -> memref<120x128xf32, #tpu.memory_space<vmem_shared>>
      %dma_start3A_33 = arith.constant 0 : i32
      %dma_start3A_34 = arith.constant 0 : i32
      %dma_start3A_35 = tpu.memref_slice %arg6[%dma_start3A_33, %dma_start3A_34] : memref<128x128xf32, #tpu.memory_space<vmem>> -> memref<120x128xf32, #tpu.memory_space<vmem>>
      tpu.enqueue_dma source(%dma_start3A_35 : memref<120x128xf32, #tpu.memory_space<vmem>>) target(%dma_start3A_32 : memref<120x128xf32, #tpu.memory_space<vmem_shared>>) target_semaphore(%run_scoped3A : memref<!tpu.dma_semaphore, #tpu.memory_space<semaphore_mem>>)
      %dma_wait3A = arith.constant 0 : i32
      %dma_wait3A_36 = arith.constant 0 : i32
      %dma_wait3A_37 = tpu.memref_slice %arg6[%dma_wait3A, %dma_wait3A_36] : memref<128x128xf32, #tpu.memory_space<vmem>> -> memref<120x128xf32, #tpu.memory_space<vmem>>
      %dma_wait3A_38 = arith.constant 0 : i32
      %dma_wait3A_39 = tpu.memref_slice %arg8[%add3A_14, %dma_wait3A_38] : memref<10112x128xf32, #tpu.memory_space<vmem_shared>> -> memref<120x128xf32, #tpu.memory_space<vmem_shared>>
      %dma_wait3A_40 = arith.constant 0 : i32
      %dma_wait3A_41 = tpu.memref_slice %arg8[%add3A_14, %dma_wait3A_40] : memref<10112x128xf32, #tpu.memory_space<vmem_shared>> -> memref<120x128xf32, #tpu.memory_space<vmem_shared>>
      %dma_wait3A_42 = arith.constant 0 : i32
      %dma_wait3A_43 = arith.constant 0 : i32
      %dma_wait3A_44 = tpu.memref_slice %arg6[%dma_wait3A_42, %dma_wait3A_43] : memref<128x128xf32, #tpu.memory_space<vmem>> -> memref<120x128xf32, #tpu.memory_space<vmem>>
      tpu.wait_dma2 semaphore(%run_scoped3A : memref<!tpu.dma_semaphore, #tpu.memory_space<semaphore_mem>>) src(%dma_wait3A_44 : memref<120x128xf32, #tpu.memory_space<vmem>>) dst(%dma_wait3A_41 : memref<120x128xf32, #tpu.memory_space<vmem_shared>>)
      tpu.yield
    }) : () -> ()
    %barrier3A = arith.constant 0 : index
    tpu.barrier barrier_id(%barrier3A)
    %scan3A_15 = arith.constant 0 : i32
    %scan3A_16 = arith.constant 10 : i32
    %scan3A_17 = arith.addi %scan3A_15, %scan3A_16 : i32
    %scan3A_18 = arith.constant 1 : i32
    scf.for %scan3A_27 = %scan3A_15 to %scan3A_17 step %scan3A_18  : i32 {
      %mul3A_28 = arith.constant 1 : i32
      %mul3A_29 = arith.muli %scan3A_27, %mul3A_28 : i32
      %add3A_30 = arith.constant 0 : i32
      %add3A_31 = arith.addi %add3A_30, %mul3A_29 : i32
      %mul3A_32 = arith.constant 16 : i32
      %mul3A_33 = arith.muli %add3A_31, %mul3A_32 : i32
      "tpu.region"() ({
        %run_scoped3A = tpu.sem_alloc : memref<!tpu.dma_semaphore, #tpu.memory_space<semaphore_mem>>
        %dma_start3A_256 = arith.constant 0 : i32
        %dma_start3A_257 = tpu.memref_slice %arg3[%add3A, %mul3A_33, %dma_start3A_256] : memref<32x160x128xi32, #tpu.memory_space<hbm>> -> memref<1x16x128xi32, #tpu.memory_space<hbm>>
        %dma_start3A_258 = tpu.memref_squeeze %dma_start3A_257 : memref<1x16x128xi32, #tpu.memory_space<hbm>> -> memref<16x128xi32, #tpu.memory_space<hbm>>
        %dma_start3A_259 = arith.constant 0 : i32
        %dma_start3A_260 = tpu.memref_slice %arg3[%add3A, %mul3A_33, %dma_start3A_259] : memref<32x160x128xi32, #tpu.memory_space<hbm>> -> memref<1x16x128xi32, #tpu.memory_space<hbm>>
        %dma_start3A_261 = tpu.memref_squeeze %dma_start3A_260 : memref<1x16x128xi32, #tpu.memory_space<hbm>> -> memref<16x128xi32, #tpu.memory_space<hbm>>
        tpu.enqueue_dma source(%dma_start3A_261 : memref<16x128xi32, #tpu.memory_space<hbm>>) target(%arg5 : memref<16x128xi32, #tpu.memory_space<vmem>>) target_semaphore(%run_scoped3A : memref<!tpu.dma_semaphore, #tpu.memory_space<semaphore_mem>>)
        %dma_wait3A_262 = arith.constant 0 : i32
        %dma_wait3A_263 = tpu.memref_slice %arg3[%add3A, %mul3A_33, %dma_wait3A_262] : memref<32x160x128xi32, #tpu.memory_space<hbm>> -> memref<1x16x128xi32, #tpu.memory_space<hbm>>
        %dma_wait3A_264 = tpu.memref_squeeze %dma_wait3A_263 : memref<1x16x128xi32, #tpu.memory_space<hbm>> -> memref<16x128xi32, #tpu.memory_space<hbm>>
        %dma_wait3A_265 = arith.constant 0 : i32
        %dma_wait3A_266 = tpu.memref_slice %arg3[%add3A, %mul3A_33, %dma_wait3A_265] : memref<32x160x128xi32, #tpu.memory_space<hbm>> -> memref<1x16x128xi32, #tpu.memory_space<hbm>>
        %dma_wait3A_267 = tpu.memref_squeeze %dma_wait3A_266 : memref<1x16x128xi32, #tpu.memory_space<hbm>> -> memref<16x128xi32, #tpu.memory_space<hbm>>
        tpu.wait_dma2 semaphore(%run_scoped3A : memref<!tpu.dma_semaphore, #tpu.memory_space<semaphore_mem>>) src(%dma_wait3A_267 : memref<16x128xi32, #tpu.memory_space<hbm>>) dst(%arg5 : memref<16x128xi32, #tpu.memory_space<vmem>>)
        tpu.yield
      }) : () -> ()
      %dma_start3A = arith.constant 0 : i32
      %dma_start3A_34 = arith.constant 0 : i32
      %dma_start3A_35 = tpu.memref_slice %arg5[%dma_start3A, %dma_start3A_34] : memref<16x128xi32, #tpu.memory_space<vmem>> -> memref<1x128xi32, #tpu.memory_space<vmem>>
      %dma_start3A_36 = tpu.memref_squeeze %dma_start3A_35 : memref<1x128xi32, #tpu.memory_space<vmem>> -> memref<128xi32, #tpu.memory_space<vmem>>
      %dma_start3A_37 = arith.constant 0 : i32
      %dma_start3A_38 = arith.constant 0 : i32
      %dma_start3A_39 = tpu.memref_slice %arg2[%dma_start3A_37, %dma_start3A_38] : memref<10000x128xf32, #tpu.memory_space<hbm>> -> memref<10000x128xf32, #tpu.memory_space<hbm>>
      tpu.enqueue_indirect_dma source(%dma_start3A_39 : memref<10000x128xf32, #tpu.memory_space<hbm>>) target(%arg6 : memref<128x128xf32, #tpu.memory_space<vmem>>) offsets(%dma_start3A_36 : memref<128xi32, #tpu.memory_space<vmem>>) semaphore(%arg9 : memref<!tpu.dma_semaphore, #tpu.memory_space<semaphore_mem>>)
      %dma_start3A_40 = arith.constant 2 : i32
      %dma_start3A_41 = arith.constant 0 : i32
      %dma_start3A_42 = tpu.memref_slice %arg5[%dma_start3A_40, %dma_start3A_41] : memref<16x128xi32, #tpu.memory_space<vmem>> -> memref<1x128xi32, #tpu.memory_space<vmem>>
      %dma_start3A_43 = tpu.memref_squeeze %dma_start3A_42 : memref<1x128xi32, #tpu.memory_space<vmem>> -> memref<128xi32, #tpu.memory_space<vmem>>
      %dma_start3A_44 = arith.constant 0 : i32
      %dma_start3A_45 = arith.constant 0 : i32
      %dma_start3A_46 = tpu.memref_slice %arg2[%dma_start3A_44, %dma_start3A_45] : memref<10000x128xf32, #tpu.memory_space<hbm>> -> memref<10000x128xf32, #tpu.memory_space<hbm>>
      tpu.enqueue_indirect_dma source(%dma_start3A_46 : memref<10000x128xf32, #tpu.memory_space<hbm>>) target(%arg7 : memref<128x128xf32, #tpu.memory_space<vmem>>) offsets(%dma_start3A_43 : memref<128xi32, #tpu.memory_space<vmem>>) semaphore(%arg10 : memref<!tpu.dma_semaphore, #tpu.memory_space<semaphore_mem>>)
      %dma_wait3A = arith.constant 0 : i32
      %dma_wait3A_47 = arith.constant 0 : i32
      %dma_wait3A_48 = tpu.memref_slice %arg5[%dma_wait3A, %dma_wait3A_47] : memref<16x128xi32, #tpu.memory_space<vmem>> -> memref<1x128xi32, #tpu.memory_space<vmem>>
      %dma_wait3A_49 = tpu.memref_squeeze %dma_wait3A_48 : memref<1x128xi32, #tpu.memory_space<vmem>> -> memref<128xi32, #tpu.memory_space<vmem>>
      %dma_wait3A_50 = arith.constant 0 : i32
      %dma_wait3A_51 = arith.constant 0 : i32
      %dma_wait3A_52 = tpu.memref_slice %arg2[%dma_wait3A_50, %dma_wait3A_51] : memref<10000x128xf32, #tpu.memory_space<hbm>> -> memref<10000x128xf32, #tpu.memory_space<hbm>>
      tpu.wait_indirect_dma semaphore(%arg9 : memref<!tpu.dma_semaphore, #tpu.memory_space<semaphore_mem>>) src(%dma_wait3A_52 : memref<10000x128xf32, #tpu.memory_space<hbm>>) dst(%arg6 : memref<128x128xf32, #tpu.memory_space<vmem>>)
      %dma_start3A_53 = arith.constant 1 : i32
      %dma_start3A_54 = arith.constant 0 : i32
      %dma_start3A_55 = tpu.memref_slice %arg5[%dma_start3A_53, %dma_start3A_54] : memref<16x128xi32, #tpu.memory_space<vmem>> -> memref<1x128xi32, #tpu.memory_space<vmem>>
      %dma_start3A_56 = tpu.memref_squeeze %dma_start3A_55 : memref<1x128xi32, #tpu.memory_space<vmem>> -> memref<128xi32, #tpu.memory_space<vmem>>
      %dma_start3A_57 = arith.constant 0 : i32
      %dma_start3A_58 = arith.constant 0 : i32
      %dma_start3A_59 = tpu.memref_slice %arg8[%dma_start3A_57, %dma_start3A_58] : memref<10112x128xf32, #tpu.memory_space<vmem_shared>> -> memref<10112x128xf32, #tpu.memory_space<vmem_shared>>
      tpu.enqueue_indirect_dma source(%arg6 : memref<128x128xf32, #tpu.memory_space<vmem>>) target(%dma_start3A_59 : memref<10112x128xf32, #tpu.memory_space<vmem_shared>>) offsets(%dma_start3A_56 : memref<128xi32, #tpu.memory_space<vmem>>) semaphore(%arg11 : memref<!tpu.dma_semaphore, #tpu.memory_space<semaphore_mem>>) {add = true}
      %dma_wait3A_60 = arith.constant 1 : i32
      %dma_wait3A_61 = arith.constant 0 : i32
      %dma_wait3A_62 = tpu.memref_slice %arg5[%dma_wait3A_60, %dma_wait3A_61] : memref<16x128xi32, #tpu.memory_space<vmem>> -> memref<1x128xi32, #tpu.memory_space<vmem>>
      %dma_wait3A_63 = tpu.memref_squeeze %dma_wait3A_62 : memref<1x128xi32, #tpu.memory_space<vmem>> -> memref<128xi32, #tpu.memory_space<vmem>>
      %dma_wait3A_64 = arith.constant 0 : i32
      %dma_wait3A_65 = arith.constant 0 : i32
      %dma_wait3A_66 = tpu.memref_slice %arg8[%dma_wait3A_64, %dma_wait3A_65] : memref<10112x128xf32, #tpu.memory_space<vmem_shared>> -> memref<10112x128xf32, #tpu.memory_space<vmem_shared>>
      tpu.wait_indirect_dma semaphore(%arg11 : memref<!tpu.dma_semaphore, #tpu.memory_space<semaphore_mem>>) src(%arg6 : memref<128x128xf32, #tpu.memory_space<vmem>>) dst(%dma_wait3A_66 : memref<10112x128xf32, #tpu.memory_space<vmem_shared>>)
      %dma_start3A_67 = arith.constant 4 : i32
      %dma_start3A_68 = arith.constant 0 : i32
      %dma_start3A_69 = tpu.memref_slice %arg5[%dma_start3A_67, %dma_start3A_68] : memref<16x128xi32, #tpu.memory_space<vmem>> -> memref<1x128xi32, #tpu.memory_space<vmem>>
      %dma_start3A_70 = tpu.memref_squeeze %dma_start3A_69 : memref<1x128xi32, #tpu.memory_space<vmem>> -> memref<128xi32, #tpu.memory_space<vmem>>
      %dma_start3A_71 = arith.constant 0 : i32
      %dma_start3A_72 = arith.constant 0 : i32
      %dma_start3A_73 = tpu.memref_slice %arg2[%dma_start3A_71, %dma_start3A_72] : memref<10000x128xf32, #tpu.memory_space<hbm>> -> memref<10000x128xf32, #tpu.memory_space<hbm>>
      tpu.enqueue_indirect_dma source(%dma_start3A_73 : memref<10000x128xf32, #tpu.memory_space<hbm>>) target(%arg6 : memref<128x128xf32, #tpu.memory_space<vmem>>) offsets(%dma_start3A_70 : memref<128xi32, #tpu.memory_space<vmem>>) semaphore(%arg9 : memref<!tpu.dma_semaphore, #tpu.memory_space<semaphore_mem>>)
      %dma_wait3A_74 = arith.constant 0 : i32
      %dma_wait3A_75 = arith.constant 0 : i32
      %dma_wait3A_76 = tpu.memref_slice %arg5[%dma_wait3A_74, %dma_wait3A_75] : memref<16x128xi32, #tpu.memory_space<vmem>> -> memref<1x128xi32, #tpu.memory_space<vmem>>
      %dma_wait3A_77 = tpu.memref_squeeze %dma_wait3A_76 : memref<1x128xi32, #tpu.memory_space<vmem>> -> memref<128xi32, #tpu.memory_space<vmem>>
      %dma_wait3A_78 = arith.constant 0 : i32
      %dma_wait3A_79 = arith.constant 0 : i32
      %dma_wait3A_80 = tpu.memref_slice %arg2[%dma_wait3A_78, %dma_wait3A_79] : memref<10000x128xf32, #tpu.memory_space<hbm>> -> memref<10000x128xf32, #tpu.memory_space<hbm>>
      tpu.wait_indirect_dma semaphore(%arg10 : memref<!tpu.dma_semaphore, #tpu.memory_space<semaphore_mem>>) src(%dma_wait3A_80 : memref<10000x128xf32, #tpu.memory_space<hbm>>) dst(%arg7 : memref<128x128xf32, #tpu.memory_space<vmem>>)
      %dma_start3A_81 = arith.constant 3 : i32
      %dma_start3A_82 = arith.constant 0 : i32
      %dma_start3A_83 = tpu.memref_slice %arg5[%dma_start3A_81, %dma_start3A_82] : memref<16x128xi32, #tpu.memory_space<vmem>> -> memref<1x128xi32, #tpu.memory_space<vmem>>
      %dma_start3A_84 = tpu.memref_squeeze %dma_start3A_83 : memref<1x128xi32, #tpu.memory_space<vmem>> -> memref<128xi32, #tpu.memory_space<vmem>>
      %dma_start3A_85 = arith.constant 0 : i32
      %dma_start3A_86 = arith.constant 0 : i32
      %dma_start3A_87 = tpu.memref_slice %arg8[%dma_start3A_85, %dma_start3A_86] : memref<10112x128xf32, #tpu.memory_space<vmem_shared>> -> memref<10112x128xf32, #tpu.memory_space<vmem_shared>>
      tpu.enqueue_indirect_dma source(%arg7 : memref<128x128xf32, #tpu.memory_space<vmem>>) target(%dma_start3A_87 : memref<10112x128xf32, #tpu.memory_space<vmem_shared>>) offsets(%dma_start3A_84 : memref<128xi32, #tpu.memory_space<vmem>>) semaphore(%arg12 : memref<!tpu.dma_semaphore, #tpu.memory_space<semaphore_mem>>) {add = true}
      %dma_wait3A_88 = arith.constant 1 : i32
      %dma_wait3A_89 = arith.constant 0 : i32
      %dma_wait3A_90 = tpu.memref_slice %arg5[%dma_wait3A_88, %dma_wait3A_89] : memref<16x128xi32, #tpu.memory_space<vmem>> -> memref<1x128xi32, #tpu.memory_space<vmem>>
      %dma_wait3A_91 = tpu.memref_squeeze %dma_wait3A_90 : memref<1x128xi32, #tpu.memory_space<vmem>> -> memref<128xi32, #tpu.memory_space<vmem>>
      %dma_wait3A_92 = arith.constant 0 : i32
      %dma_wait3A_93 = arith.constant 0 : i32
      %dma_wait3A_94 = tpu.memref_slice %arg8[%dma_wait3A_92, %dma_wait3A_93] : memref<10112x128xf32, #tpu.memory_space<vmem_shared>> -> memref<10112x128xf32, #tpu.memory_space<vmem_shared>>
      tpu.wait_indirect_dma semaphore(%arg12 : memref<!tpu.dma_semaphore, #tpu.memory_space<semaphore_mem>>) src(%arg7 : memref<128x128xf32, #tpu.memory_space<vmem>>) dst(%dma_wait3A_94 : memref<10112x128xf32, #tpu.memory_space<vmem_shared>>)
      %dma_start3A_95 = arith.constant 6 : i32
      %dma_start3A_96 = arith.constant 0 : i32
      %dma_start3A_97 = tpu.memref_slice %arg5[%dma_start3A_95, %dma_start3A_96] : memref<16x128xi32, #tpu.memory_space<vmem>> -> memref<1x128xi32, #tpu.memory_space<vmem>>
      %dma_start3A_98 = tpu.memref_squeeze %dma_start3A_97 : memref<1x128xi32, #tpu.memory_space<vmem>> -> memref<128xi32, #tpu.memory_space<vmem>>
      %dma_start3A_99 = arith.constant 0 : i32
      %dma_start3A_100 = arith.constant 0 : i32
      %dma_start3A_101 = tpu.memref_slice %arg2[%dma_start3A_99, %dma_start3A_100] : memref<10000x128xf32, #tpu.memory_space<hbm>> -> memref<10000x128xf32, #tpu.memory_space<hbm>>
      tpu.enqueue_indirect_dma source(%dma_start3A_101 : memref<10000x128xf32, #tpu.memory_space<hbm>>) target(%arg7 : memref<128x128xf32, #tpu.memory_space<vmem>>) offsets(%dma_start3A_98 : memref<128xi32, #tpu.memory_space<vmem>>) semaphore(%arg10 : memref<!tpu.dma_semaphore, #tpu.memory_space<semaphore_mem>>)
      %dma_wait3A_102 = arith.constant 0 : i32
      %dma_wait3A_103 = arith.constant 0 : i32
      %dma_wait3A_104 = tpu.memref_slice %arg5[%dma_wait3A_102, %dma_wait3A_103] : memref<16x128xi32, #tpu.memory_space<vmem>> -> memref<1x128xi32, #tpu.memory_space<vmem>>
      %dma_wait3A_105 = tpu.memref_squeeze %dma_wait3A_104 : memref<1x128xi32, #tpu.memory_space<vmem>> -> memref<128xi32, #tpu.memory_space<vmem>>
      %dma_wait3A_106 = arith.constant 0 : i32
      %dma_wait3A_107 = arith.constant 0 : i32
      %dma_wait3A_108 = tpu.memref_slice %arg2[%dma_wait3A_106, %dma_wait3A_107] : memref<10000x128xf32, #tpu.memory_space<hbm>> -> memref<10000x128xf32, #tpu.memory_space<hbm>>
      tpu.wait_indirect_dma semaphore(%arg9 : memref<!tpu.dma_semaphore, #tpu.memory_space<semaphore_mem>>) src(%dma_wait3A_108 : memref<10000x128xf32, #tpu.memory_space<hbm>>) dst(%arg6 : memref<128x128xf32, #tpu.memory_space<vmem>>)
      %dma_start3A_109 = arith.constant 5 : i32
      %dma_start3A_110 = arith.constant 0 : i32
      %dma_start3A_111 = tpu.memref_slice %arg5[%dma_start3A_109, %dma_start3A_110] : memref<16x128xi32, #tpu.memory_space<vmem>> -> memref<1x128xi32, #tpu.memory_space<vmem>>
      %dma_start3A_112 = tpu.memref_squeeze %dma_start3A_111 : memref<1x128xi32, #tpu.memory_space<vmem>> -> memref<128xi32, #tpu.memory_space<vmem>>
      %dma_start3A_113 = arith.constant 0 : i32
      %dma_start3A_114 = arith.constant 0 : i32
      %dma_start3A_115 = tpu.memref_slice %arg8[%dma_start3A_113, %dma_start3A_114] : memref<10112x128xf32, #tpu.memory_space<vmem_shared>> -> memref<10112x128xf32, #tpu.memory_space<vmem_shared>>
      tpu.enqueue_indirect_dma source(%arg6 : memref<128x128xf32, #tpu.memory_space<vmem>>) target(%dma_start3A_115 : memref<10112x128xf32, #tpu.memory_space<vmem_shared>>) offsets(%dma_start3A_112 : memref<128xi32, #tpu.memory_space<vmem>>) semaphore(%arg11 : memref<!tpu.dma_semaphore, #tpu.memory_space<semaphore_mem>>) {add = true}
      %dma_wait3A_116 = arith.constant 1 : i32
      %dma_wait3A_117 = arith.constant 0 : i32
      %dma_wait3A_118 = tpu.memref_slice %arg5[%dma_wait3A_116, %dma_wait3A_117] : memref<16x128xi32, #tpu.memory_space<vmem>> -> memref<1x128xi32, #tpu.memory_space<vmem>>
      %dma_wait3A_119 = tpu.memref_squeeze %dma_wait3A_118 : memref<1x128xi32, #tpu.memory_space<vmem>> -> memref<128xi32, #tpu.memory_space<vmem>>
      %dma_wait3A_120 = arith.constant 0 : i32
      %dma_wait3A_121 = arith.constant 0 : i32
      %dma_wait3A_122 = tpu.memref_slice %arg8[%dma_wait3A_120, %dma_wait3A_121] : memref<10112x128xf32, #tpu.memory_space<vmem_shared>> -> memref<10112x128xf32, #tpu.memory_space<vmem_shared>>
      tpu.wait_indirect_dma semaphore(%arg11 : memref<!tpu.dma_semaphore, #tpu.memory_space<semaphore_mem>>) src(%arg6 : memref<128x128xf32, #tpu.memory_space<vmem>>) dst(%dma_wait3A_122 : memref<10112x128xf32, #tpu.memory_space<vmem_shared>>)
      %dma_start3A_123 = arith.constant 8 : i32
      %dma_start3A_124 = arith.constant 0 : i32
      %dma_start3A_125 = tpu.memref_slice %arg5[%dma_start3A_123, %dma_start3A_124] : memref<16x128xi32, #tpu.memory_space<vmem>> -> memref<1x128xi32, #tpu.memory_space<vmem>>
      %dma_start3A_126 = tpu.memref_squeeze %dma_start3A_125 : memref<1x128xi32, #tpu.memory_space<vmem>> -> memref<128xi32, #tpu.memory_space<vmem>>
      %dma_start3A_127 = arith.constant 0 : i32
      %dma_start3A_128 = arith.constant 0 : i32
      %dma_start3A_129 = tpu.memref_slice %arg2[%dma_start3A_127, %dma_start3A_128] : memref<10000x128xf32, #tpu.memory_space<hbm>> -> memref<10000x128xf32, #tpu.memory_space<hbm>>
      tpu.enqueue_indirect_dma source(%dma_start3A_129 : memref<10000x128xf32, #tpu.memory_space<hbm>>) target(%arg6 : memref<128x128xf32, #tpu.memory_space<vmem>>) offsets(%dma_start3A_126 : memref<128xi32, #tpu.memory_space<vmem>>) semaphore(%arg9 : memref<!tpu.dma_semaphore, #tpu.memory_space<semaphore_mem>>)
      %dma_wait3A_130 = arith.constant 0 : i32
      %dma_wait3A_131 = arith.constant 0 : i32
      %dma_wait3A_132 = tpu.memref_slice %arg5[%dma_wait3A_130, %dma_wait3A_131] : memref<16x128xi32, #tpu.memory_space<vmem>> -> memref<1x128xi32, #tpu.memory_space<vmem>>
      %dma_wait3A_133 = tpu.memref_squeeze %dma_wait3A_132 : memref<1x128xi32, #tpu.memory_space<vmem>> -> memref<128xi32, #tpu.memory_space<vmem>>
      %dma_wait3A_134 = arith.constant 0 : i32
      %dma_wait3A_135 = arith.constant 0 : i32
      %dma_wait3A_136 = tpu.memref_slice %arg2[%dma_wait3A_134, %dma_wait3A_135] : memref<10000x128xf32, #tpu.memory_space<hbm>> -> memref<10000x128xf32, #tpu.memory_space<hbm>>
      tpu.wait_indirect_dma semaphore(%arg10 : memref<!tpu.dma_semaphore, #tpu.memory_space<semaphore_mem>>) src(%dma_wait3A_136 : memref<10000x128xf32, #tpu.memory_space<hbm>>) dst(%arg7 : memref<128x128xf32, #tpu.memory_space<vmem>>)
      %dma_start3A_137 = arith.constant 7 : i32
      %dma_start3A_138 = arith.constant 0 : i32
      %dma_start3A_139 = tpu.memref_slice %arg5[%dma_start3A_137, %dma_start3A_138] : memref<16x128xi32, #tpu.memory_space<vmem>> -> memref<1x128xi32, #tpu.memory_space<vmem>>
      %dma_start3A_140 = tpu.memref_squeeze %dma_start3A_139 : memref<1x128xi32, #tpu.memory_space<vmem>> -> memref<128xi32, #tpu.memory_space<vmem>>
      %dma_start3A_141 = arith.constant 0 : i32
      %dma_start3A_142 = arith.constant 0 : i32
      %dma_start3A_143 = tpu.memref_slice %arg8[%dma_start3A_141, %dma_start3A_142] : memref<10112x128xf32, #tpu.memory_space<vmem_shared>> -> memref<10112x128xf32, #tpu.memory_space<vmem_shared>>
      tpu.enqueue_indirect_dma source(%arg7 : memref<128x128xf32, #tpu.memory_space<vmem>>) target(%dma_start3A_143 : memref<10112x128xf32, #tpu.memory_space<vmem_shared>>) offsets(%dma_start3A_140 : memref<128xi32, #tpu.memory_space<vmem>>) semaphore(%arg12 : memref<!tpu.dma_semaphore, #tpu.memory_space<semaphore_mem>>) {add = true}
      %dma_wait3A_144 = arith.constant 1 : i32
      %dma_wait3A_145 = arith.constant 0 : i32
      %dma_wait3A_146 = tpu.memref_slice %arg5[%dma_wait3A_144, %dma_wait3A_145] : memref<16x128xi32, #tpu.memory_space<vmem>> -> memref<1x128xi32, #tpu.memory_space<vmem>>
      %dma_wait3A_147 = tpu.memref_squeeze %dma_wait3A_146 : memref<1x128xi32, #tpu.memory_space<vmem>> -> memref<128xi32, #tpu.memory_space<vmem>>
      %dma_wait3A_148 = arith.constant 0 : i32
      %dma_wait3A_149 = arith.constant 0 : i32
      %dma_wait3A_150 = tpu.memref_slice %arg8[%dma_wait3A_148, %dma_wait3A_149] : memref<10112x128xf32, #tpu.memory_space<vmem_shared>> -> memref<10112x128xf32, #tpu.memory_space<vmem_shared>>
      tpu.wait_indirect_dma semaphore(%arg12 : memref<!tpu.dma_semaphore, #tpu.memory_space<semaphore_mem>>) src(%arg7 : memref<128x128xf32, #tpu.memory_space<vmem>>) dst(%dma_wait3A_150 : memref<10112x128xf32, #tpu.memory_space<vmem_shared>>)
      %dma_start3A_151 = arith.constant 10 : i32
      %dma_start3A_152 = arith.constant 0 : i32
      %dma_start3A_153 = tpu.memref_slice %arg5[%dma_start3A_151, %dma_start3A_152] : memref<16x128xi32, #tpu.memory_space<vmem>> -> memref<1x128xi32, #tpu.memory_space<vmem>>
      %dma_start3A_154 = tpu.memref_squeeze %dma_start3A_153 : memref<1x128xi32, #tpu.memory_space<vmem>> -> memref<128xi32, #tpu.memory_space<vmem>>
      %dma_start3A_155 = arith.constant 0 : i32
      %dma_start3A_156 = arith.constant 0 : i32
      %dma_start3A_157 = tpu.memref_slice %arg2[%dma_start3A_155, %dma_start3A_156] : memref<10000x128xf32, #tpu.memory_space<hbm>> -> memref<10000x128xf32, #tpu.memory_space<hbm>>
      tpu.enqueue_indirect_dma source(%dma_start3A_157 : memref<10000x128xf32, #tpu.memory_space<hbm>>) target(%arg7 : memref<128x128xf32, #tpu.memory_space<vmem>>) offsets(%dma_start3A_154 : memref<128xi32, #tpu.memory_space<vmem>>) semaphore(%arg10 : memref<!tpu.dma_semaphore, #tpu.memory_space<semaphore_mem>>)
      %dma_wait3A_158 = arith.constant 0 : i32
      %dma_wait3A_159 = arith.constant 0 : i32
      %dma_wait3A_160 = tpu.memref_slice %arg5[%dma_wait3A_158, %dma_wait3A_159] : memref<16x128xi32, #tpu.memory_space<vmem>> -> memref<1x128xi32, #tpu.memory_space<vmem>>
      %dma_wait3A_161 = tpu.memref_squeeze %dma_wait3A_160 : memref<1x128xi32, #tpu.memory_space<vmem>> -> memref<128xi32, #tpu.memory_space<vmem>>
      %dma_wait3A_162 = arith.constant 0 : i32
      %dma_wait3A_163 = arith.constant 0 : i32
      %dma_wait3A_164 = tpu.memref_slice %arg2[%dma_wait3A_162, %dma_wait3A_163] : memref<10000x128xf32, #tpu.memory_space<hbm>> -> memref<10000x128xf32, #tpu.memory_space<hbm>>
      tpu.wait_indirect_dma semaphore(%arg9 : memref<!tpu.dma_semaphore, #tpu.memory_space<semaphore_mem>>) src(%dma_wait3A_164 : memref<10000x128xf32, #tpu.memory_space<hbm>>) dst(%arg6 : memref<128x128xf32, #tpu.memory_space<vmem>>)
      %dma_start3A_165 = arith.constant 9 : i32
      %dma_start3A_166 = arith.constant 0 : i32
      %dma_start3A_167 = tpu.memref_slice %arg5[%dma_start3A_165, %dma_start3A_166] : memref<16x128xi32, #tpu.memory_space<vmem>> -> memref<1x128xi32, #tpu.memory_space<vmem>>
      %dma_start3A_168 = tpu.memref_squeeze %dma_start3A_167 : memref<1x128xi32, #tpu.memory_space<vmem>> -> memref<128xi32, #tpu.memory_space<vmem>>
      %dma_start3A_169 = arith.constant 0 : i32
      %dma_start3A_170 = arith.constant 0 : i32
      %dma_start3A_171 = tpu.memref_slice %arg8[%dma_start3A_169, %dma_start3A_170] : memref<10112x128xf32, #tpu.memory_space<vmem_shared>> -> memref<10112x128xf32, #tpu.memory_space<vmem_shared>>
      tpu.enqueue_indirect_dma source(%arg6 : memref<128x128xf32, #tpu.memory_space<vmem>>) target(%dma_start3A_171 : memref<10112x128xf32, #tpu.memory_space<vmem_shared>>) offsets(%dma_start3A_168 : memref<128xi32, #tpu.memory_space<vmem>>) semaphore(%arg11 : memref<!tpu.dma_semaphore, #tpu.memory_space<semaphore_mem>>) {add = true}
      %dma_wait3A_172 = arith.constant 1 : i32
      %dma_wait3A_173 = arith.constant 0 : i32
      %dma_wait3A_174 = tpu.memref_slice %arg5[%dma_wait3A_172, %dma_wait3A_173] : memref<16x128xi32, #tpu.memory_space<vmem>> -> memref<1x128xi32, #tpu.memory_space<vmem>>
      %dma_wait3A_175 = tpu.memref_squeeze %dma_wait3A_174 : memref<1x128xi32, #tpu.memory_space<vmem>> -> memref<128xi32, #tpu.memory_space<vmem>>
      %dma_wait3A_176 = arith.constant 0 : i32
      %dma_wait3A_177 = arith.constant 0 : i32
      %dma_wait3A_178 = tpu.memref_slice %arg8[%dma_wait3A_176, %dma_wait3A_177] : memref<10112x128xf32, #tpu.memory_space<vmem_shared>> -> memref<10112x128xf32, #tpu.memory_space<vmem_shared>>
      tpu.wait_indirect_dma semaphore(%arg11 : memref<!tpu.dma_semaphore, #tpu.memory_space<semaphore_mem>>) src(%arg6 : memref<128x128xf32, #tpu.memory_space<vmem>>) dst(%dma_wait3A_178 : memref<10112x128xf32, #tpu.memory_space<vmem_shared>>)
      %dma_start3A_179 = arith.constant 12 : i32
      %dma_start3A_180 = arith.constant 0 : i32
      %dma_start3A_181 = tpu.memref_slice %arg5[%dma_start3A_179, %dma_start3A_180] : memref<16x128xi32, #tpu.memory_space<vmem>> -> memref<1x128xi32, #tpu.memory_space<vmem>>
      %dma_start3A_182 = tpu.memref_squeeze %dma_start3A_181 : memref<1x128xi32, #tpu.memory_space<vmem>> -> memref<128xi32, #tpu.memory_space<vmem>>
      %dma_start3A_183 = arith.constant 0 : i32
      %dma_start3A_184 = arith.constant 0 : i32
      %dma_start3A_185 = tpu.memref_slice %arg2[%dma_start3A_183, %dma_start3A_184] : memref<10000x128xf32, #tpu.memory_space<hbm>> -> memref<10000x128xf32, #tpu.memory_space<hbm>>
      tpu.enqueue_indirect_dma source(%dma_start3A_185 : memref<10000x128xf32, #tpu.memory_space<hbm>>) target(%arg6 : memref<128x128xf32, #tpu.memory_space<vmem>>) offsets(%dma_start3A_182 : memref<128xi32, #tpu.memory_space<vmem>>) semaphore(%arg9 : memref<!tpu.dma_semaphore, #tpu.memory_space<semaphore_mem>>)
      %dma_wait3A_186 = arith.constant 0 : i32
      %dma_wait3A_187 = arith.constant 0 : i32
      %dma_wait3A_188 = tpu.memref_slice %arg5[%dma_wait3A_186, %dma_wait3A_187] : memref<16x128xi32, #tpu.memory_space<vmem>> -> memref<1x128xi32, #tpu.memory_space<vmem>>
      %dma_wait3A_189 = tpu.memref_squeeze %dma_wait3A_188 : memref<1x128xi32, #tpu.memory_space<vmem>> -> memref<128xi32, #tpu.memory_space<vmem>>
      %dma_wait3A_190 = arith.constant 0 : i32
      %dma_wait3A_191 = arith.constant 0 : i32
      %dma_wait3A_192 = tpu.memref_slice %arg2[%dma_wait3A_190, %dma_wait3A_191] : memref<10000x128xf32, #tpu.memory_space<hbm>> -> memref<10000x128xf32, #tpu.memory_space<hbm>>
      tpu.wait_indirect_dma semaphore(%arg10 : memref<!tpu.dma_semaphore, #tpu.memory_space<semaphore_mem>>) src(%dma_wait3A_192 : memref<10000x128xf32, #tpu.memory_space<hbm>>) dst(%arg7 : memref<128x128xf32, #tpu.memory_space<vmem>>)
      %dma_start3A_193 = arith.constant 11 : i32
      %dma_start3A_194 = arith.constant 0 : i32
      %dma_start3A_195 = tpu.memref_slice %arg5[%dma_start3A_193, %dma_start3A_194] : memref<16x128xi32, #tpu.memory_space<vmem>> -> memref<1x128xi32, #tpu.memory_space<vmem>>
      %dma_start3A_196 = tpu.memref_squeeze %dma_start3A_195 : memref<1x128xi32, #tpu.memory_space<vmem>> -> memref<128xi32, #tpu.memory_space<vmem>>
      %dma_start3A_197 = arith.constant 0 : i32
      %dma_start3A_198 = arith.constant 0 : i32
      %dma_start3A_199 = tpu.memref_slice %arg8[%dma_start3A_197, %dma_start3A_198] : memref<10112x128xf32, #tpu.memory_space<vmem_shared>> -> memref<10112x128xf32, #tpu.memory_space<vmem_shared>>
      tpu.enqueue_indirect_dma source(%arg7 : memref<128x128xf32, #tpu.memory_space<vmem>>) target(%dma_start3A_199 : memref<10112x128xf32, #tpu.memory_space<vmem_shared>>) offsets(%dma_start3A_196 : memref<128xi32, #tpu.memory_space<vmem>>) semaphore(%arg12 : memref<!tpu.dma_semaphore, #tpu.memory_space<semaphore_mem>>) {add = true}
      %dma_wait3A_200 = arith.constant 1 : i32
      %dma_wait3A_201 = arith.constant 0 : i32
      %dma_wait3A_202 = tpu.memref_slice %arg5[%dma_wait3A_200, %dma_wait3A_201] : memref<16x128xi32, #tpu.memory_space<vmem>> -> memref<1x128xi32, #tpu.memory_space<vmem>>
      %dma_wait3A_203 = tpu.memref_squeeze %dma_wait3A_202 : memref<1x128xi32, #tpu.memory_space<vmem>> -> memref<128xi32, #tpu.memory_space<vmem>>
      %dma_wait3A_204 = arith.constant 0 : i32
      %dma_wait3A_205 = arith.constant 0 : i32
      %dma_wait3A_206 = tpu.memref_slice %arg8[%dma_wait3A_204, %dma_wait3A_205] : memref<10112x128xf32, #tpu.memory_space<vmem_shared>> -> memref<10112x128xf32, #tpu.memory_space<vmem_shared>>
      tpu.wait_indirect_dma semaphore(%arg12 : memref<!tpu.dma_semaphore, #tpu.memory_space<semaphore_mem>>) src(%arg7 : memref<128x128xf32, #tpu.memory_space<vmem>>) dst(%dma_wait3A_206 : memref<10112x128xf32, #tpu.memory_space<vmem_shared>>)
      %dma_start3A_207 = arith.constant 14 : i32
      %dma_start3A_208 = arith.constant 0 : i32
      %dma_start3A_209 = tpu.memref_slice %arg5[%dma_start3A_207, %dma_start3A_208] : memref<16x128xi32, #tpu.memory_space<vmem>> -> memref<1x128xi32, #tpu.memory_space<vmem>>
      %dma_start3A_210 = tpu.memref_squeeze %dma_start3A_209 : memref<1x128xi32, #tpu.memory_space<vmem>> -> memref<128xi32, #tpu.memory_space<vmem>>
      %dma_start3A_211 = arith.constant 0 : i32
      %dma_start3A_212 = arith.constant 0 : i32
      %dma_start3A_213 = tpu.memref_slice %arg2[%dma_start3A_211, %dma_start3A_212] : memref<10000x128xf32, #tpu.memory_space<hbm>> -> memref<10000x128xf32, #tpu.memory_space<hbm>>
      tpu.enqueue_indirect_dma source(%dma_start3A_213 : memref<10000x128xf32, #tpu.memory_space<hbm>>) target(%arg7 : memref<128x128xf32, #tpu.memory_space<vmem>>) offsets(%dma_start3A_210 : memref<128xi32, #tpu.memory_space<vmem>>) semaphore(%arg10 : memref<!tpu.dma_semaphore, #tpu.memory_space<semaphore_mem>>)
      %dma_wait3A_214 = arith.constant 0 : i32
      %dma_wait3A_215 = arith.constant 0 : i32
      %dma_wait3A_216 = tpu.memref_slice %arg5[%dma_wait3A_214, %dma_wait3A_215] : memref<16x128xi32, #tpu.memory_space<vmem>> -> memref<1x128xi32, #tpu.memory_space<vmem>>
      %dma_wait3A_217 = tpu.memref_squeeze %dma_wait3A_216 : memref<1x128xi32, #tpu.memory_space<vmem>> -> memref<128xi32, #tpu.memory_space<vmem>>
      %dma_wait3A_218 = arith.constant 0 : i32
      %dma_wait3A_219 = arith.constant 0 : i32
      %dma_wait3A_220 = tpu.memref_slice %arg2[%dma_wait3A_218, %dma_wait3A_219] : memref<10000x128xf32, #tpu.memory_space<hbm>> -> memref<10000x128xf32, #tpu.memory_space<hbm>>
      tpu.wait_indirect_dma semaphore(%arg9 : memref<!tpu.dma_semaphore, #tpu.memory_space<semaphore_mem>>) src(%dma_wait3A_220 : memref<10000x128xf32, #tpu.memory_space<hbm>>) dst(%arg6 : memref<128x128xf32, #tpu.memory_space<vmem>>)
      %dma_start3A_221 = arith.constant 13 : i32
      %dma_start3A_222 = arith.constant 0 : i32
      %dma_start3A_223 = tpu.memref_slice %arg5[%dma_start3A_221, %dma_start3A_222] : memref<16x128xi32, #tpu.memory_space<vmem>> -> memref<1x128xi32, #tpu.memory_space<vmem>>
      %dma_start3A_224 = tpu.memref_squeeze %dma_start3A_223 : memref<1x128xi32, #tpu.memory_space<vmem>> -> memref<128xi32, #tpu.memory_space<vmem>>
      %dma_start3A_225 = arith.constant 0 : i32
      %dma_start3A_226 = arith.constant 0 : i32
      %dma_start3A_227 = tpu.memref_slice %arg8[%dma_start3A_225, %dma_start3A_226] : memref<10112x128xf32, #tpu.memory_space<vmem_shared>> -> memref<10112x128xf32, #tpu.memory_space<vmem_shared>>
      tpu.enqueue_indirect_dma source(%arg6 : memref<128x128xf32, #tpu.memory_space<vmem>>) target(%dma_start3A_227 : memref<10112x128xf32, #tpu.memory_space<vmem_shared>>) offsets(%dma_start3A_224 : memref<128xi32, #tpu.memory_space<vmem>>) semaphore(%arg11 : memref<!tpu.dma_semaphore, #tpu.memory_space<semaphore_mem>>) {add = true}
      %dma_wait3A_228 = arith.constant 0 : i32
      %dma_wait3A_229 = arith.constant 0 : i32
      %dma_wait3A_230 = tpu.memref_slice %arg5[%dma_wait3A_228, %dma_wait3A_229] : memref<16x128xi32, #tpu.memory_space<vmem>> -> memref<1x128xi32, #tpu.memory_space<vmem>>
      %dma_wait3A_231 = tpu.memref_squeeze %dma_wait3A_230 : memref<1x128xi32, #tpu.memory_space<vmem>> -> memref<128xi32, #tpu.memory_space<vmem>>
      %dma_wait3A_232 = arith.constant 0 : i32
      %dma_wait3A_233 = arith.constant 0 : i32
      %dma_wait3A_234 = tpu.memref_slice %arg2[%dma_wait3A_232, %dma_wait3A_233] : memref<10000x128xf32, #tpu.memory_space<hbm>> -> memref<10000x128xf32, #tpu.memory_space<hbm>>
      tpu.wait_indirect_dma semaphore(%arg10 : memref<!tpu.dma_semaphore, #tpu.memory_space<semaphore_mem>>) src(%dma_wait3A_234 : memref<10000x128xf32, #tpu.memory_space<hbm>>) dst(%arg7 : memref<128x128xf32, #tpu.memory_space<vmem>>)
      %dma_start3A_235 = arith.constant 15 : i32
      %dma_start3A_236 = arith.constant 0 : i32
      %dma_start3A_237 = tpu.memref_slice %arg5[%dma_start3A_235, %dma_start3A_236] : memref<16x128xi32, #tpu.memory_space<vmem>> -> memref<1x128xi32, #tpu.memory_space<vmem>>
      %dma_start3A_238 = tpu.memref_squeeze %dma_start3A_237 : memref<1x128xi32, #tpu.memory_space<vmem>> -> memref<128xi32, #tpu.memory_space<vmem>>
      %dma_start3A_239 = arith.constant 0 : i32
      %dma_start3A_240 = arith.constant 0 : i32
      %dma_start3A_241 = tpu.memref_slice %arg8[%dma_start3A_239, %dma_start3A_240] : memref<10112x128xf32, #tpu.memory_space<vmem_shared>> -> memref<10112x128xf32, #tpu.memory_space<vmem_shared>>
      tpu.enqueue_indirect_dma source(%arg7 : memref<128x128xf32, #tpu.memory_space<vmem>>) target(%dma_start3A_241 : memref<10112x128xf32, #tpu.memory_space<vmem_shared>>) offsets(%dma_start3A_238 : memref<128xi32, #tpu.memory_space<vmem>>) semaphore(%arg12 : memref<!tpu.dma_semaphore, #tpu.memory_space<semaphore_mem>>) {add = true}
      %dma_wait3A_242 = arith.constant 1 : i32
      %dma_wait3A_243 = arith.constant 0 : i32
      %dma_wait3A_244 = tpu.memref_slice %arg5[%dma_wait3A_242, %dma_wait3A_243] : memref<16x128xi32, #tpu.memory_space<vmem>> -> memref<1x128xi32, #tpu.memory_space<vmem>>
      %dma_wait3A_245 = tpu.memref_squeeze %dma_wait3A_244 : memref<1x128xi32, #tpu.memory_space<vmem>> -> memref<128xi32, #tpu.memory_space<vmem>>
      %dma_wait3A_246 = arith.constant 0 : i32
      %dma_wait3A_247 = arith.constant 0 : i32
      %dma_wait3A_248 = tpu.memref_slice %arg8[%dma_wait3A_246, %dma_wait3A_247] : memref<10112x128xf32, #tpu.memory_space<vmem_shared>> -> memref<10112x128xf32, #tpu.memory_space<vmem_shared>>
      tpu.wait_indirect_dma semaphore(%arg11 : memref<!tpu.dma_semaphore, #tpu.memory_space<semaphore_mem>>) src(%arg6 : memref<128x128xf32, #tpu.memory_space<vmem>>) dst(%dma_wait3A_248 : memref<10112x128xf32, #tpu.memory_space<vmem_shared>>)
      %dma_wait3A_249 = arith.constant 1 : i32
      %dma_wait3A_250 = arith.constant 0 : i32
      %dma_wait3A_251 = tpu.memref_slice %arg5[%dma_wait3A_249, %dma_wait3A_250] : memref<16x128xi32, #tpu.memory_space<vmem>> -> memref<1x128xi32, #tpu.memory_space<vmem>>
      %dma_wait3A_252 = tpu.memref_squeeze %dma_wait3A_251 : memref<1x128xi32, #tpu.memory_space<vmem>> -> memref<128xi32, #tpu.memory_space<vmem>>
      %dma_wait3A_253 = arith.constant 0 : i32
      %dma_wait3A_254 = arith.constant 0 : i32
      %dma_wait3A_255 = tpu.memref_slice %arg8[%dma_wait3A_253, %dma_wait3A_254] : memref<10112x128xf32, #tpu.memory_space<vmem_shared>> -> memref<10112x128xf32, #tpu.memory_space<vmem_shared>>
      tpu.wait_indirect_dma semaphore(%arg12 : memref<!tpu.dma_semaphore, #tpu.memory_space<semaphore_mem>>) src(%arg7 : memref<128x128xf32, #tpu.memory_space<vmem>>) dst(%dma_wait3A_255 : memref<10112x128xf32, #tpu.memory_space<vmem_shared>>)
    }
    %scan3A_19 = arith.constant 10 : i32
    %barrier3A_20 = arith.constant 0 : index
    tpu.barrier barrier_id(%barrier3A_20)
    %lt3A = arith.constant 15 : i32
    %lt3A_21 = arith.cmpi slt, %arg1, %lt3A : i32
    %convert_element_type3A = arith.extui %lt3A_21 : i1 to i32
    %cond3A = arith.constant 0 : i32
    %cond3A_22 = arith.cmpi ne, %convert_element_type3A, %cond3A : i32
    scf.if %cond3A_22 {
      %mul3A_27 = arith.constant 632 : i32
      %mul3A_28 = arith.muli %arg1, %mul3A_27 : i32
      %mul3A_29 = arith.constant 10000 : i32
      %mul3A_30 = arith.muli %arg0, %mul3A_29 : i32
      %mul3A_31 = arith.constant 632 : i32
      %mul3A_32 = arith.muli %arg1, %mul3A_31 : i32
      %add3A_33 = arith.addi %mul3A_30, %mul3A_32 : i32
      "tpu.region"() ({
        %run_scoped3A = tpu.sem_alloc : memref<!tpu.dma_semaphore, #tpu.memory_space<semaphore_mem>>
        %dma_start3A = arith.constant 0 : i32
        %dma_start3A_34 = tpu.memref_slice %arg4[%add3A_33, %dma_start3A] : memref<20000x128xf32, #tpu.memory_space<hbm>> -> memref<632x128xf32, #tpu.memory_space<hbm>>
        %dma_start3A_35 = arith.constant 0 : i32
        %dma_start3A_36 = tpu.memref_slice %arg8[%mul3A_28, %dma_start3A_35] : memref<10112x128xf32, #tpu.memory_space<vmem_shared>> -> memref<632x128xf32, #tpu.memory_space<vmem_shared>>
        tpu.enqueue_dma source(%dma_start3A_36 : memref<632x128xf32, #tpu.memory_space<vmem_shared>>) target(%dma_start3A_34 : memref<632x128xf32, #tpu.memory_space<hbm>>) target_semaphore(%run_scoped3A : memref<!tpu.dma_semaphore, #tpu.memory_space<semaphore_mem>>)
        %dma_wait3A = arith.constant 0 : i32
        %dma_wait3A_37 = tpu.memref_slice %arg4[%add3A_33, %dma_wait3A] : memref<20000x128xf32, #tpu.memory_space<hbm>> -> memref<632x128xf32, #tpu.memory_space<hbm>>
        %dma_wait3A_38 = arith.constant 0 : i32
        %dma_wait3A_39 = tpu.memref_slice %arg8[%mul3A_28, %dma_wait3A_38] : memref<10112x128xf32, #tpu.memory_space<vmem_shared>> -> memref<632x128xf32, #tpu.memory_space<vmem_shared>>
        tpu.wait_dma2 semaphore(%run_scoped3A : memref<!tpu.dma_semaphore, #tpu.memory_space<semaphore_mem>>) src(%dma_wait3A_39 : memref<632x128xf32, #tpu.memory_space<vmem_shared>>) dst(%dma_wait3A_37 : memref<632x128xf32, #tpu.memory_space<hbm>>)
        tpu.yield
      }) : () -> ()
    } else {
    }
    %eq3A = arith.constant 15 : i32
    %eq3A_23 = arith.cmpi eq, %arg1, %eq3A : i32
    %convert_element_type3A_24 = arith.extui %eq3A_23 : i1 to i32
    %cond3A_25 = arith.constant 0 : i32
    %cond3A_26 = arith.cmpi ne, %convert_element_type3A_24, %cond3A_25 : i32
    scf.if %cond3A_26 {
      %mul3A_27 = arith.constant 10000 : i32
      %mul3A_28 = arith.muli %arg0, %mul3A_27 : i32
      %add3A_29 = arith.constant 9480 : i32
      %add3A_30 = arith.addi %mul3A_28, %add3A_29 : i32
      "tpu.region"() ({
        %run_scoped3A = tpu.sem_alloc : memref<!tpu.dma_semaphore, #tpu.memory_space<semaphore_mem>>
        %dma_start3A = arith.constant 0 : i32
        %dma_start3A_31 = tpu.memref_slice %arg4[%add3A_30, %dma_start3A] : memref<20000x128xf32, #tpu.memory_space<hbm>> -> memref<520x128xf32, #tpu.memory_space<hbm>>
        %dma_start3A_32 = arith.constant 9480 : i32
        %dma_start3A_33 = arith.constant 0 : i32
        %dma_start3A_34 = tpu.memref_slice %arg8[%dma_start3A_32, %dma_start3A_33] : memref<10112x128xf32, #tpu.memory_space<vmem_shared>> -> memref<520x128xf32, #tpu.memory_space<vmem_shared>>
        tpu.enqueue_dma source(%dma_start3A_34 : memref<520x128xf32, #tpu.memory_space<vmem_shared>>) target(%dma_start3A_31 : memref<520x128xf32, #tpu.memory_space<hbm>>) target_semaphore(%run_scoped3A : memref<!tpu.dma_semaphore, #tpu.memory_space<semaphore_mem>>)
        %dma_wait3A = arith.constant 0 : i32
        %dma_wait3A_35 = tpu.memref_slice %arg4[%add3A_30, %dma_wait3A] : memref<20000x128xf32, #tpu.memory_space<hbm>> -> memref<520x128xf32, #tpu.memory_space<hbm>>
        %dma_wait3A_36 = arith.constant 9480 : i32
        %dma_wait3A_37 = arith.constant 0 : i32
        %dma_wait3A_38 = tpu.memref_slice %arg8[%dma_wait3A_36, %dma_wait3A_37] : memref<10112x128xf32, #tpu.memory_space<vmem_shared>> -> memref<520x128xf32, #tpu.memory_space<vmem_shared>>
        tpu.wait_dma2 semaphore(%run_scoped3A : memref<!tpu.dma_semaphore, #tpu.memory_space<semaphore_mem>>) src(%dma_wait3A_38 : memref<520x128xf32, #tpu.memory_space<vmem_shared>>) dst(%dma_wait3A_35 : memref<520x128xf32, #tpu.memory_space<hbm>>)
        tpu.yield
      }) : () -> ()
    } else {
    }
    return
  }
}

#map = affine_map<(d0, d1) -> (0, 0, 0)>
#map1 = affine_map<(d0, d1) -> (0, 0)>
module attributes {stable_mosaic.version = 14 : i64} {
  func.func @_sc_cnt_body(%arg0: i32, %arg1: i32, %arg2: memref<32x80x128xi32, #tpu.memory_space<hbm>>, %arg3: memref<10112x128xf32, #tpu.memory_space<hbm>>, %arg4: memref<128x128xf32, #tpu.memory_space<hbm>>, %arg5: memref<20000x128xf32, #tpu.memory_space<hbm>>, %arg6: memref<8x128xi32, #tpu.memory_space<vmem>>, %arg7: memref<128x128xf32, #tpu.memory_space<vmem>>, %arg8: memref<10112x128xf32, #tpu.memory_space<vmem_shared>>, %arg9: memref<!tpu.dma_semaphore, #tpu.memory_space<semaphore_mem>>) attributes {dimension_semantics = [#tpu.dimension_semantics<core_parallel>, #tpu.dimension_semantics<subcore_parallel>], iteration_bounds = array<i64: 2, 16>, scalar_prefetch = 0 : i64, scratch_operands = 4 : i64, tpu.core_type = #tpu.core_type<sc_vector_subcore>, window_params = [{transform_indices = #map}, {transform_indices = #map1}, {transform_indices = #map1}, {transform_indices = #map1}]} {
    %mul3A = arith.constant 16 : i32
    %mul3A_0 = arith.muli %arg0, %mul3A : i32
    %add3A = arith.addi %mul3A_0, %arg1 : i32
    %mul3A_1 = arith.constant 632 : i32
    %mul3A_2 = arith.muli %arg1, %mul3A_1 : i32
    %mul3A_3 = arith.constant 632 : i32
    %mul3A_4 = arith.muli %arg1, %mul3A_3 : i32
    "tpu.region"() ({
      %run_scoped3A = tpu.sem_alloc : memref<!tpu.dma_semaphore, #tpu.memory_space<semaphore_mem>>
      %dma_start3A = arith.constant 0 : i32
      %dma_start3A_16 = tpu.memref_slice %arg8[%mul3A_4, %dma_start3A] : memref<10112x128xf32, #tpu.memory_space<vmem_shared>> -> memref<632x128xf32, #tpu.memory_space<vmem_shared>>
      %dma_start3A_17 = arith.constant 0 : i32
      %dma_start3A_18 = tpu.memref_slice %arg3[%mul3A_2, %dma_start3A_17] : memref<10112x128xf32, #tpu.memory_space<hbm>> -> memref<632x128xf32, #tpu.memory_space<hbm>>
      tpu.enqueue_dma source(%dma_start3A_18 : memref<632x128xf32, #tpu.memory_space<hbm>>) target(%dma_start3A_16 : memref<632x128xf32, #tpu.memory_space<vmem_shared>>) target_semaphore(%run_scoped3A : memref<!tpu.dma_semaphore, #tpu.memory_space<semaphore_mem>>)
      %dma_wait3A = arith.constant 0 : i32
      %dma_wait3A_19 = tpu.memref_slice %arg8[%mul3A_4, %dma_wait3A] : memref<10112x128xf32, #tpu.memory_space<vmem_shared>> -> memref<632x128xf32, #tpu.memory_space<vmem_shared>>
      %dma_wait3A_20 = arith.constant 0 : i32
      %dma_wait3A_21 = tpu.memref_slice %arg3[%mul3A_2, %dma_wait3A_20] : memref<10112x128xf32, #tpu.memory_space<hbm>> -> memref<632x128xf32, #tpu.memory_space<hbm>>
      tpu.wait_dma2 semaphore(%run_scoped3A : memref<!tpu.dma_semaphore, #tpu.memory_space<semaphore_mem>>) src(%dma_wait3A_21 : memref<632x128xf32, #tpu.memory_space<hbm>>) dst(%dma_wait3A_19 : memref<632x128xf32, #tpu.memory_space<vmem_shared>>)
      tpu.yield
    }) : () -> ()
    "tpu.region"() ({
      %run_scoped3A = tpu.sem_alloc : memref<!tpu.dma_semaphore, #tpu.memory_space<semaphore_mem>>
      tpu.enqueue_dma source(%arg4 : memref<128x128xf32, #tpu.memory_space<hbm>>) target(%arg7 : memref<128x128xf32, #tpu.memory_space<vmem>>) target_semaphore(%run_scoped3A : memref<!tpu.dma_semaphore, #tpu.memory_space<semaphore_mem>>)
      tpu.wait_dma2 semaphore(%run_scoped3A : memref<!tpu.dma_semaphore, #tpu.memory_space<semaphore_mem>>) src(%arg4 : memref<128x128xf32, #tpu.memory_space<hbm>>) dst(%arg7 : memref<128x128xf32, #tpu.memory_space<vmem>>)
      tpu.yield
    }) : () -> ()
    %barrier3A = arith.constant 0 : index
    tpu.barrier barrier_id(%barrier3A)
    %scan3A = arith.constant 0 : i32
    %scan3A_5 = arith.constant 10 : i32
    %scan3A_6 = arith.addi %scan3A, %scan3A_5 : i32
    %scan3A_7 = arith.constant 1 : i32
    scf.for %scan3A_16 = %scan3A to %scan3A_6 step %scan3A_7  : i32 {
      %mul3A_17 = arith.constant 1 : i32
      %mul3A_18 = arith.muli %scan3A_16, %mul3A_17 : i32
      %add3A_19 = arith.constant 0 : i32
      %add3A_20 = arith.addi %add3A_19, %mul3A_18 : i32
      %mul3A_21 = arith.constant 8 : i32
      %mul3A_22 = arith.muli %add3A_20, %mul3A_21 : i32
      "tpu.region"() ({
        %run_scoped3A = tpu.sem_alloc : memref<!tpu.dma_semaphore, #tpu.memory_space<semaphore_mem>>
        %dma_start3A_133 = arith.constant 0 : i32
        %dma_start3A_134 = tpu.memref_slice %arg2[%add3A, %mul3A_22, %dma_start3A_133] : memref<32x80x128xi32, #tpu.memory_space<hbm>> -> memref<1x8x128xi32, #tpu.memory_space<hbm>>
        %dma_start3A_135 = tpu.memref_squeeze %dma_start3A_134 : memref<1x8x128xi32, #tpu.memory_space<hbm>> -> memref<8x128xi32, #tpu.memory_space<hbm>>
        %dma_start3A_136 = arith.constant 0 : i32
        %dma_start3A_137 = tpu.memref_slice %arg2[%add3A, %mul3A_22, %dma_start3A_136] : memref<32x80x128xi32, #tpu.memory_space<hbm>> -> memref<1x8x128xi32, #tpu.memory_space<hbm>>
        %dma_start3A_138 = tpu.memref_squeeze %dma_start3A_137 : memref<1x8x128xi32, #tpu.memory_space<hbm>> -> memref<8x128xi32, #tpu.memory_space<hbm>>
        tpu.enqueue_dma source(%dma_start3A_138 : memref<8x128xi32, #tpu.memory_space<hbm>>) target(%arg6 : memref<8x128xi32, #tpu.memory_space<vmem>>) target_semaphore(%run_scoped3A : memref<!tpu.dma_semaphore, #tpu.memory_space<semaphore_mem>>)
        %dma_wait3A_139 = arith.constant 0 : i32
        %dma_wait3A_140 = tpu.memref_slice %arg2[%add3A, %mul3A_22, %dma_wait3A_139] : memref<32x80x128xi32, #tpu.memory_space<hbm>> -> memref<1x8x128xi32, #tpu.memory_space<hbm>>
        %dma_wait3A_141 = tpu.memref_squeeze %dma_wait3A_140 : memref<1x8x128xi32, #tpu.memory_space<hbm>> -> memref<8x128xi32, #tpu.memory_space<hbm>>
        %dma_wait3A_142 = arith.constant 0 : i32
        %dma_wait3A_143 = tpu.memref_slice %arg2[%add3A, %mul3A_22, %dma_wait3A_142] : memref<32x80x128xi32, #tpu.memory_space<hbm>> -> memref<1x8x128xi32, #tpu.memory_space<hbm>>
        %dma_wait3A_144 = tpu.memref_squeeze %dma_wait3A_143 : memref<1x8x128xi32, #tpu.memory_space<hbm>> -> memref<8x128xi32, #tpu.memory_space<hbm>>
        tpu.wait_dma2 semaphore(%run_scoped3A : memref<!tpu.dma_semaphore, #tpu.memory_space<semaphore_mem>>) src(%dma_wait3A_144 : memref<8x128xi32, #tpu.memory_space<hbm>>) dst(%arg6 : memref<8x128xi32, #tpu.memory_space<vmem>>)
        tpu.yield
      }) : () -> ()
      %dma_start3A = arith.constant 0 : i32
      %dma_start3A_23 = arith.constant 0 : i32
      %dma_start3A_24 = tpu.memref_slice %arg6[%dma_start3A, %dma_start3A_23] : memref<8x128xi32, #tpu.memory_space<vmem>> -> memref<1x128xi32, #tpu.memory_space<vmem>>
      %dma_start3A_25 = tpu.memref_squeeze %dma_start3A_24 : memref<1x128xi32, #tpu.memory_space<vmem>> -> memref<128xi32, #tpu.memory_space<vmem>>
      %dma_start3A_26 = arith.constant 0 : i32
      %dma_start3A_27 = arith.constant 0 : i32
      %dma_start3A_28 = tpu.memref_slice %arg8[%dma_start3A_26, %dma_start3A_27] : memref<10112x128xf32, #tpu.memory_space<vmem_shared>> -> memref<10112x128xf32, #tpu.memory_space<vmem_shared>>
      tpu.enqueue_indirect_dma source(%arg7 : memref<128x128xf32, #tpu.memory_space<vmem>>) target(%dma_start3A_28 : memref<10112x128xf32, #tpu.memory_space<vmem_shared>>) offsets(%dma_start3A_25 : memref<128xi32, #tpu.memory_space<vmem>>) semaphore(%arg9 : memref<!tpu.dma_semaphore, #tpu.memory_space<semaphore_mem>>) {add = true}
      %dma_start3A_29 = arith.constant 1 : i32
      %dma_start3A_30 = arith.constant 0 : i32
      %dma_start3A_31 = tpu.memref_slice %arg6[%dma_start3A_29, %dma_start3A_30] : memref<8x128xi32, #tpu.memory_space<vmem>> -> memref<1x128xi32, #tpu.memory_space<vmem>>
      %dma_start3A_32 = tpu.memref_squeeze %dma_start3A_31 : memref<1x128xi32, #tpu.memory_space<vmem>> -> memref<128xi32, #tpu.memory_space<vmem>>
      %dma_start3A_33 = arith.constant 0 : i32
      %dma_start3A_34 = arith.constant 0 : i32
      %dma_start3A_35 = tpu.memref_slice %arg8[%dma_start3A_33, %dma_start3A_34] : memref<10112x128xf32, #tpu.memory_space<vmem_shared>> -> memref<10112x128xf32, #tpu.memory_space<vmem_shared>>
      tpu.enqueue_indirect_dma source(%arg7 : memref<128x128xf32, #tpu.memory_space<vmem>>) target(%dma_start3A_35 : memref<10112x128xf32, #tpu.memory_space<vmem_shared>>) offsets(%dma_start3A_32 : memref<128xi32, #tpu.memory_space<vmem>>) semaphore(%arg9 : memref<!tpu.dma_semaphore, #tpu.memory_space<semaphore_mem>>) {add = true}
      %dma_start3A_36 = arith.constant 2 : i32
      %dma_start3A_37 = arith.constant 0 : i32
      %dma_start3A_38 = tpu.memref_slice %arg6[%dma_start3A_36, %dma_start3A_37] : memref<8x128xi32, #tpu.memory_space<vmem>> -> memref<1x128xi32, #tpu.memory_space<vmem>>
      %dma_start3A_39 = tpu.memref_squeeze %dma_start3A_38 : memref<1x128xi32, #tpu.memory_space<vmem>> -> memref<128xi32, #tpu.memory_space<vmem>>
      %dma_start3A_40 = arith.constant 0 : i32
      %dma_start3A_41 = arith.constant 0 : i32
      %dma_start3A_42 = tpu.memref_slice %arg8[%dma_start3A_40, %dma_start3A_41] : memref<10112x128xf32, #tpu.memory_space<vmem_shared>> -> memref<10112x128xf32, #tpu.memory_space<vmem_shared>>
      tpu.enqueue_indirect_dma source(%arg7 : memref<128x128xf32, #tpu.memory_space<vmem>>) target(%dma_start3A_42 : memref<10112x128xf32, #tpu.memory_space<vmem_shared>>) offsets(%dma_start3A_39 : memref<128xi32, #tpu.memory_space<vmem>>) semaphore(%arg9 : memref<!tpu.dma_semaphore, #tpu.memory_space<semaphore_mem>>) {add = true}
      %dma_start3A_43 = arith.constant 3 : i32
      %dma_start3A_44 = arith.constant 0 : i32
      %dma_start3A_45 = tpu.memref_slice %arg6[%dma_start3A_43, %dma_start3A_44] : memref<8x128xi32, #tpu.memory_space<vmem>> -> memref<1x128xi32, #tpu.memory_space<vmem>>
      %dma_start3A_46 = tpu.memref_squeeze %dma_start3A_45 : memref<1x128xi32, #tpu.memory_space<vmem>> -> memref<128xi32, #tpu.memory_space<vmem>>
      %dma_start3A_47 = arith.constant 0 : i32
      %dma_start3A_48 = arith.constant 0 : i32
      %dma_start3A_49 = tpu.memref_slice %arg8[%dma_start3A_47, %dma_start3A_48] : memref<10112x128xf32, #tpu.memory_space<vmem_shared>> -> memref<10112x128xf32, #tpu.memory_space<vmem_shared>>
      tpu.enqueue_indirect_dma source(%arg7 : memref<128x128xf32, #tpu.memory_space<vmem>>) target(%dma_start3A_49 : memref<10112x128xf32, #tpu.memory_space<vmem_shared>>) offsets(%dma_start3A_46 : memref<128xi32, #tpu.memory_space<vmem>>) semaphore(%arg9 : memref<!tpu.dma_semaphore, #tpu.memory_space<semaphore_mem>>) {add = true}
      %dma_start3A_50 = arith.constant 4 : i32
      %dma_start3A_51 = arith.constant 0 : i32
      %dma_start3A_52 = tpu.memref_slice %arg6[%dma_start3A_50, %dma_start3A_51] : memref<8x128xi32, #tpu.memory_space<vmem>> -> memref<1x128xi32, #tpu.memory_space<vmem>>
      %dma_start3A_53 = tpu.memref_squeeze %dma_start3A_52 : memref<1x128xi32, #tpu.memory_space<vmem>> -> memref<128xi32, #tpu.memory_space<vmem>>
      %dma_start3A_54 = arith.constant 0 : i32
      %dma_start3A_55 = arith.constant 0 : i32
      %dma_start3A_56 = tpu.memref_slice %arg8[%dma_start3A_54, %dma_start3A_55] : memref<10112x128xf32, #tpu.memory_space<vmem_shared>> -> memref<10112x128xf32, #tpu.memory_space<vmem_shared>>
      tpu.enqueue_indirect_dma source(%arg7 : memref<128x128xf32, #tpu.memory_space<vmem>>) target(%dma_start3A_56 : memref<10112x128xf32, #tpu.memory_space<vmem_shared>>) offsets(%dma_start3A_53 : memref<128xi32, #tpu.memory_space<vmem>>) semaphore(%arg9 : memref<!tpu.dma_semaphore, #tpu.memory_space<semaphore_mem>>) {add = true}
      %dma_start3A_57 = arith.constant 5 : i32
      %dma_start3A_58 = arith.constant 0 : i32
      %dma_start3A_59 = tpu.memref_slice %arg6[%dma_start3A_57, %dma_start3A_58] : memref<8x128xi32, #tpu.memory_space<vmem>> -> memref<1x128xi32, #tpu.memory_space<vmem>>
      %dma_start3A_60 = tpu.memref_squeeze %dma_start3A_59 : memref<1x128xi32, #tpu.memory_space<vmem>> -> memref<128xi32, #tpu.memory_space<vmem>>
      %dma_start3A_61 = arith.constant 0 : i32
      %dma_start3A_62 = arith.constant 0 : i32
      %dma_start3A_63 = tpu.memref_slice %arg8[%dma_start3A_61, %dma_start3A_62] : memref<10112x128xf32, #tpu.memory_space<vmem_shared>> -> memref<10112x128xf32, #tpu.memory_space<vmem_shared>>
      tpu.enqueue_indirect_dma source(%arg7 : memref<128x128xf32, #tpu.memory_space<vmem>>) target(%dma_start3A_63 : memref<10112x128xf32, #tpu.memory_space<vmem_shared>>) offsets(%dma_start3A_60 : memref<128xi32, #tpu.memory_space<vmem>>) semaphore(%arg9 : memref<!tpu.dma_semaphore, #tpu.memory_space<semaphore_mem>>) {add = true}
      %dma_start3A_64 = arith.constant 6 : i32
      %dma_start3A_65 = arith.constant 0 : i32
      %dma_start3A_66 = tpu.memref_slice %arg6[%dma_start3A_64, %dma_start3A_65] : memref<8x128xi32, #tpu.memory_space<vmem>> -> memref<1x128xi32, #tpu.memory_space<vmem>>
      %dma_start3A_67 = tpu.memref_squeeze %dma_start3A_66 : memref<1x128xi32, #tpu.memory_space<vmem>> -> memref<128xi32, #tpu.memory_space<vmem>>
      %dma_start3A_68 = arith.constant 0 : i32
      %dma_start3A_69 = arith.constant 0 : i32
      %dma_start3A_70 = tpu.memref_slice %arg8[%dma_start3A_68, %dma_start3A_69] : memref<10112x128xf32, #tpu.memory_space<vmem_shared>> -> memref<10112x128xf32, #tpu.memory_space<vmem_shared>>
      tpu.enqueue_indirect_dma source(%arg7 : memref<128x128xf32, #tpu.memory_space<vmem>>) target(%dma_start3A_70 : memref<10112x128xf32, #tpu.memory_space<vmem_shared>>) offsets(%dma_start3A_67 : memref<128xi32, #tpu.memory_space<vmem>>) semaphore(%arg9 : memref<!tpu.dma_semaphore, #tpu.memory_space<semaphore_mem>>) {add = true}
      %dma_start3A_71 = arith.constant 7 : i32
      %dma_start3A_72 = arith.constant 0 : i32
      %dma_start3A_73 = tpu.memref_slice %arg6[%dma_start3A_71, %dma_start3A_72] : memref<8x128xi32, #tpu.memory_space<vmem>> -> memref<1x128xi32, #tpu.memory_space<vmem>>
      %dma_start3A_74 = tpu.memref_squeeze %dma_start3A_73 : memref<1x128xi32, #tpu.memory_space<vmem>> -> memref<128xi32, #tpu.memory_space<vmem>>
      %dma_start3A_75 = arith.constant 0 : i32
      %dma_start3A_76 = arith.constant 0 : i32
      %dma_start3A_77 = tpu.memref_slice %arg8[%dma_start3A_75, %dma_start3A_76] : memref<10112x128xf32, #tpu.memory_space<vmem_shared>> -> memref<10112x128xf32, #tpu.memory_space<vmem_shared>>
      tpu.enqueue_indirect_dma source(%arg7 : memref<128x128xf32, #tpu.memory_space<vmem>>) target(%dma_start3A_77 : memref<10112x128xf32, #tpu.memory_space<vmem_shared>>) offsets(%dma_start3A_74 : memref<128xi32, #tpu.memory_space<vmem>>) semaphore(%arg9 : memref<!tpu.dma_semaphore, #tpu.memory_space<semaphore_mem>>) {add = true}
      %dma_wait3A = arith.constant 0 : i32
      %dma_wait3A_78 = arith.constant 0 : i32
      %dma_wait3A_79 = tpu.memref_slice %arg6[%dma_wait3A, %dma_wait3A_78] : memref<8x128xi32, #tpu.memory_space<vmem>> -> memref<1x128xi32, #tpu.memory_space<vmem>>
      %dma_wait3A_80 = tpu.memref_squeeze %dma_wait3A_79 : memref<1x128xi32, #tpu.memory_space<vmem>> -> memref<128xi32, #tpu.memory_space<vmem>>
      %dma_wait3A_81 = arith.constant 0 : i32
      %dma_wait3A_82 = arith.constant 0 : i32
      %dma_wait3A_83 = tpu.memref_slice %arg8[%dma_wait3A_81, %dma_wait3A_82] : memref<10112x128xf32, #tpu.memory_space<vmem_shared>> -> memref<10112x128xf32, #tpu.memory_space<vmem_shared>>
      tpu.wait_indirect_dma semaphore(%arg9 : memref<!tpu.dma_semaphore, #tpu.memory_space<semaphore_mem>>) src(%arg7 : memref<128x128xf32, #tpu.memory_space<vmem>>) dst(%dma_wait3A_83 : memref<10112x128xf32, #tpu.memory_space<vmem_shared>>)
      %dma_wait3A_84 = arith.constant 0 : i32
      %dma_wait3A_85 = arith.constant 0 : i32
      %dma_wait3A_86 = tpu.memref_slice %arg6[%dma_wait3A_84, %dma_wait3A_85] : memref<8x128xi32, #tpu.memory_space<vmem>> -> memref<1x128xi32, #tpu.memory_space<vmem>>
      %dma_wait3A_87 = tpu.memref_squeeze %dma_wait3A_86 : memref<1x128xi32, #tpu.memory_space<vmem>> -> memref<128xi32, #tpu.memory_space<vmem>>
      %dma_wait3A_88 = arith.constant 0 : i32
      %dma_wait3A_89 = arith.constant 0 : i32
      %dma_wait3A_90 = tpu.memref_slice %arg8[%dma_wait3A_88, %dma_wait3A_89] : memref<10112x128xf32, #tpu.memory_space<vmem_shared>> -> memref<10112x128xf32, #tpu.memory_space<vmem_shared>>
      tpu.wait_indirect_dma semaphore(%arg9 : memref<!tpu.dma_semaphore, #tpu.memory_space<semaphore_mem>>) src(%arg7 : memref<128x128xf32, #tpu.memory_space<vmem>>) dst(%dma_wait3A_90 : memref<10112x128xf32, #tpu.memory_space<vmem_shared>>)
      %dma_wait3A_91 = arith.constant 0 : i32
      %dma_wait3A_92 = arith.constant 0 : i32
      %dma_wait3A_93 = tpu.memref_slice %arg6[%dma_wait3A_91, %dma_wait3A_92] : memref<8x128xi32, #tpu.memory_space<vmem>> -> memref<1x128xi32, #tpu.memory_space<vmem>>
      %dma_wait3A_94 = tpu.memref_squeeze %dma_wait3A_93 : memref<1x128xi32, #tpu.memory_space<vmem>> -> memref<128xi32, #tpu.memory_space<vmem>>
      %dma_wait3A_95 = arith.constant 0 : i32
      %dma_wait3A_96 = arith.constant 0 : i32
      %dma_wait3A_97 = tpu.memref_slice %arg8[%dma_wait3A_95, %dma_wait3A_96] : memref<10112x128xf32, #tpu.memory_space<vmem_shared>> -> memref<10112x128xf32, #tpu.memory_space<vmem_shared>>
      tpu.wait_indirect_dma semaphore(%arg9 : memref<!tpu.dma_semaphore, #tpu.memory_space<semaphore_mem>>) src(%arg7 : memref<128x128xf32, #tpu.memory_space<vmem>>) dst(%dma_wait3A_97 : memref<10112x128xf32, #tpu.memory_space<vmem_shared>>)
      %dma_wait3A_98 = arith.constant 0 : i32
      %dma_wait3A_99 = arith.constant 0 : i32
      %dma_wait3A_100 = tpu.memref_slice %arg6[%dma_wait3A_98, %dma_wait3A_99] : memref<8x128xi32, #tpu.memory_space<vmem>> -> memref<1x128xi32, #tpu.memory_space<vmem>>
      %dma_wait3A_101 = tpu.memref_squeeze %dma_wait3A_100 : memref<1x128xi32, #tpu.memory_space<vmem>> -> memref<128xi32, #tpu.memory_space<vmem>>
      %dma_wait3A_102 = arith.constant 0 : i32
      %dma_wait3A_103 = arith.constant 0 : i32
      %dma_wait3A_104 = tpu.memref_slice %arg8[%dma_wait3A_102, %dma_wait3A_103] : memref<10112x128xf32, #tpu.memory_space<vmem_shared>> -> memref<10112x128xf32, #tpu.memory_space<vmem_shared>>
      tpu.wait_indirect_dma semaphore(%arg9 : memref<!tpu.dma_semaphore, #tpu.memory_space<semaphore_mem>>) src(%arg7 : memref<128x128xf32, #tpu.memory_space<vmem>>) dst(%dma_wait3A_104 : memref<10112x128xf32, #tpu.memory_space<vmem_shared>>)
      %dma_wait3A_105 = arith.constant 0 : i32
      %dma_wait3A_106 = arith.constant 0 : i32
      %dma_wait3A_107 = tpu.memref_slice %arg6[%dma_wait3A_105, %dma_wait3A_106] : memref<8x128xi32, #tpu.memory_space<vmem>> -> memref<1x128xi32, #tpu.memory_space<vmem>>
      %dma_wait3A_108 = tpu.memref_squeeze %dma_wait3A_107 : memref<1x128xi32, #tpu.memory_space<vmem>> -> memref<128xi32, #tpu.memory_space<vmem>>
      %dma_wait3A_109 = arith.constant 0 : i32
      %dma_wait3A_110 = arith.constant 0 : i32
      %dma_wait3A_111 = tpu.memref_slice %arg8[%dma_wait3A_109, %dma_wait3A_110] : memref<10112x128xf32, #tpu.memory_space<vmem_shared>> -> memref<10112x128xf32, #tpu.memory_space<vmem_shared>>
      tpu.wait_indirect_dma semaphore(%arg9 : memref<!tpu.dma_semaphore, #tpu.memory_space<semaphore_mem>>) src(%arg7 : memref<128x128xf32, #tpu.memory_space<vmem>>) dst(%dma_wait3A_111 : memref<10112x128xf32, #tpu.memory_space<vmem_shared>>)
      %dma_wait3A_112 = arith.constant 0 : i32
      %dma_wait3A_113 = arith.constant 0 : i32
      %dma_wait3A_114 = tpu.memref_slice %arg6[%dma_wait3A_112, %dma_wait3A_113] : memref<8x128xi32, #tpu.memory_space<vmem>> -> memref<1x128xi32, #tpu.memory_space<vmem>>
      %dma_wait3A_115 = tpu.memref_squeeze %dma_wait3A_114 : memref<1x128xi32, #tpu.memory_space<vmem>> -> memref<128xi32, #tpu.memory_space<vmem>>
      %dma_wait3A_116 = arith.constant 0 : i32
      %dma_wait3A_117 = arith.constant 0 : i32
      %dma_wait3A_118 = tpu.memref_slice %arg8[%dma_wait3A_116, %dma_wait3A_117] : memref<10112x128xf32, #tpu.memory_space<vmem_shared>> -> memref<10112x128xf32, #tpu.memory_space<vmem_shared>>
      tpu.wait_indirect_dma semaphore(%arg9 : memref<!tpu.dma_semaphore, #tpu.memory_space<semaphore_mem>>) src(%arg7 : memref<128x128xf32, #tpu.memory_space<vmem>>) dst(%dma_wait3A_118 : memref<10112x128xf32, #tpu.memory_space<vmem_shared>>)
      %dma_wait3A_119 = arith.constant 0 : i32
      %dma_wait3A_120 = arith.constant 0 : i32
      %dma_wait3A_121 = tpu.memref_slice %arg6[%dma_wait3A_119, %dma_wait3A_120] : memref<8x128xi32, #tpu.memory_space<vmem>> -> memref<1x128xi32, #tpu.memory_space<vmem>>
      %dma_wait3A_122 = tpu.memref_squeeze %dma_wait3A_121 : memref<1x128xi32, #tpu.memory_space<vmem>> -> memref<128xi32, #tpu.memory_space<vmem>>
      %dma_wait3A_123 = arith.constant 0 : i32
      %dma_wait3A_124 = arith.constant 0 : i32
      %dma_wait3A_125 = tpu.memref_slice %arg8[%dma_wait3A_123, %dma_wait3A_124] : memref<10112x128xf32, #tpu.memory_space<vmem_shared>> -> memref<10112x128xf32, #tpu.memory_space<vmem_shared>>
      tpu.wait_indirect_dma semaphore(%arg9 : memref<!tpu.dma_semaphore, #tpu.memory_space<semaphore_mem>>) src(%arg7 : memref<128x128xf32, #tpu.memory_space<vmem>>) dst(%dma_wait3A_125 : memref<10112x128xf32, #tpu.memory_space<vmem_shared>>)
      %dma_wait3A_126 = arith.constant 0 : i32
      %dma_wait3A_127 = arith.constant 0 : i32
      %dma_wait3A_128 = tpu.memref_slice %arg6[%dma_wait3A_126, %dma_wait3A_127] : memref<8x128xi32, #tpu.memory_space<vmem>> -> memref<1x128xi32, #tpu.memory_space<vmem>>
      %dma_wait3A_129 = tpu.memref_squeeze %dma_wait3A_128 : memref<1x128xi32, #tpu.memory_space<vmem>> -> memref<128xi32, #tpu.memory_space<vmem>>
      %dma_wait3A_130 = arith.constant 0 : i32
      %dma_wait3A_131 = arith.constant 0 : i32
      %dma_wait3A_132 = tpu.memref_slice %arg8[%dma_wait3A_130, %dma_wait3A_131] : memref<10112x128xf32, #tpu.memory_space<vmem_shared>> -> memref<10112x128xf32, #tpu.memory_space<vmem_shared>>
      tpu.wait_indirect_dma semaphore(%arg9 : memref<!tpu.dma_semaphore, #tpu.memory_space<semaphore_mem>>) src(%arg7 : memref<128x128xf32, #tpu.memory_space<vmem>>) dst(%dma_wait3A_132 : memref<10112x128xf32, #tpu.memory_space<vmem_shared>>)
    }
    %scan3A_8 = arith.constant 10 : i32
    %barrier3A_9 = arith.constant 0 : index
    tpu.barrier barrier_id(%barrier3A_9)
    %lt3A = arith.constant 15 : i32
    %lt3A_10 = arith.cmpi slt, %arg1, %lt3A : i32
    %convert_element_type3A = arith.extui %lt3A_10 : i1 to i32
    %cond3A = arith.constant 0 : i32
    %cond3A_11 = arith.cmpi ne, %convert_element_type3A, %cond3A : i32
    scf.if %cond3A_11 {
      %mul3A_16 = arith.constant 632 : i32
      %mul3A_17 = arith.muli %arg1, %mul3A_16 : i32
      %mul3A_18 = arith.constant 10000 : i32
      %mul3A_19 = arith.muli %arg0, %mul3A_18 : i32
      %mul3A_20 = arith.constant 632 : i32
      %mul3A_21 = arith.muli %arg1, %mul3A_20 : i32
      %add3A_22 = arith.addi %mul3A_19, %mul3A_21 : i32
      "tpu.region"() ({
        %run_scoped3A = tpu.sem_alloc : memref<!tpu.dma_semaphore, #tpu.memory_space<semaphore_mem>>
        %dma_start3A = arith.constant 0 : i32
        %dma_start3A_23 = tpu.memref_slice %arg5[%add3A_22, %dma_start3A] : memref<20000x128xf32, #tpu.memory_space<hbm>> -> memref<632x128xf32, #tpu.memory_space<hbm>>
        %dma_start3A_24 = arith.constant 0 : i32
        %dma_start3A_25 = tpu.memref_slice %arg8[%mul3A_17, %dma_start3A_24] : memref<10112x128xf32, #tpu.memory_space<vmem_shared>> -> memref<632x128xf32, #tpu.memory_space<vmem_shared>>
        tpu.enqueue_dma source(%dma_start3A_25 : memref<632x128xf32, #tpu.memory_space<vmem_shared>>) target(%dma_start3A_23 : memref<632x128xf32, #tpu.memory_space<hbm>>) target_semaphore(%run_scoped3A : memref<!tpu.dma_semaphore, #tpu.memory_space<semaphore_mem>>)
        %dma_wait3A = arith.constant 0 : i32
        %dma_wait3A_26 = tpu.memref_slice %arg5[%add3A_22, %dma_wait3A] : memref<20000x128xf32, #tpu.memory_space<hbm>> -> memref<632x128xf32, #tpu.memory_space<hbm>>
        %dma_wait3A_27 = arith.constant 0 : i32
        %dma_wait3A_28 = tpu.memref_slice %arg8[%mul3A_17, %dma_wait3A_27] : memref<10112x128xf32, #tpu.memory_space<vmem_shared>> -> memref<632x128xf32, #tpu.memory_space<vmem_shared>>
        tpu.wait_dma2 semaphore(%run_scoped3A : memref<!tpu.dma_semaphore, #tpu.memory_space<semaphore_mem>>) src(%dma_wait3A_28 : memref<632x128xf32, #tpu.memory_space<vmem_shared>>) dst(%dma_wait3A_26 : memref<632x128xf32, #tpu.memory_space<hbm>>)
        tpu.yield
      }) : () -> ()
    } else {
    }
    %eq3A = arith.constant 15 : i32
    %eq3A_12 = arith.cmpi eq, %arg1, %eq3A : i32
    %convert_element_type3A_13 = arith.extui %eq3A_12 : i1 to i32
    %cond3A_14 = arith.constant 0 : i32
    %cond3A_15 = arith.cmpi ne, %convert_element_type3A_13, %cond3A_14 : i32
    scf.if %cond3A_15 {
      %mul3A_16 = arith.constant 10000 : i32
      %mul3A_17 = arith.muli %arg0, %mul3A_16 : i32
      %add3A_18 = arith.constant 9480 : i32
      %add3A_19 = arith.addi %mul3A_17, %add3A_18 : i32
      "tpu.region"() ({
        %run_scoped3A = tpu.sem_alloc : memref<!tpu.dma_semaphore, #tpu.memory_space<semaphore_mem>>
        %dma_start3A = arith.constant 0 : i32
        %dma_start3A_20 = tpu.memref_slice %arg5[%add3A_19, %dma_start3A] : memref<20000x128xf32, #tpu.memory_space<hbm>> -> memref<520x128xf32, #tpu.memory_space<hbm>>
        %dma_start3A_21 = arith.constant 9480 : i32
        %dma_start3A_22 = arith.constant 0 : i32
        %dma_start3A_23 = tpu.memref_slice %arg8[%dma_start3A_21, %dma_start3A_22] : memref<10112x128xf32, #tpu.memory_space<vmem_shared>> -> memref<520x128xf32, #tpu.memory_space<vmem_shared>>
        tpu.enqueue_dma source(%dma_start3A_23 : memref<520x128xf32, #tpu.memory_space<vmem_shared>>) target(%dma_start3A_20 : memref<520x128xf32, #tpu.memory_space<hbm>>) target_semaphore(%run_scoped3A : memref<!tpu.dma_semaphore, #tpu.memory_space<semaphore_mem>>)
        %dma_wait3A = arith.constant 0 : i32
        %dma_wait3A_24 = tpu.memref_slice %arg5[%add3A_19, %dma_wait3A] : memref<20000x128xf32, #tpu.memory_space<hbm>> -> memref<520x128xf32, #tpu.memory_space<hbm>>
        %dma_wait3A_25 = arith.constant 9480 : i32
        %dma_wait3A_26 = arith.constant 0 : i32
        %dma_wait3A_27 = tpu.memref_slice %arg8[%dma_wait3A_25, %dma_wait3A_26] : memref<10112x128xf32, #tpu.memory_space<vmem_shared>> -> memref<520x128xf32, #tpu.memory_space<vmem_shared>>
        tpu.wait_dma2 semaphore(%run_scoped3A : memref<!tpu.dma_semaphore, #tpu.memory_space<semaphore_mem>>) src(%dma_wait3A_27 : memref<520x128xf32, #tpu.memory_space<vmem_shared>>) dst(%dma_wait3A_24 : memref<520x128xf32, #tpu.memory_space<hbm>>)
        tpu.yield
      }) : () -> ()
    } else {
    }
    return
  }
}

#map = affine_map<(d0, d1) -> (0, 0)>
#map1 = affine_map<(d0, d1) -> (0, 0, 0)>
module attributes {stable_mosaic.version = 14 : i64} {
  func.func @_sc_agg_body(%arg0: i32, %arg1: i32, %arg2: memref<10000x128xf32, #tpu.memory_space<hbm>>, %arg3: memref<32x160x128xi32, #tpu.memory_space<hbm>>, %arg4: memref<20000x128xf32, #tpu.memory_space<hbm>>, %arg5: memref<16x128xi32, #tpu.memory_space<vmem>>, %arg6: memref<128x128xf32, #tpu.memory_space<vmem>>, %arg7: memref<128x128xf32, #tpu.memory_space<vmem>>, %arg8: memref<10112x128xf32, #tpu.memory_space<vmem_shared>>, %arg9: memref<!tpu.dma_semaphore, #tpu.memory_space<semaphore_mem>>, %arg10: memref<!tpu.dma_semaphore, #tpu.memory_space<semaphore_mem>>, %arg11: memref<!tpu.dma_semaphore, #tpu.memory_space<semaphore_mem>>, %arg12: memref<!tpu.dma_semaphore, #tpu.memory_space<semaphore_mem>>) attributes {dimension_semantics = [#tpu.dimension_semantics<core_parallel>, #tpu.dimension_semantics<subcore_parallel>], iteration_bounds = array<i64: 2, 16>, scalar_prefetch = 0 : i64, scratch_operands = 8 : i64, tpu.core_type = #tpu.core_type<sc_vector_subcore>, window_params = [{transform_indices = #map}, {transform_indices = #map1}, {transform_indices = #map}]} {
    %mul3A = arith.constant 16 : i32
    %mul3A_0 = arith.muli %arg0, %mul3A : i32
    %add3A = arith.addi %mul3A_0, %arg1 : i32
    %broadcast_in_dim3A = arith.constant 0.000000e+00 : f32
    %broadcast_in_dim3A_1 = vector.broadcast %broadcast_in_dim3A : f32 to vector<16xf32>
    %scan3A = arith.constant 0 : i32
    %scan3A_2 = arith.constant 128 : i32
    %scan3A_3 = arith.addi %scan3A, %scan3A_2 : i32
    %scan3A_4 = arith.constant 1 : i32
    scf.for %scan3A_27 = %scan3A to %scan3A_3 step %scan3A_4  : i32 {
      %mul3A_28 = arith.constant 1 : i32
      %mul3A_29 = arith.muli %scan3A_27, %mul3A_28 : i32
      %add3A_30 = arith.constant 0 : i32
      %add3A_31 = arith.addi %add3A_30, %mul3A_29 : i32
      %scan3A_32 = arith.constant 0 : i32
      %scan3A_33 = arith.constant 8 : i32
      %scan3A_34 = arith.addi %scan3A_32, %scan3A_33 : i32
      %scan3A_35 = arith.constant 1 : i32
      scf.for %scan3A_37 = %scan3A_32 to %scan3A_34 step %scan3A_35  : i32 {
        %mul3A_38 = arith.constant 1 : i32
        %mul3A_39 = arith.muli %scan3A_37, %mul3A_38 : i32
        %add3A_40 = arith.constant 0 : i32
        %add3A_41 = arith.addi %add3A_40, %mul3A_39 : i32
        %mul3A_42 = arith.constant 16 : i32
        %mul3A_43 = arith.muli %add3A_41, %mul3A_42 : i32
        %swap3A = arith.index_cast %add3A_31 : i32 to index
        %swap3A_44 = arith.index_cast %mul3A_43 : i32 to index
        %swap3A_45 = tpu.vector_load %arg6[%swap3A, %swap3A_44] {strides = array<i32>} : memref<128x128xf32, #tpu.memory_space<vmem>>, vector<1x16xf32>,
        %swap3A_46 = vector.shape_cast %swap3A_45 : vector<1x16xf32> to vector<16xf32>
        %swap3A_47 = vector.shape_cast %broadcast_in_dim3A_1 : vector<16xf32> to vector<1x16xf32>
        tpu.vector_store %arg6[%swap3A, %swap3A_44], %swap3A_47 {strides = array<i32>} : memref<128x128xf32, #tpu.memory_space<vmem>>, vector<1x16xf32>,
      }
      %scan3A_36 = arith.constant 8 : i32
    }
    %scan3A_5 = arith.constant 128 : i32
    %scan3A_6 = arith.constant 0 : i32
    %scan3A_7 = arith.constant 4 : i32
    %scan3A_8 = arith.addi %scan3A_6, %scan3A_7 : i32
    %scan3A_9 = arith.constant 1 : i32
    scf.for %scan3A_27 = %scan3A_6 to %scan3A_8 step %scan3A_9  : i32 {
      %mul3A_28 = arith.constant 1 : i32
      %mul3A_29 = arith.muli %scan3A_27, %mul3A_28 : i32
      %add3A_30 = arith.constant 0 : i32
      %add3A_31 = arith.addi %add3A_30, %mul3A_29 : i32
      %mul3A_32 = arith.constant 632 : i32
      %mul3A_33 = arith.muli %arg1, %mul3A_32 : i32
      %mul3A_34 = arith.constant 128 : i32
      %mul3A_35 = arith.muli %add3A_31, %mul3A_34 : i32
      %add3A_36 = arith.addi %mul3A_33, %mul3A_35 : i32
      "tpu.region"() ({
        %run_scoped3A = tpu.sem_alloc : memref<!tpu.dma_semaphore, #tpu.memory_space<semaphore_mem>>
        %dma_start3A = arith.constant 0 : i32
        %dma_start3A_37 = tpu.memref_slice %arg8[%add3A_36, %dma_start3A] : memref<10112x128xf32, #tpu.memory_space<vmem_shared>> -> memref<128x128xf32, #tpu.memory_space<vmem_shared>>
        %dma_start3A_38 = arith.constant 0 : i32
        %dma_start3A_39 = tpu.memref_slice %arg8[%add3A_36, %dma_start3A_38] : memref<10112x128xf32, #tpu.memory_space<vmem_shared>> -> memref<128x128xf32, #tpu.memory_space<vmem_shared>>
        tpu.enqueue_dma source(%arg6 : memref<128x128xf32, #tpu.memory_space<vmem>>) target(%dma_start3A_39 : memref<128x128xf32, #tpu.memory_space<vmem_shared>>) target_semaphore(%run_scoped3A : memref<!tpu.dma_semaphore, #tpu.memory_space<semaphore_mem>>)
        %dma_wait3A = arith.constant 0 : i32
        %dma_wait3A_40 = tpu.memref_slice %arg8[%add3A_36, %dma_wait3A] : memref<10112x128xf32, #tpu.memory_space<vmem_shared>> -> memref<128x128xf32, #tpu.memory_space<vmem_shared>>
        %dma_wait3A_41 = arith.constant 0 : i32
        %dma_wait3A_42 = tpu.memref_slice %arg8[%add3A_36, %dma_wait3A_41] : memref<10112x128xf32, #tpu.memory_space<vmem_shared>> -> memref<128x128xf32, #tpu.memory_space<vmem_shared>>
        tpu.wait_dma2 semaphore(%run_scoped3A : memref<!tpu.dma_semaphore, #tpu.memory_space<semaphore_mem>>) src(%arg6 : memref<128x128xf32, #tpu.memory_space<vmem>>) dst(%dma_wait3A_42 : memref<128x128xf32, #tpu.memory_space<vmem_shared>>)
        tpu.yield
      }) : () -> ()
    }
    %scan3A_10 = arith.constant 4 : i32
    %mul3A_11 = arith.constant 632 : i32
    %mul3A_12 = arith.muli %arg1, %mul3A_11 : i32
    %add3A_13 = arith.constant 512 : i32
    %add3A_14 = arith.addi %mul3A_12, %add3A_13 : i32
    "tpu.region"() ({
      %run_scoped3A = tpu.sem_alloc : memref<!tpu.dma_semaphore, #tpu.memory_space<semaphore_mem>>
      %dma_start3A = arith.constant 0 : i32
      %dma_start3A_27 = arith.constant 0 : i32
      %dma_start3A_28 = tpu.memref_slice %arg6[%dma_start3A, %dma_start3A_27] : memref<128x128xf32, #tpu.memory_space<vmem>> -> memref<120x128xf32, #tpu.memory_space<vmem>>
      %dma_start3A_29 = arith.constant 0 : i32
      %dma_start3A_30 = tpu.memref_slice %arg8[%add3A_14, %dma_start3A_29] : memref<10112x128xf32, #tpu.memory_space<vmem_shared>> -> memref<120x128xf32, #tpu.memory_space<vmem_shared>>
      %dma_start3A_31 = arith.constant 0 : i32
      %dma_start3A_32 = tpu.memref_slice %arg8[%add3A_14, %dma_start3A_31] : memref<10112x128xf32, #tpu.memory_space<vmem_shared>> -> memref<120x128xf32, #tpu.memory_space<vmem_shared>>
      %dma_start3A_33 = arith.constant 0 : i32
      %dma_start3A_34 = arith.constant 0 : i32
      %dma_start3A_35 = tpu.memref_slice %arg6[%dma_start3A_33, %dma_start3A_34] : memref<128x128xf32, #tpu.memory_space<vmem>> -> memref<120x128xf32, #tpu.memory_space<vmem>>
      tpu.enqueue_dma source(%dma_start3A_35 : memref<120x128xf32, #tpu.memory_space<vmem>>) target(%dma_start3A_32 : memref<120x128xf32, #tpu.memory_space<vmem_shared>>) target_semaphore(%run_scoped3A : memref<!tpu.dma_semaphore, #tpu.memory_space<semaphore_mem>>)
      %dma_wait3A = arith.constant 0 : i32
      %dma_wait3A_36 = arith.constant 0 : i32
      %dma_wait3A_37 = tpu.memref_slice %arg6[%dma_wait3A, %dma_wait3A_36] : memref<128x128xf32, #tpu.memory_space<vmem>> -> memref<120x128xf32, #tpu.memory_space<vmem>>
      %dma_wait3A_38 = arith.constant 0 : i32
      %dma_wait3A_39 = tpu.memref_slice %arg8[%add3A_14, %dma_wait3A_38] : memref<10112x128xf32, #tpu.memory_space<vmem_shared>> -> memref<120x128xf32, #tpu.memory_space<vmem_shared>>
      %dma_wait3A_40 = arith.constant 0 : i32
      %dma_wait3A_41 = tpu.memref_slice %arg8[%add3A_14, %dma_wait3A_40] : memref<10112x128xf32, #tpu.memory_space<vmem_shared>> -> memref<120x128xf32, #tpu.memory_space<vmem_shared>>
      %dma_wait3A_42 = arith.constant 0 : i32
      %dma_wait3A_43 = arith.constant 0 : i32
      %dma_wait3A_44 = tpu.memref_slice %arg6[%dma_wait3A_42, %dma_wait3A_43] : memref<128x128xf32, #tpu.memory_space<vmem>> -> memref<120x128xf32, #tpu.memory_space<vmem>>
      tpu.wait_dma2 semaphore(%run_scoped3A : memref<!tpu.dma_semaphore, #tpu.memory_space<semaphore_mem>>) src(%dma_wait3A_44 : memref<120x128xf32, #tpu.memory_space<vmem>>) dst(%dma_wait3A_41 : memref<120x128xf32, #tpu.memory_space<vmem_shared>>)
      tpu.yield
    }) : () -> ()
    %barrier3A = arith.constant 0 : index
    tpu.barrier barrier_id(%barrier3A)
    %scan3A_15 = arith.constant 0 : i32
    %scan3A_16 = arith.constant 10 : i32
    %scan3A_17 = arith.addi %scan3A_15, %scan3A_16 : i32
    %scan3A_18 = arith.constant 1 : i32
    scf.for %scan3A_27 = %scan3A_15 to %scan3A_17 step %scan3A_18  : i32 {
      %mul3A_28 = arith.constant 1 : i32
      %mul3A_29 = arith.muli %scan3A_27, %mul3A_28 : i32
      %add3A_30 = arith.constant 0 : i32
      %add3A_31 = arith.addi %add3A_30, %mul3A_29 : i32
      %mul3A_32 = arith.constant 16 : i32
      %mul3A_33 = arith.muli %add3A_31, %mul3A_32 : i32
      "tpu.region"() ({
        %run_scoped3A = tpu.sem_alloc : memref<!tpu.dma_semaphore, #tpu.memory_space<semaphore_mem>>
        %dma_start3A_256 = arith.constant 0 : i32
        %dma_start3A_257 = tpu.memref_slice %arg3[%add3A, %mul3A_33, %dma_start3A_256] : memref<32x160x128xi32, #tpu.memory_space<hbm>> -> memref<1x16x128xi32, #tpu.memory_space<hbm>>
        %dma_start3A_258 = tpu.memref_squeeze %dma_start3A_257 : memref<1x16x128xi32, #tpu.memory_space<hbm>> -> memref<16x128xi32, #tpu.memory_space<hbm>>
        %dma_start3A_259 = arith.constant 0 : i32
        %dma_start3A_260 = tpu.memref_slice %arg3[%add3A, %mul3A_33, %dma_start3A_259] : memref<32x160x128xi32, #tpu.memory_space<hbm>> -> memref<1x16x128xi32, #tpu.memory_space<hbm>>
        %dma_start3A_261 = tpu.memref_squeeze %dma_start3A_260 : memref<1x16x128xi32, #tpu.memory_space<hbm>> -> memref<16x128xi32, #tpu.memory_space<hbm>>
        tpu.enqueue_dma source(%dma_start3A_261 : memref<16x128xi32, #tpu.memory_space<hbm>>) target(%arg5 : memref<16x128xi32, #tpu.memory_space<vmem>>) target_semaphore(%run_scoped3A : memref<!tpu.dma_semaphore, #tpu.memory_space<semaphore_mem>>)
        %dma_wait3A_262 = arith.constant 0 : i32
        %dma_wait3A_263 = tpu.memref_slice %arg3[%add3A, %mul3A_33, %dma_wait3A_262] : memref<32x160x128xi32, #tpu.memory_space<hbm>> -> memref<1x16x128xi32, #tpu.memory_space<hbm>>
        %dma_wait3A_264 = tpu.memref_squeeze %dma_wait3A_263 : memref<1x16x128xi32, #tpu.memory_space<hbm>> -> memref<16x128xi32, #tpu.memory_space<hbm>>
        %dma_wait3A_265 = arith.constant 0 : i32
        %dma_wait3A_266 = tpu.memref_slice %arg3[%add3A, %mul3A_33, %dma_wait3A_265] : memref<32x160x128xi32, #tpu.memory_space<hbm>> -> memref<1x16x128xi32, #tpu.memory_space<hbm>>
        %dma_wait3A_267 = tpu.memref_squeeze %dma_wait3A_266 : memref<1x16x128xi32, #tpu.memory_space<hbm>> -> memref<16x128xi32, #tpu.memory_space<hbm>>
        tpu.wait_dma2 semaphore(%run_scoped3A : memref<!tpu.dma_semaphore, #tpu.memory_space<semaphore_mem>>) src(%dma_wait3A_267 : memref<16x128xi32, #tpu.memory_space<hbm>>) dst(%arg5 : memref<16x128xi32, #tpu.memory_space<vmem>>)
        tpu.yield
      }) : () -> ()
      %dma_start3A = arith.constant 0 : i32
      %dma_start3A_34 = arith.constant 0 : i32
      %dma_start3A_35 = tpu.memref_slice %arg5[%dma_start3A, %dma_start3A_34] : memref<16x128xi32, #tpu.memory_space<vmem>> -> memref<1x128xi32, #tpu.memory_space<vmem>>
      %dma_start3A_36 = tpu.memref_squeeze %dma_start3A_35 : memref<1x128xi32, #tpu.memory_space<vmem>> -> memref<128xi32, #tpu.memory_space<vmem>>
      %dma_start3A_37 = arith.constant 0 : i32
      %dma_start3A_38 = arith.constant 0 : i32
      %dma_start3A_39 = tpu.memref_slice %arg2[%dma_start3A_37, %dma_start3A_38] : memref<10000x128xf32, #tpu.memory_space<hbm>> -> memref<10000x128xf32, #tpu.memory_space<hbm>>
      tpu.enqueue_indirect_dma source(%dma_start3A_39 : memref<10000x128xf32, #tpu.memory_space<hbm>>) target(%arg6 : memref<128x128xf32, #tpu.memory_space<vmem>>) offsets(%dma_start3A_36 : memref<128xi32, #tpu.memory_space<vmem>>) semaphore(%arg9 : memref<!tpu.dma_semaphore, #tpu.memory_space<semaphore_mem>>)
      %dma_start3A_40 = arith.constant 2 : i32
      %dma_start3A_41 = arith.constant 0 : i32
      %dma_start3A_42 = tpu.memref_slice %arg5[%dma_start3A_40, %dma_start3A_41] : memref<16x128xi32, #tpu.memory_space<vmem>> -> memref<1x128xi32, #tpu.memory_space<vmem>>
      %dma_start3A_43 = tpu.memref_squeeze %dma_start3A_42 : memref<1x128xi32, #tpu.memory_space<vmem>> -> memref<128xi32, #tpu.memory_space<vmem>>
      %dma_start3A_44 = arith.constant 0 : i32
      %dma_start3A_45 = arith.constant 0 : i32
      %dma_start3A_46 = tpu.memref_slice %arg2[%dma_start3A_44, %dma_start3A_45] : memref<10000x128xf32, #tpu.memory_space<hbm>> -> memref<10000x128xf32, #tpu.memory_space<hbm>>
      tpu.enqueue_indirect_dma source(%dma_start3A_46 : memref<10000x128xf32, #tpu.memory_space<hbm>>) target(%arg7 : memref<128x128xf32, #tpu.memory_space<vmem>>) offsets(%dma_start3A_43 : memref<128xi32, #tpu.memory_space<vmem>>) semaphore(%arg10 : memref<!tpu.dma_semaphore, #tpu.memory_space<semaphore_mem>>)
      %dma_wait3A = arith.constant 0 : i32
      %dma_wait3A_47 = arith.constant 0 : i32
      %dma_wait3A_48 = tpu.memref_slice %arg5[%dma_wait3A, %dma_wait3A_47] : memref<16x128xi32, #tpu.memory_space<vmem>> -> memref<1x128xi32, #tpu.memory_space<vmem>>
      %dma_wait3A_49 = tpu.memref_squeeze %dma_wait3A_48 : memref<1x128xi32, #tpu.memory_space<vmem>> -> memref<128xi32, #tpu.memory_space<vmem>>
      %dma_wait3A_50 = arith.constant 0 : i32
      %dma_wait3A_51 = arith.constant 0 : i32
      %dma_wait3A_52 = tpu.memref_slice %arg2[%dma_wait3A_50, %dma_wait3A_51] : memref<10000x128xf32, #tpu.memory_space<hbm>> -> memref<10000x128xf32, #tpu.memory_space<hbm>>
      tpu.wait_indirect_dma semaphore(%arg9 : memref<!tpu.dma_semaphore, #tpu.memory_space<semaphore_mem>>) src(%dma_wait3A_52 : memref<10000x128xf32, #tpu.memory_space<hbm>>) dst(%arg6 : memref<128x128xf32, #tpu.memory_space<vmem>>)
      %dma_start3A_53 = arith.constant 1 : i32
      %dma_start3A_54 = arith.constant 0 : i32
      %dma_start3A_55 = tpu.memref_slice %arg5[%dma_start3A_53, %dma_start3A_54] : memref<16x128xi32, #tpu.memory_space<vmem>> -> memref<1x128xi32, #tpu.memory_space<vmem>>
      %dma_start3A_56 = tpu.memref_squeeze %dma_start3A_55 : memref<1x128xi32, #tpu.memory_space<vmem>> -> memref<128xi32, #tpu.memory_space<vmem>>
      %dma_start3A_57 = arith.constant 0 : i32
      %dma_start3A_58 = arith.constant 0 : i32
      %dma_start3A_59 = tpu.memref_slice %arg8[%dma_start3A_57, %dma_start3A_58] : memref<10112x128xf32, #tpu.memory_space<vmem_shared>> -> memref<10112x128xf32, #tpu.memory_space<vmem_shared>>
      tpu.enqueue_indirect_dma source(%arg6 : memref<128x128xf32, #tpu.memory_space<vmem>>) target(%dma_start3A_59 : memref<10112x128xf32, #tpu.memory_space<vmem_shared>>) offsets(%dma_start3A_56 : memref<128xi32, #tpu.memory_space<vmem>>) semaphore(%arg11 : memref<!tpu.dma_semaphore, #tpu.memory_space<semaphore_mem>>) {add = true}
      %dma_wait3A_60 = arith.constant 1 : i32
      %dma_wait3A_61 = arith.constant 0 : i32
      %dma_wait3A_62 = tpu.memref_slice %arg5[%dma_wait3A_60, %dma_wait3A_61] : memref<16x128xi32, #tpu.memory_space<vmem>> -> memref<1x128xi32, #tpu.memory_space<vmem>>
      %dma_wait3A_63 = tpu.memref_squeeze %dma_wait3A_62 : memref<1x128xi32, #tpu.memory_space<vmem>> -> memref<128xi32, #tpu.memory_space<vmem>>
      %dma_wait3A_64 = arith.constant 0 : i32
      %dma_wait3A_65 = arith.constant 0 : i32
      %dma_wait3A_66 = tpu.memref_slice %arg8[%dma_wait3A_64, %dma_wait3A_65] : memref<10112x128xf32, #tpu.memory_space<vmem_shared>> -> memref<10112x128xf32, #tpu.memory_space<vmem_shared>>
      tpu.wait_indirect_dma semaphore(%arg11 : memref<!tpu.dma_semaphore, #tpu.memory_space<semaphore_mem>>) src(%arg6 : memref<128x128xf32, #tpu.memory_space<vmem>>) dst(%dma_wait3A_66 : memref<10112x128xf32, #tpu.memory_space<vmem_shared>>)
      %dma_start3A_67 = arith.constant 4 : i32
      %dma_start3A_68 = arith.constant 0 : i32
      %dma_start3A_69 = tpu.memref_slice %arg5[%dma_start3A_67, %dma_start3A_68] : memref<16x128xi32, #tpu.memory_space<vmem>> -> memref<1x128xi32, #tpu.memory_space<vmem>>
      %dma_start3A_70 = tpu.memref_squeeze %dma_start3A_69 : memref<1x128xi32, #tpu.memory_space<vmem>> -> memref<128xi32, #tpu.memory_space<vmem>>
      %dma_start3A_71 = arith.constant 0 : i32
      %dma_start3A_72 = arith.constant 0 : i32
      %dma_start3A_73 = tpu.memref_slice %arg2[%dma_start3A_71, %dma_start3A_72] : memref<10000x128xf32, #tpu.memory_space<hbm>> -> memref<10000x128xf32, #tpu.memory_space<hbm>>
      tpu.enqueue_indirect_dma source(%dma_start3A_73 : memref<10000x128xf32, #tpu.memory_space<hbm>>) target(%arg6 : memref<128x128xf32, #tpu.memory_space<vmem>>) offsets(%dma_start3A_70 : memref<128xi32, #tpu.memory_space<vmem>>) semaphore(%arg9 : memref<!tpu.dma_semaphore, #tpu.memory_space<semaphore_mem>>)
      %dma_wait3A_74 = arith.constant 0 : i32
      %dma_wait3A_75 = arith.constant 0 : i32
      %dma_wait3A_76 = tpu.memref_slice %arg5[%dma_wait3A_74, %dma_wait3A_75] : memref<16x128xi32, #tpu.memory_space<vmem>> -> memref<1x128xi32, #tpu.memory_space<vmem>>
      %dma_wait3A_77 = tpu.memref_squeeze %dma_wait3A_76 : memref<1x128xi32, #tpu.memory_space<vmem>> -> memref<128xi32, #tpu.memory_space<vmem>>
      %dma_wait3A_78 = arith.constant 0 : i32
      %dma_wait3A_79 = arith.constant 0 : i32
      %dma_wait3A_80 = tpu.memref_slice %arg2[%dma_wait3A_78, %dma_wait3A_79] : memref<10000x128xf32, #tpu.memory_space<hbm>> -> memref<10000x128xf32, #tpu.memory_space<hbm>>
      tpu.wait_indirect_dma semaphore(%arg10 : memref<!tpu.dma_semaphore, #tpu.memory_space<semaphore_mem>>) src(%dma_wait3A_80 : memref<10000x128xf32, #tpu.memory_space<hbm>>) dst(%arg7 : memref<128x128xf32, #tpu.memory_space<vmem>>)
      %dma_start3A_81 = arith.constant 3 : i32
      %dma_start3A_82 = arith.constant 0 : i32
      %dma_start3A_83 = tpu.memref_slice %arg5[%dma_start3A_81, %dma_start3A_82] : memref<16x128xi32, #tpu.memory_space<vmem>> -> memref<1x128xi32, #tpu.memory_space<vmem>>
      %dma_start3A_84 = tpu.memref_squeeze %dma_start3A_83 : memref<1x128xi32, #tpu.memory_space<vmem>> -> memref<128xi32, #tpu.memory_space<vmem>>
      %dma_start3A_85 = arith.constant 0 : i32
      %dma_start3A_86 = arith.constant 0 : i32
      %dma_start3A_87 = tpu.memref_slice %arg8[%dma_start3A_85, %dma_start3A_86] : memref<10112x128xf32, #tpu.memory_space<vmem_shared>> -> memref<10112x128xf32, #tpu.memory_space<vmem_shared>>
      tpu.enqueue_indirect_dma source(%arg7 : memref<128x128xf32, #tpu.memory_space<vmem>>) target(%dma_start3A_87 : memref<10112x128xf32, #tpu.memory_space<vmem_shared>>) offsets(%dma_start3A_84 : memref<128xi32, #tpu.memory_space<vmem>>) semaphore(%arg12 : memref<!tpu.dma_semaphore, #tpu.memory_space<semaphore_mem>>) {add = true}
      %dma_wait3A_88 = arith.constant 1 : i32
      %dma_wait3A_89 = arith.constant 0 : i32
      %dma_wait3A_90 = tpu.memref_slice %arg5[%dma_wait3A_88, %dma_wait3A_89] : memref<16x128xi32, #tpu.memory_space<vmem>> -> memref<1x128xi32, #tpu.memory_space<vmem>>
      %dma_wait3A_91 = tpu.memref_squeeze %dma_wait3A_90 : memref<1x128xi32, #tpu.memory_space<vmem>> -> memref<128xi32, #tpu.memory_space<vmem>>
      %dma_wait3A_92 = arith.constant 0 : i32
      %dma_wait3A_93 = arith.constant 0 : i32
      %dma_wait3A_94 = tpu.memref_slice %arg8[%dma_wait3A_92, %dma_wait3A_93] : memref<10112x128xf32, #tpu.memory_space<vmem_shared>> -> memref<10112x128xf32, #tpu.memory_space<vmem_shared>>
      tpu.wait_indirect_dma semaphore(%arg12 : memref<!tpu.dma_semaphore, #tpu.memory_space<semaphore_mem>>) src(%arg7 : memref<128x128xf32, #tpu.memory_space<vmem>>) dst(%dma_wait3A_94 : memref<10112x128xf32, #tpu.memory_space<vmem_shared>>)
      %dma_start3A_95 = arith.constant 6 : i32
      %dma_start3A_96 = arith.constant 0 : i32
      %dma_start3A_97 = tpu.memref_slice %arg5[%dma_start3A_95, %dma_start3A_96] : memref<16x128xi32, #tpu.memory_space<vmem>> -> memref<1x128xi32, #tpu.memory_space<vmem>>
      %dma_start3A_98 = tpu.memref_squeeze %dma_start3A_97 : memref<1x128xi32, #tpu.memory_space<vmem>> -> memref<128xi32, #tpu.memory_space<vmem>>
      %dma_start3A_99 = arith.constant 0 : i32
      %dma_start3A_100 = arith.constant 0 : i32
      %dma_start3A_101 = tpu.memref_slice %arg2[%dma_start3A_99, %dma_start3A_100] : memref<10000x128xf32, #tpu.memory_space<hbm>> -> memref<10000x128xf32, #tpu.memory_space<hbm>>
      tpu.enqueue_indirect_dma source(%dma_start3A_101 : memref<10000x128xf32, #tpu.memory_space<hbm>>) target(%arg7 : memref<128x128xf32, #tpu.memory_space<vmem>>) offsets(%dma_start3A_98 : memref<128xi32, #tpu.memory_space<vmem>>) semaphore(%arg10 : memref<!tpu.dma_semaphore, #tpu.memory_space<semaphore_mem>>)
      %dma_wait3A_102 = arith.constant 0 : i32
      %dma_wait3A_103 = arith.constant 0 : i32
      %dma_wait3A_104 = tpu.memref_slice %arg5[%dma_wait3A_102, %dma_wait3A_103] : memref<16x128xi32, #tpu.memory_space<vmem>> -> memref<1x128xi32, #tpu.memory_space<vmem>>
      %dma_wait3A_105 = tpu.memref_squeeze %dma_wait3A_104 : memref<1x128xi32, #tpu.memory_space<vmem>> -> memref<128xi32, #tpu.memory_space<vmem>>
      %dma_wait3A_106 = arith.constant 0 : i32
      %dma_wait3A_107 = arith.constant 0 : i32
      %dma_wait3A_108 = tpu.memref_slice %arg2[%dma_wait3A_106, %dma_wait3A_107] : memref<10000x128xf32, #tpu.memory_space<hbm>> -> memref<10000x128xf32, #tpu.memory_space<hbm>>
      tpu.wait_indirect_dma semaphore(%arg9 : memref<!tpu.dma_semaphore, #tpu.memory_space<semaphore_mem>>) src(%dma_wait3A_108 : memref<10000x128xf32, #tpu.memory_space<hbm>>) dst(%arg6 : memref<128x128xf32, #tpu.memory_space<vmem>>)
      %dma_start3A_109 = arith.constant 5 : i32
      %dma_start3A_110 = arith.constant 0 : i32
      %dma_start3A_111 = tpu.memref_slice %arg5[%dma_start3A_109, %dma_start3A_110] : memref<16x128xi32, #tpu.memory_space<vmem>> -> memref<1x128xi32, #tpu.memory_space<vmem>>
      %dma_start3A_112 = tpu.memref_squeeze %dma_start3A_111 : memref<1x128xi32, #tpu.memory_space<vmem>> -> memref<128xi32, #tpu.memory_space<vmem>>
      %dma_start3A_113 = arith.constant 0 : i32
      %dma_start3A_114 = arith.constant 0 : i32
      %dma_start3A_115 = tpu.memref_slice %arg8[%dma_start3A_113, %dma_start3A_114] : memref<10112x128xf32, #tpu.memory_space<vmem_shared>> -> memref<10112x128xf32, #tpu.memory_space<vmem_shared>>
      tpu.enqueue_indirect_dma source(%arg6 : memref<128x128xf32, #tpu.memory_space<vmem>>) target(%dma_start3A_115 : memref<10112x128xf32, #tpu.memory_space<vmem_shared>>) offsets(%dma_start3A_112 : memref<128xi32, #tpu.memory_space<vmem>>) semaphore(%arg11 : memref<!tpu.dma_semaphore, #tpu.memory_space<semaphore_mem>>) {add = true}
      %dma_wait3A_116 = arith.constant 1 : i32
      %dma_wait3A_117 = arith.constant 0 : i32
      %dma_wait3A_118 = tpu.memref_slice %arg5[%dma_wait3A_116, %dma_wait3A_117] : memref<16x128xi32, #tpu.memory_space<vmem>> -> memref<1x128xi32, #tpu.memory_space<vmem>>
      %dma_wait3A_119 = tpu.memref_squeeze %dma_wait3A_118 : memref<1x128xi32, #tpu.memory_space<vmem>> -> memref<128xi32, #tpu.memory_space<vmem>>
      %dma_wait3A_120 = arith.constant 0 : i32
      %dma_wait3A_121 = arith.constant 0 : i32
      %dma_wait3A_122 = tpu.memref_slice %arg8[%dma_wait3A_120, %dma_wait3A_121] : memref<10112x128xf32, #tpu.memory_space<vmem_shared>> -> memref<10112x128xf32, #tpu.memory_space<vmem_shared>>
      tpu.wait_indirect_dma semaphore(%arg11 : memref<!tpu.dma_semaphore, #tpu.memory_space<semaphore_mem>>) src(%arg6 : memref<128x128xf32, #tpu.memory_space<vmem>>) dst(%dma_wait3A_122 : memref<10112x128xf32, #tpu.memory_space<vmem_shared>>)
      %dma_start3A_123 = arith.constant 8 : i32
      %dma_start3A_124 = arith.constant 0 : i32
      %dma_start3A_125 = tpu.memref_slice %arg5[%dma_start3A_123, %dma_start3A_124] : memref<16x128xi32, #tpu.memory_space<vmem>> -> memref<1x128xi32, #tpu.memory_space<vmem>>
      %dma_start3A_126 = tpu.memref_squeeze %dma_start3A_125 : memref<1x128xi32, #tpu.memory_space<vmem>> -> memref<128xi32, #tpu.memory_space<vmem>>
      %dma_start3A_127 = arith.constant 0 : i32
      %dma_start3A_128 = arith.constant 0 : i32
      %dma_start3A_129 = tpu.memref_slice %arg2[%dma_start3A_127, %dma_start3A_128] : memref<10000x128xf32, #tpu.memory_space<hbm>> -> memref<10000x128xf32, #tpu.memory_space<hbm>>
      tpu.enqueue_indirect_dma source(%dma_start3A_129 : memref<10000x128xf32, #tpu.memory_space<hbm>>) target(%arg6 : memref<128x128xf32, #tpu.memory_space<vmem>>) offsets(%dma_start3A_126 : memref<128xi32, #tpu.memory_space<vmem>>) semaphore(%arg9 : memref<!tpu.dma_semaphore, #tpu.memory_space<semaphore_mem>>)
      %dma_wait3A_130 = arith.constant 0 : i32
      %dma_wait3A_131 = arith.constant 0 : i32
      %dma_wait3A_132 = tpu.memref_slice %arg5[%dma_wait3A_130, %dma_wait3A_131] : memref<16x128xi32, #tpu.memory_space<vmem>> -> memref<1x128xi32, #tpu.memory_space<vmem>>
      %dma_wait3A_133 = tpu.memref_squeeze %dma_wait3A_132 : memref<1x128xi32, #tpu.memory_space<vmem>> -> memref<128xi32, #tpu.memory_space<vmem>>
      %dma_wait3A_134 = arith.constant 0 : i32
      %dma_wait3A_135 = arith.constant 0 : i32
      %dma_wait3A_136 = tpu.memref_slice %arg2[%dma_wait3A_134, %dma_wait3A_135] : memref<10000x128xf32, #tpu.memory_space<hbm>> -> memref<10000x128xf32, #tpu.memory_space<hbm>>
      tpu.wait_indirect_dma semaphore(%arg10 : memref<!tpu.dma_semaphore, #tpu.memory_space<semaphore_mem>>) src(%dma_wait3A_136 : memref<10000x128xf32, #tpu.memory_space<hbm>>) dst(%arg7 : memref<128x128xf32, #tpu.memory_space<vmem>>)
      %dma_start3A_137 = arith.constant 7 : i32
      %dma_start3A_138 = arith.constant 0 : i32
      %dma_start3A_139 = tpu.memref_slice %arg5[%dma_start3A_137, %dma_start3A_138] : memref<16x128xi32, #tpu.memory_space<vmem>> -> memref<1x128xi32, #tpu.memory_space<vmem>>
      %dma_start3A_140 = tpu.memref_squeeze %dma_start3A_139 : memref<1x128xi32, #tpu.memory_space<vmem>> -> memref<128xi32, #tpu.memory_space<vmem>>
      %dma_start3A_141 = arith.constant 0 : i32
      %dma_start3A_142 = arith.constant 0 : i32
      %dma_start3A_143 = tpu.memref_slice %arg8[%dma_start3A_141, %dma_start3A_142] : memref<10112x128xf32, #tpu.memory_space<vmem_shared>> -> memref<10112x128xf32, #tpu.memory_space<vmem_shared>>
      tpu.enqueue_indirect_dma source(%arg7 : memref<128x128xf32, #tpu.memory_space<vmem>>) target(%dma_start3A_143 : memref<10112x128xf32, #tpu.memory_space<vmem_shared>>) offsets(%dma_start3A_140 : memref<128xi32, #tpu.memory_space<vmem>>) semaphore(%arg12 : memref<!tpu.dma_semaphore, #tpu.memory_space<semaphore_mem>>) {add = true}
      %dma_wait3A_144 = arith.constant 1 : i32
      %dma_wait3A_145 = arith.constant 0 : i32
      %dma_wait3A_146 = tpu.memref_slice %arg5[%dma_wait3A_144, %dma_wait3A_145] : memref<16x128xi32, #tpu.memory_space<vmem>> -> memref<1x128xi32, #tpu.memory_space<vmem>>
      %dma_wait3A_147 = tpu.memref_squeeze %dma_wait3A_146 : memref<1x128xi32, #tpu.memory_space<vmem>> -> memref<128xi32, #tpu.memory_space<vmem>>
      %dma_wait3A_148 = arith.constant 0 : i32
      %dma_wait3A_149 = arith.constant 0 : i32
      %dma_wait3A_150 = tpu.memref_slice %arg8[%dma_wait3A_148, %dma_wait3A_149] : memref<10112x128xf32, #tpu.memory_space<vmem_shared>> -> memref<10112x128xf32, #tpu.memory_space<vmem_shared>>
      tpu.wait_indirect_dma semaphore(%arg12 : memref<!tpu.dma_semaphore, #tpu.memory_space<semaphore_mem>>) src(%arg7 : memref<128x128xf32, #tpu.memory_space<vmem>>) dst(%dma_wait3A_150 : memref<10112x128xf32, #tpu.memory_space<vmem_shared>>)
      %dma_start3A_151 = arith.constant 10 : i32
      %dma_start3A_152 = arith.constant 0 : i32
      %dma_start3A_153 = tpu.memref_slice %arg5[%dma_start3A_151, %dma_start3A_152] : memref<16x128xi32, #tpu.memory_space<vmem>> -> memref<1x128xi32, #tpu.memory_space<vmem>>
      %dma_start3A_154 = tpu.memref_squeeze %dma_start3A_153 : memref<1x128xi32, #tpu.memory_space<vmem>> -> memref<128xi32, #tpu.memory_space<vmem>>
      %dma_start3A_155 = arith.constant 0 : i32
      %dma_start3A_156 = arith.constant 0 : i32
      %dma_start3A_157 = tpu.memref_slice %arg2[%dma_start3A_155, %dma_start3A_156] : memref<10000x128xf32, #tpu.memory_space<hbm>> -> memref<10000x128xf32, #tpu.memory_space<hbm>>
      tpu.enqueue_indirect_dma source(%dma_start3A_157 : memref<10000x128xf32, #tpu.memory_space<hbm>>) target(%arg7 : memref<128x128xf32, #tpu.memory_space<vmem>>) offsets(%dma_start3A_154 : memref<128xi32, #tpu.memory_space<vmem>>) semaphore(%arg10 : memref<!tpu.dma_semaphore, #tpu.memory_space<semaphore_mem>>)
      %dma_wait3A_158 = arith.constant 0 : i32
      %dma_wait3A_159 = arith.constant 0 : i32
      %dma_wait3A_160 = tpu.memref_slice %arg5[%dma_wait3A_158, %dma_wait3A_159] : memref<16x128xi32, #tpu.memory_space<vmem>> -> memref<1x128xi32, #tpu.memory_space<vmem>>
      %dma_wait3A_161 = tpu.memref_squeeze %dma_wait3A_160 : memref<1x128xi32, #tpu.memory_space<vmem>> -> memref<128xi32, #tpu.memory_space<vmem>>
      %dma_wait3A_162 = arith.constant 0 : i32
      %dma_wait3A_163 = arith.constant 0 : i32
      %dma_wait3A_164 = tpu.memref_slice %arg2[%dma_wait3A_162, %dma_wait3A_163] : memref<10000x128xf32, #tpu.memory_space<hbm>> -> memref<10000x128xf32, #tpu.memory_space<hbm>>
      tpu.wait_indirect_dma semaphore(%arg9 : memref<!tpu.dma_semaphore, #tpu.memory_space<semaphore_mem>>) src(%dma_wait3A_164 : memref<10000x128xf32, #tpu.memory_space<hbm>>) dst(%arg6 : memref<128x128xf32, #tpu.memory_space<vmem>>)
      %dma_start3A_165 = arith.constant 9 : i32
      %dma_start3A_166 = arith.constant 0 : i32
      %dma_start3A_167 = tpu.memref_slice %arg5[%dma_start3A_165, %dma_start3A_166] : memref<16x128xi32, #tpu.memory_space<vmem>> -> memref<1x128xi32, #tpu.memory_space<vmem>>
      %dma_start3A_168 = tpu.memref_squeeze %dma_start3A_167 : memref<1x128xi32, #tpu.memory_space<vmem>> -> memref<128xi32, #tpu.memory_space<vmem>>
      %dma_start3A_169 = arith.constant 0 : i32
      %dma_start3A_170 = arith.constant 0 : i32
      %dma_start3A_171 = tpu.memref_slice %arg8[%dma_start3A_169, %dma_start3A_170] : memref<10112x128xf32, #tpu.memory_space<vmem_shared>> -> memref<10112x128xf32, #tpu.memory_space<vmem_shared>>
      tpu.enqueue_indirect_dma source(%arg6 : memref<128x128xf32, #tpu.memory_space<vmem>>) target(%dma_start3A_171 : memref<10112x128xf32, #tpu.memory_space<vmem_shared>>) offsets(%dma_start3A_168 : memref<128xi32, #tpu.memory_space<vmem>>) semaphore(%arg11 : memref<!tpu.dma_semaphore, #tpu.memory_space<semaphore_mem>>) {add = true}
      %dma_wait3A_172 = arith.constant 1 : i32
      %dma_wait3A_173 = arith.constant 0 : i32
      %dma_wait3A_174 = tpu.memref_slice %arg5[%dma_wait3A_172, %dma_wait3A_173] : memref<16x128xi32, #tpu.memory_space<vmem>> -> memref<1x128xi32, #tpu.memory_space<vmem>>
      %dma_wait3A_175 = tpu.memref_squeeze %dma_wait3A_174 : memref<1x128xi32, #tpu.memory_space<vmem>> -> memref<128xi32, #tpu.memory_space<vmem>>
      %dma_wait3A_176 = arith.constant 0 : i32
      %dma_wait3A_177 = arith.constant 0 : i32
      %dma_wait3A_178 = tpu.memref_slice %arg8[%dma_wait3A_176, %dma_wait3A_177] : memref<10112x128xf32, #tpu.memory_space<vmem_shared>> -> memref<10112x128xf32, #tpu.memory_space<vmem_shared>>
      tpu.wait_indirect_dma semaphore(%arg11 : memref<!tpu.dma_semaphore, #tpu.memory_space<semaphore_mem>>) src(%arg6 : memref<128x128xf32, #tpu.memory_space<vmem>>) dst(%dma_wait3A_178 : memref<10112x128xf32, #tpu.memory_space<vmem_shared>>)
      %dma_start3A_179 = arith.constant 12 : i32
      %dma_start3A_180 = arith.constant 0 : i32
      %dma_start3A_181 = tpu.memref_slice %arg5[%dma_start3A_179, %dma_start3A_180] : memref<16x128xi32, #tpu.memory_space<vmem>> -> memref<1x128xi32, #tpu.memory_space<vmem>>
      %dma_start3A_182 = tpu.memref_squeeze %dma_start3A_181 : memref<1x128xi32, #tpu.memory_space<vmem>> -> memref<128xi32, #tpu.memory_space<vmem>>
      %dma_start3A_183 = arith.constant 0 : i32
      %dma_start3A_184 = arith.constant 0 : i32
      %dma_start3A_185 = tpu.memref_slice %arg2[%dma_start3A_183, %dma_start3A_184] : memref<10000x128xf32, #tpu.memory_space<hbm>> -> memref<10000x128xf32, #tpu.memory_space<hbm>>
      tpu.enqueue_indirect_dma source(%dma_start3A_185 : memref<10000x128xf32, #tpu.memory_space<hbm>>) target(%arg6 : memref<128x128xf32, #tpu.memory_space<vmem>>) offsets(%dma_start3A_182 : memref<128xi32, #tpu.memory_space<vmem>>) semaphore(%arg9 : memref<!tpu.dma_semaphore, #tpu.memory_space<semaphore_mem>>)
      %dma_wait3A_186 = arith.constant 0 : i32
      %dma_wait3A_187 = arith.constant 0 : i32
      %dma_wait3A_188 = tpu.memref_slice %arg5[%dma_wait3A_186, %dma_wait3A_187] : memref<16x128xi32, #tpu.memory_space<vmem>> -> memref<1x128xi32, #tpu.memory_space<vmem>>
      %dma_wait3A_189 = tpu.memref_squeeze %dma_wait3A_188 : memref<1x128xi32, #tpu.memory_space<vmem>> -> memref<128xi32, #tpu.memory_space<vmem>>
      %dma_wait3A_190 = arith.constant 0 : i32
      %dma_wait3A_191 = arith.constant 0 : i32
      %dma_wait3A_192 = tpu.memref_slice %arg2[%dma_wait3A_190, %dma_wait3A_191] : memref<10000x128xf32, #tpu.memory_space<hbm>> -> memref<10000x128xf32, #tpu.memory_space<hbm>>
      tpu.wait_indirect_dma semaphore(%arg10 : memref<!tpu.dma_semaphore, #tpu.memory_space<semaphore_mem>>) src(%dma_wait3A_192 : memref<10000x128xf32, #tpu.memory_space<hbm>>) dst(%arg7 : memref<128x128xf32, #tpu.memory_space<vmem>>)
      %dma_start3A_193 = arith.constant 11 : i32
      %dma_start3A_194 = arith.constant 0 : i32
      %dma_start3A_195 = tpu.memref_slice %arg5[%dma_start3A_193, %dma_start3A_194] : memref<16x128xi32, #tpu.memory_space<vmem>> -> memref<1x128xi32, #tpu.memory_space<vmem>>
      %dma_start3A_196 = tpu.memref_squeeze %dma_start3A_195 : memref<1x128xi32, #tpu.memory_space<vmem>> -> memref<128xi32, #tpu.memory_space<vmem>>
      %dma_start3A_197 = arith.constant 0 : i32
      %dma_start3A_198 = arith.constant 0 : i32
      %dma_start3A_199 = tpu.memref_slice %arg8[%dma_start3A_197, %dma_start3A_198] : memref<10112x128xf32, #tpu.memory_space<vmem_shared>> -> memref<10112x128xf32, #tpu.memory_space<vmem_shared>>
      tpu.enqueue_indirect_dma source(%arg7 : memref<128x128xf32, #tpu.memory_space<vmem>>) target(%dma_start3A_199 : memref<10112x128xf32, #tpu.memory_space<vmem_shared>>) offsets(%dma_start3A_196 : memref<128xi32, #tpu.memory_space<vmem>>) semaphore(%arg12 : memref<!tpu.dma_semaphore, #tpu.memory_space<semaphore_mem>>) {add = true}
      %dma_wait3A_200 = arith.constant 1 : i32
      %dma_wait3A_201 = arith.constant 0 : i32
      %dma_wait3A_202 = tpu.memref_slice %arg5[%dma_wait3A_200, %dma_wait3A_201] : memref<16x128xi32, #tpu.memory_space<vmem>> -> memref<1x128xi32, #tpu.memory_space<vmem>>
      %dma_wait3A_203 = tpu.memref_squeeze %dma_wait3A_202 : memref<1x128xi32, #tpu.memory_space<vmem>> -> memref<128xi32, #tpu.memory_space<vmem>>
      %dma_wait3A_204 = arith.constant 0 : i32
      %dma_wait3A_205 = arith.constant 0 : i32
      %dma_wait3A_206 = tpu.memref_slice %arg8[%dma_wait3A_204, %dma_wait3A_205] : memref<10112x128xf32, #tpu.memory_space<vmem_shared>> -> memref<10112x128xf32, #tpu.memory_space<vmem_shared>>
      tpu.wait_indirect_dma semaphore(%arg12 : memref<!tpu.dma_semaphore, #tpu.memory_space<semaphore_mem>>) src(%arg7 : memref<128x128xf32, #tpu.memory_space<vmem>>) dst(%dma_wait3A_206 : memref<10112x128xf32, #tpu.memory_space<vmem_shared>>)
      %dma_start3A_207 = arith.constant 14 : i32
      %dma_start3A_208 = arith.constant 0 : i32
      %dma_start3A_209 = tpu.memref_slice %arg5[%dma_start3A_207, %dma_start3A_208] : memref<16x128xi32, #tpu.memory_space<vmem>> -> memref<1x128xi32, #tpu.memory_space<vmem>>
      %dma_start3A_210 = tpu.memref_squeeze %dma_start3A_209 : memref<1x128xi32, #tpu.memory_space<vmem>> -> memref<128xi32, #tpu.memory_space<vmem>>
      %dma_start3A_211 = arith.constant 0 : i32
      %dma_start3A_212 = arith.constant 0 : i32
      %dma_start3A_213 = tpu.memref_slice %arg2[%dma_start3A_211, %dma_start3A_212] : memref<10000x128xf32, #tpu.memory_space<hbm>> -> memref<10000x128xf32, #tpu.memory_space<hbm>>
      tpu.enqueue_indirect_dma source(%dma_start3A_213 : memref<10000x128xf32, #tpu.memory_space<hbm>>) target(%arg7 : memref<128x128xf32, #tpu.memory_space<vmem>>) offsets(%dma_start3A_210 : memref<128xi32, #tpu.memory_space<vmem>>) semaphore(%arg10 : memref<!tpu.dma_semaphore, #tpu.memory_space<semaphore_mem>>)
      %dma_wait3A_214 = arith.constant 0 : i32
      %dma_wait3A_215 = arith.constant 0 : i32
      %dma_wait3A_216 = tpu.memref_slice %arg5[%dma_wait3A_214, %dma_wait3A_215] : memref<16x128xi32, #tpu.memory_space<vmem>> -> memref<1x128xi32, #tpu.memory_space<vmem>>
      %dma_wait3A_217 = tpu.memref_squeeze %dma_wait3A_216 : memref<1x128xi32, #tpu.memory_space<vmem>> -> memref<128xi32, #tpu.memory_space<vmem>>
      %dma_wait3A_218 = arith.constant 0 : i32
      %dma_wait3A_219 = arith.constant 0 : i32
      %dma_wait3A_220 = tpu.memref_slice %arg2[%dma_wait3A_218, %dma_wait3A_219] : memref<10000x128xf32, #tpu.memory_space<hbm>> -> memref<10000x128xf32, #tpu.memory_space<hbm>>
      tpu.wait_indirect_dma semaphore(%arg9 : memref<!tpu.dma_semaphore, #tpu.memory_space<semaphore_mem>>) src(%dma_wait3A_220 : memref<10000x128xf32, #tpu.memory_space<hbm>>) dst(%arg6 : memref<128x128xf32, #tpu.memory_space<vmem>>)
      %dma_start3A_221 = arith.constant 13 : i32
      %dma_start3A_222 = arith.constant 0 : i32
      %dma_start3A_223 = tpu.memref_slice %arg5[%dma_start3A_221, %dma_start3A_222] : memref<16x128xi32, #tpu.memory_space<vmem>> -> memref<1x128xi32, #tpu.memory_space<vmem>>
      %dma_start3A_224 = tpu.memref_squeeze %dma_start3A_223 : memref<1x128xi32, #tpu.memory_space<vmem>> -> memref<128xi32, #tpu.memory_space<vmem>>
      %dma_start3A_225 = arith.constant 0 : i32
      %dma_start3A_226 = arith.constant 0 : i32
      %dma_start3A_227 = tpu.memref_slice %arg8[%dma_start3A_225, %dma_start3A_226] : memref<10112x128xf32, #tpu.memory_space<vmem_shared>> -> memref<10112x128xf32, #tpu.memory_space<vmem_shared>>
      tpu.enqueue_indirect_dma source(%arg6 : memref<128x128xf32, #tpu.memory_space<vmem>>) target(%dma_start3A_227 : memref<10112x128xf32, #tpu.memory_space<vmem_shared>>) offsets(%dma_start3A_224 : memref<128xi32, #tpu.memory_space<vmem>>) semaphore(%arg11 : memref<!tpu.dma_semaphore, #tpu.memory_space<semaphore_mem>>) {add = true}
      %dma_wait3A_228 = arith.constant 0 : i32
      %dma_wait3A_229 = arith.constant 0 : i32
      %dma_wait3A_230 = tpu.memref_slice %arg5[%dma_wait3A_228, %dma_wait3A_229] : memref<16x128xi32, #tpu.memory_space<vmem>> -> memref<1x128xi32, #tpu.memory_space<vmem>>
      %dma_wait3A_231 = tpu.memref_squeeze %dma_wait3A_230 : memref<1x128xi32, #tpu.memory_space<vmem>> -> memref<128xi32, #tpu.memory_space<vmem>>
      %dma_wait3A_232 = arith.constant 0 : i32
      %dma_wait3A_233 = arith.constant 0 : i32
      %dma_wait3A_234 = tpu.memref_slice %arg2[%dma_wait3A_232, %dma_wait3A_233] : memref<10000x128xf32, #tpu.memory_space<hbm>> -> memref<10000x128xf32, #tpu.memory_space<hbm>>
      tpu.wait_indirect_dma semaphore(%arg10 : memref<!tpu.dma_semaphore, #tpu.memory_space<semaphore_mem>>) src(%dma_wait3A_234 : memref<10000x128xf32, #tpu.memory_space<hbm>>) dst(%arg7 : memref<128x128xf32, #tpu.memory_space<vmem>>)
      %dma_start3A_235 = arith.constant 15 : i32
      %dma_start3A_236 = arith.constant 0 : i32
      %dma_start3A_237 = tpu.memref_slice %arg5[%dma_start3A_235, %dma_start3A_236] : memref<16x128xi32, #tpu.memory_space<vmem>> -> memref<1x128xi32, #tpu.memory_space<vmem>>
      %dma_start3A_238 = tpu.memref_squeeze %dma_start3A_237 : memref<1x128xi32, #tpu.memory_space<vmem>> -> memref<128xi32, #tpu.memory_space<vmem>>
      %dma_start3A_239 = arith.constant 0 : i32
      %dma_start3A_240 = arith.constant 0 : i32
      %dma_start3A_241 = tpu.memref_slice %arg8[%dma_start3A_239, %dma_start3A_240] : memref<10112x128xf32, #tpu.memory_space<vmem_shared>> -> memref<10112x128xf32, #tpu.memory_space<vmem_shared>>
      tpu.enqueue_indirect_dma source(%arg7 : memref<128x128xf32, #tpu.memory_space<vmem>>) target(%dma_start3A_241 : memref<10112x128xf32, #tpu.memory_space<vmem_shared>>) offsets(%dma_start3A_238 : memref<128xi32, #tpu.memory_space<vmem>>) semaphore(%arg12 : memref<!tpu.dma_semaphore, #tpu.memory_space<semaphore_mem>>) {add = true}
      %dma_wait3A_242 = arith.constant 1 : i32
      %dma_wait3A_243 = arith.constant 0 : i32
      %dma_wait3A_244 = tpu.memref_slice %arg5[%dma_wait3A_242, %dma_wait3A_243] : memref<16x128xi32, #tpu.memory_space<vmem>> -> memref<1x128xi32, #tpu.memory_space<vmem>>
      %dma_wait3A_245 = tpu.memref_squeeze %dma_wait3A_244 : memref<1x128xi32, #tpu.memory_space<vmem>> -> memref<128xi32, #tpu.memory_space<vmem>>
      %dma_wait3A_246 = arith.constant 0 : i32
      %dma_wait3A_247 = arith.constant 0 : i32
      %dma_wait3A_248 = tpu.memref_slice %arg8[%dma_wait3A_246, %dma_wait3A_247] : memref<10112x128xf32, #tpu.memory_space<vmem_shared>> -> memref<10112x128xf32, #tpu.memory_space<vmem_shared>>
      tpu.wait_indirect_dma semaphore(%arg11 : memref<!tpu.dma_semaphore, #tpu.memory_space<semaphore_mem>>) src(%arg6 : memref<128x128xf32, #tpu.memory_space<vmem>>) dst(%dma_wait3A_248 : memref<10112x128xf32, #tpu.memory_space<vmem_shared>>)
      %dma_wait3A_249 = arith.constant 1 : i32
      %dma_wait3A_250 = arith.constant 0 : i32
      %dma_wait3A_251 = tpu.memref_slice %arg5[%dma_wait3A_249, %dma_wait3A_250] : memref<16x128xi32, #tpu.memory_space<vmem>> -> memref<1x128xi32, #tpu.memory_space<vmem>>
      %dma_wait3A_252 = tpu.memref_squeeze %dma_wait3A_251 : memref<1x128xi32, #tpu.memory_space<vmem>> -> memref<128xi32, #tpu.memory_space<vmem>>
      %dma_wait3A_253 = arith.constant 0 : i32
      %dma_wait3A_254 = arith.constant 0 : i32
      %dma_wait3A_255 = tpu.memref_slice %arg8[%dma_wait3A_253, %dma_wait3A_254] : memref<10112x128xf32, #tpu.memory_space<vmem_shared>> -> memref<10112x128xf32, #tpu.memory_space<vmem_shared>>
      tpu.wait_indirect_dma semaphore(%arg12 : memref<!tpu.dma_semaphore, #tpu.memory_space<semaphore_mem>>) src(%arg7 : memref<128x128xf32, #tpu.memory_space<vmem>>) dst(%dma_wait3A_255 : memref<10112x128xf32, #tpu.memory_space<vmem_shared>>)
    }
    %scan3A_19 = arith.constant 10 : i32
    %barrier3A_20 = arith.constant 0 : index
    tpu.barrier barrier_id(%barrier3A_20)
    %lt3A = arith.constant 15 : i32
    %lt3A_21 = arith.cmpi slt, %arg1, %lt3A : i32
    %convert_element_type3A = arith.extui %lt3A_21 : i1 to i32
    %cond3A = arith.constant 0 : i32
    %cond3A_22 = arith.cmpi ne, %convert_element_type3A, %cond3A : i32
    scf.if %cond3A_22 {
      %mul3A_27 = arith.constant 632 : i32
      %mul3A_28 = arith.muli %arg1, %mul3A_27 : i32
      %mul3A_29 = arith.constant 10000 : i32
      %mul3A_30 = arith.muli %arg0, %mul3A_29 : i32
      %mul3A_31 = arith.constant 632 : i32
      %mul3A_32 = arith.muli %arg1, %mul3A_31 : i32
      %add3A_33 = arith.addi %mul3A_30, %mul3A_32 : i32
      "tpu.region"() ({
        %run_scoped3A = tpu.sem_alloc : memref<!tpu.dma_semaphore, #tpu.memory_space<semaphore_mem>>
        %dma_start3A = arith.constant 0 : i32
        %dma_start3A_34 = tpu.memref_slice %arg4[%add3A_33, %dma_start3A] : memref<20000x128xf32, #tpu.memory_space<hbm>> -> memref<632x128xf32, #tpu.memory_space<hbm>>
        %dma_start3A_35 = arith.constant 0 : i32
        %dma_start3A_36 = tpu.memref_slice %arg8[%mul3A_28, %dma_start3A_35] : memref<10112x128xf32, #tpu.memory_space<vmem_shared>> -> memref<632x128xf32, #tpu.memory_space<vmem_shared>>
        tpu.enqueue_dma source(%dma_start3A_36 : memref<632x128xf32, #tpu.memory_space<vmem_shared>>) target(%dma_start3A_34 : memref<632x128xf32, #tpu.memory_space<hbm>>) target_semaphore(%run_scoped3A : memref<!tpu.dma_semaphore, #tpu.memory_space<semaphore_mem>>)
        %dma_wait3A = arith.constant 0 : i32
        %dma_wait3A_37 = tpu.memref_slice %arg4[%add3A_33, %dma_wait3A] : memref<20000x128xf32, #tpu.memory_space<hbm>> -> memref<632x128xf32, #tpu.memory_space<hbm>>
        %dma_wait3A_38 = arith.constant 0 : i32
        %dma_wait3A_39 = tpu.memref_slice %arg8[%mul3A_28, %dma_wait3A_38] : memref<10112x128xf32, #tpu.memory_space<vmem_shared>> -> memref<632x128xf32, #tpu.memory_space<vmem_shared>>
        tpu.wait_dma2 semaphore(%run_scoped3A : memref<!tpu.dma_semaphore, #tpu.memory_space<semaphore_mem>>) src(%dma_wait3A_39 : memref<632x128xf32, #tpu.memory_space<vmem_shared>>) dst(%dma_wait3A_37 : memref<632x128xf32, #tpu.memory_space<hbm>>)
        tpu.yield
      }) : () -> ()
    } else {
    }
    %eq3A = arith.constant 15 : i32
    %eq3A_23 = arith.cmpi eq, %arg1, %eq3A : i32
    %convert_element_type3A_24 = arith.extui %eq3A_23 : i1 to i32
    %cond3A_25 = arith.constant 0 : i32
    %cond3A_26 = arith.cmpi ne, %convert_element_type3A_24, %cond3A_25 : i32
    scf.if %cond3A_26 {
      %mul3A_27 = arith.constant 10000 : i32
      %mul3A_28 = arith.muli %arg0, %mul3A_27 : i32
      %add3A_29 = arith.constant 9480 : i32
      %add3A_30 = arith.addi %mul3A_28, %add3A_29 : i32
      "tpu.region"() ({
        %run_scoped3A = tpu.sem_alloc : memref<!tpu.dma_semaphore, #tpu.memory_space<semaphore_mem>>
        %dma_start3A = arith.constant 0 : i32
        %dma_start3A_31 = tpu.memref_slice %arg4[%add3A_30, %dma_start3A] : memref<20000x128xf32, #tpu.memory_space<hbm>> -> memref<520x128xf32, #tpu.memory_space<hbm>>
        %dma_start3A_32 = arith.constant 9480 : i32
        %dma_start3A_33 = arith.constant 0 : i32
        %dma_start3A_34 = tpu.memref_slice %arg8[%dma_start3A_32, %dma_start3A_33] : memref<10112x128xf32, #tpu.memory_space<vmem_shared>> -> memref<520x128xf32, #tpu.memory_space<vmem_shared>>
        tpu.enqueue_dma source(%dma_start3A_34 : memref<520x128xf32, #tpu.memory_space<vmem_shared>>) target(%dma_start3A_31 : memref<520x128xf32, #tpu.memory_space<hbm>>) target_semaphore(%run_scoped3A : memref<!tpu.dma_semaphore, #tpu.memory_space<semaphore_mem>>)
        %dma_wait3A = arith.constant 0 : i32
        %dma_wait3A_35 = tpu.memref_slice %arg4[%add3A_30, %dma_wait3A] : memref<20000x128xf32, #tpu.memory_space<hbm>> -> memref<520x128xf32, #tpu.memory_space<hbm>>
        %dma_wait3A_36 = arith.constant 9480 : i32
        %dma_wait3A_37 = arith.constant 0 : i32
        %dma_wait3A_38 = tpu.memref_slice %arg8[%dma_wait3A_36, %dma_wait3A_37] : memref<10112x128xf32, #tpu.memory_space<vmem_shared>> -> memref<520x128xf32, #tpu.memory_space<vmem_shared>>
        tpu.wait_dma2 semaphore(%run_scoped3A : memref<!tpu.dma_semaphore, #tpu.memory_space<semaphore_mem>>) src(%dma_wait3A_38 : memref<520x128xf32, #tpu.memory_space<vmem_shared>>) dst(%dma_wait3A_35 : memref<520x128xf32, #tpu.memory_space<hbm>>)
        tpu.yield
      }) : () -> ()
    } else {
    }
    return
  }
}

module attributes {stable_mosaic.version = 14 : i64} {
  func.func @_xw_body(%arg0: i32, %arg1: memref<1000x128xf32, #tpu.memory_space<vmem>>, %arg2: memref<128x128xf32, #tpu.memory_space<vmem>>, %arg3: memref<1x128xf32, #tpu.memory_space<vmem>>, %arg4: memref<1000x128xf32, #tpu.memory_space<vmem>>) attributes {dimension_semantics = [#tpu.dimension_semantics<arbitrary>], iteration_bounds = array<i64: 10>, scalar_prefetch = 0 : i64, scratch_operands = 0 : i64, tpu.core_type = #tpu.core_type<tc>, window_params = [{transform_indices = @transform_0, window_bounds = array<i64: 1000, 128>}, {pipeline_mode = #tpu.pipeline_mode<synchronous>, transform_indices = @transform_1, window_bounds = array<i64: 128, 128>}, {pipeline_mode = #tpu.pipeline_mode<synchronous>, transform_indices = @transform_2, window_bounds = array<i64: 1, 128>}, {transform_indices = @transform_3, window_bounds = array<i64: 1000, 128>}]} {
    %get3A = arith.constant 0 : index
    %get3A_0 = arith.constant 0 : index
    %get3A_1 = vector.load %arg1[%get3A, %get3A_0] : memref<1000x128xf32, #tpu.memory_space<vmem>>, vector<1000x128xf32>
    %get3A_2 = arith.constant 0 : index
    %get3A_3 = arith.constant 0 : index
    %get3A_4 = vector.load %arg2[%get3A_2, %get3A_3] : memref<128x128xf32, #tpu.memory_space<vmem>>, vector<128x128xf32>
    %dot_general3A = arith.constant dense<0.000000e+00> : vector<1000x128xf32>
    %dot_general3A_5 = tpu.matmul %get3A_1, %get3A_4, %dot_general3A {dimension_numbers = #tpu.dot_dimension_numbers<[1], [0], [0], [1], [0, 0, 1, 1], [], []>, transpose_lhs_hint = false} : vector<1000x128xf32>, vector<128x128xf32>, vector<1000x128xf32> -> vector<1000x128xf32>
    %get3A_6 = arith.constant 0 : index
    %get3A_7 = arith.constant 0 : index
    %get3A_8 = vector.load %arg3[%get3A_6, %get3A_7] : memref<1x128xf32, #tpu.memory_space<vmem>>, vector<1x128xf32>
    %add3A = vector.broadcast %get3A_8 : vector<1x128xf32> to vector<1000x128xf32>
    %add3A_9 = arith.addf %dot_general3A_5, %add3A : vector<1000x128xf32>
    %swap3A = arith.constant 0 : index
    %swap3A_10 = arith.constant 0 : index
    %swap3A_11 = vector.load %arg4[%swap3A, %swap3A_10] : memref<1000x128xf32, #tpu.memory_space<vmem>>, vector<1000x128xf32>
    tpu.vector_store %arg4[%swap3A, %swap3A_10], %add3A_9 {strides = array<i32>} : memref<1000x128xf32, #tpu.memory_space<vmem>>, vector<1000x128xf32>,
    return
  }
  func.func @transform_0(%arg0: i32) -> (i32, i32) {
    %c0_i32 = arith.constant 0 : i32
    %c0_i32_0 = arith.constant 0 : i32
    return %arg0, %c0_i32 : i32, i32
  }
  func.func @transform_1(%arg0: i32) -> (i32, i32) {
    %c0_i32 = arith.constant 0 : i32
    %c0_i32_0 = arith.constant 0 : i32
    %c0_i32_1 = arith.constant 0 : i32
    return %c0_i32, %c0_i32_0 : i32, i32
  }
  func.func @transform_2(%arg0: i32) -> (i32, i32) {
    %c0_i32 = arith.constant 0 : i32
    %c0_i32_0 = arith.constant 0 : i32
    %c0_i32_1 = arith.constant 0 : i32
    return %c0_i32, %c0_i32_0 : i32, i32
  }
  func.func @transform_3(%arg0: i32) -> (i32, i32) {
    %c0_i32 = arith.constant 0 : i32
    %c0_i32_0 = arith.constant 0 : i32
    return %arg0, %c0_i32 : i32, i32
  }
}

module attributes {stable_mosaic.version = 14 : i64} {
  func.func @_comb_body(%arg0: i32, %arg1: memref<1000x128xf32, #tpu.memory_space<vmem>>, %arg2: memref<1000x128xf32, #tpu.memory_space<vmem>>, %arg3: memref<1000x128xf32, #tpu.memory_space<vmem>>, %arg4: memref<1000x128xf32, #tpu.memory_space<vmem>>, %arg5: memref<1000x128xf32, #tpu.memory_space<vmem>>, %arg6: memref<128x128xf32, #tpu.memory_space<vmem>>, %arg7: memref<1000x128xf32, #tpu.memory_space<vmem>>) attributes {dimension_semantics = [#tpu.dimension_semantics<arbitrary>], iteration_bounds = array<i64: 10>, scalar_prefetch = 0 : i64, scratch_operands = 0 : i64, tpu.core_type = #tpu.core_type<tc>, window_params = [{transform_indices = @transform_0, window_bounds = array<i64: 1000, 128>}, {transform_indices = @transform_1, window_bounds = array<i64: 1000, 128>}, {transform_indices = @transform_2, window_bounds = array<i64: 1000, 128>}, {transform_indices = @transform_3, window_bounds = array<i64: 1000, 128>}, {transform_indices = @transform_4, window_bounds = array<i64: 1000, 128>}, {pipeline_mode = #tpu.pipeline_mode<synchronous>, transform_indices = @transform_5, window_bounds = array<i64: 128, 128>}, {transform_indices = @transform_6, window_bounds = array<i64: 1000, 128>}]} {
    %get3A = arith.constant 0 : index
    %get3A_0 = arith.constant 0 : index
    %get3A_1 = vector.load %arg1[%get3A, %get3A_0] : memref<1000x128xf32, #tpu.memory_space<vmem>>, vector<1000x128xf32>
    %get3A_2 = arith.constant 0 : index
    %get3A_3 = arith.constant 0 : index
    %get3A_4 = vector.load %arg2[%get3A_2, %get3A_3] : memref<1000x128xf32, #tpu.memory_space<vmem>>, vector<1000x128xf32>
    %get3A_5 = arith.constant 0 : index
    %get3A_6 = arith.constant 0 : index
    %get3A_7 = vector.load %arg3[%get3A_5, %get3A_6] : memref<1000x128xf32, #tpu.memory_space<vmem>>, vector<1000x128xf32>
    %get3A_8 = arith.constant 0 : index
    %get3A_9 = arith.constant 0 : index
    %get3A_10 = vector.load %arg4[%get3A_8, %get3A_9] : memref<1000x128xf32, #tpu.memory_space<vmem>>, vector<1000x128xf32>
    %add3A = arith.addf %get3A_7, %get3A_10 : vector<1000x128xf32>
    %slice3A = vector.extract_strided_slice %add3A {offsets = [0, 0], sizes = [1000, 1], strides = [1, 1]} : vector<1000x128xf32> to vector<1000x1xf32>
    %max3A = arith.constant 1.000000e+00 : f32
    %max3A_11 = vector.broadcast %max3A : f32 to vector<1000x1xf32>
    %max3A_12 = arith.maximumf %slice3A, %max3A_11 : vector<1000x1xf32>
    %add3A_13 = arith.addf %get3A_1, %get3A_4 : vector<1000x128xf32>
    %div3A = vector.broadcast %max3A_12 : vector<1000x1xf32> to vector<1000x128xf32>
    %div3A_14 = arith.divf %add3A_13, %div3A : vector<1000x128xf32>
    %get3A_15 = arith.constant 0 : index
    %get3A_16 = arith.constant 0 : index
    %get3A_17 = vector.load %arg6[%get3A_15, %get3A_16] : memref<128x128xf32, #tpu.memory_space<vmem>>, vector<128x128xf32>
    %dot_general3A = arith.constant dense<0.000000e+00> : vector<1000x128xf32>
    %dot_general3A_18 = tpu.matmul %div3A_14, %get3A_17, %dot_general3A {dimension_numbers = #tpu.dot_dimension_numbers<[1], [0], [0], [1], [0, 0, 1, 1], [], []>, transpose_lhs_hint = false} : vector<1000x128xf32>, vector<128x128xf32>, vector<1000x128xf32> -> vector<1000x128xf32>
    %get3A_19 = arith.constant 0 : index
    %get3A_20 = arith.constant 0 : index
    %get3A_21 = vector.load %arg5[%get3A_19, %get3A_20] : memref<1000x128xf32, #tpu.memory_space<vmem>>, vector<1000x128xf32>
    %add3A_22 = arith.addf %dot_general3A_18, %get3A_21 : vector<1000x128xf32>
    %max3A_23 = arith.constant 0.000000e+00 : f32
    %max3A_24 = vector.broadcast %max3A_23 : f32 to vector<1000x128xf32>
    %max3A_25 = arith.maximumf %add3A_22, %max3A_24 : vector<1000x128xf32>
    %swap3A = arith.constant 0 : index
    %swap3A_26 = arith.constant 0 : index
    %swap3A_27 = vector.load %arg7[%swap3A, %swap3A_26] : memref<1000x128xf32, #tpu.memory_space<vmem>>, vector<1000x128xf32>
    tpu.vector_store %arg7[%swap3A, %swap3A_26], %max3A_25 {strides = array<i32>} : memref<1000x128xf32, #tpu.memory_space<vmem>>, vector<1000x128xf32>,
    return
  }
  func.func @transform_0(%arg0: i32) -> (i32, i32) {
    %c0_i32 = arith.constant 0 : i32
    %c0_i32_0 = arith.constant 0 : i32
    return %arg0, %c0_i32 : i32, i32
  }
  func.func @transform_1(%arg0: i32) -> (i32, i32) {
    %add3A = arith.constant 10 : i32
    %add3A_0 = arith.addi %arg0, %add3A : i32
    %c0_i32 = arith.constant 0 : i32
    %c0_i32_1 = arith.constant 0 : i32
    return %add3A_0, %c0_i32 : i32, i32
  }
  func.func @transform_2(%arg0: i32) -> (i32, i32) {
    %c0_i32 = arith.constant 0 : i32
    %c0_i32_0 = arith.constant 0 : i32
    return %arg0, %c0_i32 : i32, i32
  }
  func.func @transform_3(%arg0: i32) -> (i32, i32) {
    %add3A = arith.constant 10 : i32
    %add3A_0 = arith.addi %arg0, %add3A : i32
    %c0_i32 = arith.constant 0 : i32
    %c0_i32_1 = arith.constant 0 : i32
    return %add3A_0, %c0_i32 : i32, i32
  }
  func.func @transform_4(%arg0: i32) -> (i32, i32) {
    %c0_i32 = arith.constant 0 : i32
    %c0_i32_0 = arith.constant 0 : i32
    return %arg0, %c0_i32 : i32, i32
  }
  func.func @transform_5(%arg0: i32) -> (i32, i32) {
    %c0_i32 = arith.constant 0 : i32
    %c0_i32_0 = arith.constant 0 : i32
    %c0_i32_1 = arith.constant 0 : i32
    return %c0_i32, %c0_i32_0 : i32, i32
  }
  func.func @transform_6(%arg0: i32) -> (i32, i32) {
    %c0_i32 = arith.constant 0 : i32
    %c0_i32_0 = arith.constant 0 : i32
    return %arg0, %c0_i32 : i32, i32
  }
}

module attributes {stable_mosaic.version = 14 : i64} {
  func.func @_final_body(%arg0: i32, %arg1: memref<1000x128xf32, #tpu.memory_space<vmem>>, %arg2: memref<1000x128xf32, #tpu.memory_space<vmem>>, %arg3: memref<1000x128xf32, #tpu.memory_space<vmem>>, %arg4: memref<1000x128xf32, #tpu.memory_space<vmem>>, %arg5: memref<1000x128xf32, #tpu.memory_space<vmem>>, %arg6: memref<128x128xf32, #tpu.memory_space<vmem>>, %arg7: memref<1000x1xi32, #tpu.memory_space<vmem>>, %arg8: memref<128x1xf32, #tpu.memory_space<vmem>>, %arg9: memref<1x1xf32, #tpu.memory_space<vmem>>, %arg10: memref<16x1xf32, #tpu.memory_space<vmem>>, %arg11: memref<16x128xf32, #tpu.memory_space<vmem>>, %arg12: memref<16x128xf32, #tpu.memory_space<vmem>>) attributes {dimension_semantics = [#tpu.dimension_semantics<arbitrary>], iteration_bounds = array<i64: 10>, scalar_prefetch = 0 : i64, scratch_operands = 2 : i64, tpu.core_type = #tpu.core_type<tc>, window_params = [{transform_indices = @transform_0, window_bounds = array<i64: 1000, 128>}, {transform_indices = @transform_1, window_bounds = array<i64: 1000, 128>}, {transform_indices = @transform_2, window_bounds = array<i64: 1000, 128>}, {transform_indices = @transform_3, window_bounds = array<i64: 1000, 128>}, {transform_indices = @transform_4, window_bounds = array<i64: 1000, 128>}, {pipeline_mode = #tpu.pipeline_mode<synchronous>, transform_indices = @transform_5, window_bounds = array<i64: 128, 128>}, {transform_indices = @transform_6, window_bounds = array<i64: 1000, 1>}, {pipeline_mode = #tpu.pipeline_mode<synchronous>, transform_indices = @transform_7, window_bounds = array<i64: 128, 1>}, {pipeline_mode = #tpu.pipeline_mode<synchronous>, transform_indices = @transform_8, window_bounds = array<i64: 1, 1>}, {pipeline_mode = #tpu.pipeline_mode<synchronous>, transform_indices = @transform_9, window_bounds = array<i64: 16, 1>}]} {
    %eq3A = arith.constant 0 : i32
    %eq3A_0 = arith.cmpi eq, %arg0, %eq3A : i32
    %convert_element_type3A = arith.extui %eq3A_0 : i1 to i32
    %cond3A = arith.constant 0 : i32
    %cond3A_1 = arith.cmpi ne, %convert_element_type3A, %cond3A : i32
    scf.if %cond3A_1 {
      %broadcast_in_dim3A_58 = arith.constant 0.000000e+00 : f32
      %broadcast_in_dim3A_59 = vector.broadcast %broadcast_in_dim3A_58 : f32 to vector<16x128xf32>
      %swap3A_60 = arith.constant 0 : index
      %swap3A_61 = arith.constant 0 : index
      %swap3A_62 = vector.load %arg11[%swap3A_60, %swap3A_61] : memref<16x128xf32, #tpu.memory_space<vmem>>, vector<16x128xf32>
      tpu.vector_store %arg11[%swap3A_60, %swap3A_61], %broadcast_in_dim3A_59 {strides = array<i32>} : memref<16x128xf32, #tpu.memory_space<vmem>>, vector<16x128xf32>,
      %broadcast_in_dim3A_63 = arith.constant 0.000000e+00 : f32
      %broadcast_in_dim3A_64 = vector.broadcast %broadcast_in_dim3A_63 : f32 to vector<16x128xf32>
      %swap3A_65 = arith.constant 0 : index
      %swap3A_66 = arith.constant 0 : index
      %swap3A_67 = vector.load %arg12[%swap3A_65, %swap3A_66] : memref<16x128xf32, #tpu.memory_space<vmem>>, vector<16x128xf32>
      tpu.vector_store %arg12[%swap3A_65, %swap3A_66], %broadcast_in_dim3A_64 {strides = array<i32>} : memref<16x128xf32, #tpu.memory_space<vmem>>, vector<16x128xf32>,
    } else {
    }
    %get3A = arith.constant 0 : index
    %get3A_2 = arith.constant 0 : index
    %get3A_3 = vector.load %arg1[%get3A, %get3A_2] : memref<1000x128xf32, #tpu.memory_space<vmem>>, vector<1000x128xf32>
    %get3A_4 = arith.constant 0 : index
    %get3A_5 = arith.constant 0 : index
    %get3A_6 = vector.load %arg2[%get3A_4, %get3A_5] : memref<1000x128xf32, #tpu.memory_space<vmem>>, vector<1000x128xf32>
    %get3A_7 = arith.constant 0 : index
    %get3A_8 = arith.constant 0 : index
    %get3A_9 = vector.load %arg3[%get3A_7, %get3A_8] : memref<1000x128xf32, #tpu.memory_space<vmem>>, vector<1000x128xf32>
    %get3A_10 = arith.constant 0 : index
    %get3A_11 = arith.constant 0 : index
    %get3A_12 = vector.load %arg4[%get3A_10, %get3A_11] : memref<1000x128xf32, #tpu.memory_space<vmem>>, vector<1000x128xf32>
    %add3A = arith.addf %get3A_9, %get3A_12 : vector<1000x128xf32>
    %slice3A = vector.extract_strided_slice %add3A {offsets = [0, 0], sizes = [1000, 1], strides = [1, 1]} : vector<1000x128xf32> to vector<1000x1xf32>
    %max3A = arith.constant 1.000000e+00 : f32
    %max3A_13 = vector.broadcast %max3A : f32 to vector<1000x1xf32>
    %max3A_14 = arith.maximumf %slice3A, %max3A_13 : vector<1000x1xf32>
    %add3A_15 = arith.addf %get3A_3, %get3A_6 : vector<1000x128xf32>
    %div3A = vector.broadcast %max3A_14 : vector<1000x1xf32> to vector<1000x128xf32>
    %div3A_16 = arith.divf %add3A_15, %div3A : vector<1000x128xf32>
    %get3A_17 = arith.constant 0 : index
    %get3A_18 = arith.constant 0 : index
    %get3A_19 = vector.load %arg6[%get3A_17, %get3A_18] : memref<128x128xf32, #tpu.memory_space<vmem>>, vector<128x128xf32>
    %dot_general3A = arith.constant dense<0.000000e+00> : vector<1000x128xf32>
    %dot_general3A_20 = tpu.matmul %div3A_16, %get3A_19, %dot_general3A {dimension_numbers = #tpu.dot_dimension_numbers<[1], [0], [0], [1], [0, 0, 1, 1], [], []>, transpose_lhs_hint = false} : vector<1000x128xf32>, vector<128x128xf32>, vector<1000x128xf32> -> vector<1000x128xf32>
    %get3A_21 = arith.constant 0 : index
    %get3A_22 = arith.constant 0 : index
    %get3A_23 = vector.load %arg5[%get3A_21, %get3A_22] : memref<1000x128xf32, #tpu.memory_space<vmem>>, vector<1000x128xf32>
    %add3A_24 = arith.addf %dot_general3A_20, %get3A_23 : vector<1000x128xf32>
    %max3A_25 = arith.constant 0.000000e+00 : f32
    %max3A_26 = vector.broadcast %max3A_25 : f32 to vector<1000x128xf32>
    %max3A_27 = arith.maximumf %add3A_24, %max3A_26 : vector<1000x128xf32>
    %get3A_28 = arith.constant 0 : index
    %get3A_29 = arith.constant 0 : index
    %get3A_30 = vector.load %arg7[%get3A_28, %get3A_29] : memref<1000x1xi32, #tpu.memory_space<vmem>>, vector<1000x1xi32>
    %iota3A = tpu.iota {dimensions = array<i32: 1>} : vector<1000x16xi32>
    %eq3A_31 = vector.broadcast %get3A_30 : vector<1000x1xi32> to vector<1000x16xi32>
    %eq3A_32 = arith.cmpi eq, %eq3A_31, %iota3A : vector<1000x16xi32>
    %convert_element_type3A_33 = arith.extui %eq3A_32 : vector<1000x16xi1> to vector<1000x16xi32>
    %convert_element_type3A_34 = arith.sitofp %convert_element_type3A_33 : vector<1000x16xi32> to vector<1000x16xf32>
    %get3A_35 = arith.constant 0 : index
    %get3A_36 = arith.constant 0 : index
    %get3A_37 = vector.load %arg11[%get3A_35, %get3A_36] : memref<16x128xf32, #tpu.memory_space<vmem>>, vector<16x128xf32>
    %dot_general3A_38 = arith.constant dense<0.000000e+00> : vector<16x128xf32>
    %dot_general3A_39 = tpu.matmul %convert_element_type3A_34, %max3A_27, %dot_general3A_38 {dimension_numbers = #tpu.dot_dimension_numbers<[0], [0], [1], [1], [0, 1, 1, 1], [], []>, transpose_lhs_hint = false} : vector<1000x16xf32>, vector<1000x128xf32>, vector<16x128xf32> -> vector<16x128xf32>
    %add3A_40 = arith.addf %get3A_37, %dot_general3A_39 : vector<16x128xf32>
    %swap3A = arith.constant 0 : index
    %swap3A_41 = arith.constant 0 : index
    %swap3A_42 = vector.load %arg11[%swap3A, %swap3A_41] : memref<16x128xf32, #tpu.memory_space<vmem>>, vector<16x128xf32>
    tpu.vector_store %arg11[%swap3A, %swap3A_41], %add3A_40 {strides = array<i32>} : memref<16x128xf32, #tpu.memory_space<vmem>>, vector<16x128xf32>,
    %get3A_43 = arith.constant 0 : index
    %get3A_44 = arith.constant 0 : index
    %get3A_45 = vector.load %arg12[%get3A_43, %get3A_44] : memref<16x128xf32, #tpu.memory_space<vmem>>, vector<16x128xf32>
    %broadcast_in_dim3A = arith.constant 1.000000e+00 : f32
    %broadcast_in_dim3A_46 = vector.broadcast %broadcast_in_dim3A : f32 to vector<1000x128xf32>
    %dot_general3A_47 = arith.constant dense<0.000000e+00> : vector<16x128xf32>
    %dot_general3A_48 = tpu.matmul %convert_element_type3A_34, %broadcast_in_dim3A_46, %dot_general3A_47 {dimension_numbers = #tpu.dot_dimension_numbers<[0], [0], [1], [1], [0, 1, 1, 1], [], []>, transpose_lhs_hint = false} : vector<1000x16xf32>, vector<1000x128xf32>, vector<16x128xf32> -> vector<16x128xf32>
    %add3A_49 = arith.addf %get3A_45, %dot_general3A_48 : vector<16x128xf32>
    %swap3A_50 = arith.constant 0 : index
    %swap3A_51 = arith.constant 0 : index
    %swap3A_52 = vector.load %arg12[%swap3A_50, %swap3A_51] : memref<16x128xf32, #tpu.memory_space<vmem>>, vector<16x128xf32>
    tpu.vector_store %arg12[%swap3A_50, %swap3A_51], %add3A_49 {strides = array<i32>} : memref<16x128xf32, #tpu.memory_space<vmem>>, vector<16x128xf32>,
    %eq3A_53 = arith.constant 9 : i32
    %eq3A_54 = arith.cmpi eq, %arg0, %eq3A_53 : i32
    %convert_element_type3A_55 = arith.extui %eq3A_54 : i1 to i32
    %cond3A_56 = arith.constant 0 : i32
    %cond3A_57 = arith.cmpi ne, %convert_element_type3A_55, %cond3A_56 : i32
    scf.if %cond3A_57 {
      %get3A_58 = arith.constant 0 : index
      %get3A_59 = arith.constant 0 : index
      %get3A_60 = vector.load %arg11[%get3A_58, %get3A_59] : memref<16x128xf32, #tpu.memory_space<vmem>>, vector<16x128xf32>
      %get3A_61 = arith.constant 0 : index
      %get3A_62 = arith.constant 0 : index
      %get3A_63 = vector.load %arg12[%get3A_61, %get3A_62] : memref<16x128xf32, #tpu.memory_space<vmem>>, vector<16x128xf32>
      %max3A_64 = arith.constant 1.000000e+00 : f32
      %max3A_65 = vector.broadcast %max3A_64 : f32 to vector<16x128xf32>
      %max3A_66 = arith.maximumf %get3A_63, %max3A_65 : vector<16x128xf32>
      %div3A_67 = arith.divf %get3A_60, %max3A_66 : vector<16x128xf32>
      %get3A_68 = arith.constant 0 : index
      %get3A_69 = arith.constant 0 : index
      %get3A_70 = vector.load %arg8[%get3A_68, %get3A_69] : memref<128x1xf32, #tpu.memory_space<vmem>>, vector<128x1xf32>
      %dot_general3A_71 = arith.constant dense<0.000000e+00> : vector<16x1xf32>
      %dot_general3A_72 = tpu.matmul %div3A_67, %get3A_70, %dot_general3A_71 {dimension_numbers = #tpu.dot_dimension_numbers<[1], [0], [0], [1], [0, 0, 1, 1], [], []>, transpose_lhs_hint = false} : vector<16x128xf32>, vector<128x1xf32>, vector<16x1xf32> -> vector<16x1xf32>
      %get3A_73 = arith.constant 0 : index
      %get3A_74 = arith.constant 0 : index
      %get3A_75 = vector.load %arg9[%get3A_73, %get3A_74] : memref<1x1xf32, #tpu.memory_space<vmem>>, vector<1x1xf32>
      %add3A_76 = vector.broadcast %get3A_75 : vector<1x1xf32> to vector<16x1xf32>
      %add3A_77 = arith.addf %dot_general3A_72, %add3A_76 : vector<16x1xf32>
      %swap3A_78 = arith.constant 0 : index
      %swap3A_79 = arith.constant 0 : index
      %swap3A_80 = vector.load %arg10[%swap3A_78, %swap3A_79] : memref<16x1xf32, #tpu.memory_space<vmem>>, vector<16x1xf32>
      tpu.vector_store %arg10[%swap3A_78, %swap3A_79], %add3A_77 {strides = array<i32>} : memref<16x1xf32, #tpu.memory_space<vmem>>, vector<16x1xf32>,
    } else {
    }
    return
  }
  func.func @transform_0(%arg0: i32) -> (i32, i32) {
    %c0_i32 = arith.constant 0 : i32
    %c0_i32_0 = arith.constant 0 : i32
    return %arg0, %c0_i32 : i32, i32
  }
  func.func @transform_1(%arg0: i32) -> (i32, i32) {
    %add3A = arith.constant 10 : i32
    %add3A_0 = arith.addi %arg0, %add3A : i32
    %c0_i32 = arith.constant 0 : i32
    %c0_i32_1 = arith.constant 0 : i32
    return %add3A_0, %c0_i32 : i32, i32
  }
  func.func @transform_2(%arg0: i32) -> (i32, i32) {
    %c0_i32 = arith.constant 0 : i32
    %c0_i32_0 = arith.constant 0 : i32
    return %arg0, %c0_i32 : i32, i32
  }
  func.func @transform_3(%arg0: i32) -> (i32, i32) {
    %add3A = arith.constant 10 : i32
    %add3A_0 = arith.addi %arg0, %add3A : i32
    %c0_i32 = arith.constant 0 : i32
    %c0_i32_1 = arith.constant 0 : i32
    return %add3A_0, %c0_i32 : i32, i32
  }
  func.func @transform_4(%arg0: i32) -> (i32, i32) {
    %c0_i32 = arith.constant 0 : i32
    %c0_i32_0 = arith.constant 0 : i32
    return %arg0, %c0_i32 : i32, i32
  }
  func.func @transform_5(%arg0: i32) -> (i32, i32) {
    %c0_i32 = arith.constant 0 : i32
    %c0_i32_0 = arith.constant 0 : i32
    %c0_i32_1 = arith.constant 0 : i32
    return %c0_i32, %c0_i32_0 : i32, i32
  }
  func.func @transform_6(%arg0: i32) -> (i32, i32) {
    %c0_i32 = arith.constant 0 : i32
    %c0_i32_0 = arith.constant 0 : i32
    return %arg0, %c0_i32 : i32, i32
  }
  func.func @transform_7(%arg0: i32) -> (i32, i32) {
    %c0_i32 = arith.constant 0 : i32
    %c0_i32_0 = arith.constant 0 : i32
    %c0_i32_1 = arith.constant 0 : i32
    return %c0_i32, %c0_i32_0 : i32, i32
  }
  func.func @transform_8(%arg0: i32) -> (i32, i32) {
    %c0_i32 = arith.constant 0 : i32
    %c0_i32_0 = arith.constant 0 : i32
    %c0_i32_1 = arith.constant 0 : i32
    return %c0_i32, %c0_i32_0 : i32, i32
  }
  func.func @transform_9(%arg0: i32) -> (i32, i32) {
    %c0_i32 = arith.constant 0 : i32
    %c0_i32_0 = arith.constant 0 : i32
    %c0_i32_1 = arith.constant 0 : i32
    return %c0_i32, %c0_i32_0 : i32, i32
  }
}

</mosaic_0001>

<sc_bundles>
// kernel: kernel.12.cloned.1.call-start
scs
__scs_entry_jumppad:
0x0: {  	(pc) =	sbr.rel $0x88, $3  }
0x1: {  	(tag) =	ssettag $0x0;
	lr =	simm.s32 $0x1  }
0x2: {  	[smem:$0x3F96] =	sst lr;
	_ =	strace $0xD0000000  }
0x3: {  	_ = 	snop  }
0x4: {  	_ = 	snop  }
0x5: {  	_ = 	snop  }
0x6: {  	_ = 	snop  }
0x7: {  	_ = 	snop  }
__scs_overlays_trampoline_lowered:
0x8: {  	[smem:$0x3FA5] =	sst s0  }
0x9: {  	[smem:$0x3FA6] =	sst s1  }
0xa: {  	[smem:$0x3FA7] =	sst s2  }
0xb: {  	[smem:$0x3FA8] =	sst s3  }
0xc: {  	[smem:$0x3FA9] =	sst s4  }
0xd: {  	[smem:$0x3FAA] =	sst s5  }
0xe: {  	[smem:$0x3FAB] =	sst s6  }
0xf: {  	[smem:$0x3FAC] =	sst s7  }
0x10: {  	[smem:$0x3FAD] =	sst s8  }
0x11: {  	[smem:$0x3FAE] =	sst s9;
	s0 =	simm.s32 @!p0 $0x0  }
0x12: {  	s1 =	sld [smem:$0x3F94];
	s0 =	simm.s32 @p0 $0x1  }
0x13: {  	[smem:$0x3FAF] =	sst s0;
	s0 =	simm.s32 @!p1 $0x0  }
0x14: {  	s2 =	sld [smem:$0x3F93];
	s0 =	simm.s32 @p1 $0x1  }
0x15: {  	[smem:$0x3FB0] =	sst s0;
	s0 =	simm.s32 @!p2 $0x0  }
0x16: {  	s3 =	sld [smem:$0x3FDB];
	s0 =	simm.s32 @p2 $0x1  }
0x17: {  	s4 =	simm.s32 $0x1BF5;
	[smem:$0x3FB2] =	sst s0  }
0x18: {  	s0 =	sld [smem:$0x3F95];
	_ =	swait.ge [sflag:s4], $0x0  }
0x19: {  	s7 =	sld [smem:$0x3F96]  }
0x1a: {  	s8 =	sadd.s32 $0xFFFFE003, lr  }
0x1b: {  	s9 =	sadd.s32 $0xFFFFFEF7, lr;
	s5 =	simm.s32 $0xFFFFFFFF;
	p2 =	slt.u32 s8, $0xFFFFF086  }
0x1c: {  	p1 =	slt.u32 s9, $0xF7A;
	s5 =	simm.s32 @!p2 $0x0  }
0x1d: {  	s5 =	simm.s32 @p1 $0x1;
	p0 =	seq.s32 s7, s2  }
0x1e: {  	s7 =	smul.u32 @!p0 $0xF7A, s2;
	p2 =	seq.s32 @!p0 s5, $0x0  }
0x1f: {  	s9 =	smul.u32 $0xF7A, s1;
	s8 =	simm.s32 @!p0 $0x1BF5;
	p2 =	por !p2, p0  }
0x20: {  	[sflag:s8] =	ssyncset.s32 @!p0 $0xFFFFF086;
	s6 =	sadd.s32 @!p0 s3, s7;
	s7 =	simm.s32 @!p0 $0x108  }
0x21: {  	s3 =	sadd.s32 s3, s9;
	s6 =	sadd.s32 @!p0 $0x88, s6;
	s7 =	simm.s32 @p2 $0x1082  }
0x22: {  	[simem:s7], [sflag:s8] =	dma.local @!p0 [hbm:s6], $0xF7A  }
0x23: {  	s9 =	sor.u32 $0xD0000000, s2;
	s6 =	simm.s32 $0x108;
	_ =	swait.ge @!p0 [sflag:s8], $0x0  }
0x24: {  	s3 =	sadd.s32 $0x88, s3;
	s6 =	simm.s32 @!p1 $0x1082;
	[sflag:s4] =	ssyncset.s32 $0xFFFFF086  }
0x25: {  	[simem:s6], [sflag:s4] =	dma.local [hbm:s3], $0xF7A  }
0x26: {  	[smem:$0x3F96] =	sst s1;
	(tag) =	ssettag s2;
	_ =	strace s9  }
0x27: {  	s1 =	sld [smem:$0x3FA6]  }
0x28: {  	s2 =	sld [smem:$0x3FA7]  }
0x29: {  	s4 =	sld [smem:$0x3FA9]  }
0x2a: {  	p0 =	seq.s32 s5, $0x0;
	s5 =	sld [smem:$0x3FAA]  }
0x2b: {  	s6 =	sld [smem:$0x3FAB]  }
0x2c: {  	s7 =	sld [smem:$0x3FAC]  }
0x2d: {  	s3 =	simm.s32 $0x108;
	s8 =	sld [smem:$0x3FAD]  }
0x2e: {  	s3 =	simm.s32 @!p0 $0x1082;
	s9 =	sld [smem:$0x3FAE]  }
0x2f: {  	lr =	sadd.s32 s0, s3;
	s0 =	sld [smem:$0x3FA5]  }
0x30: {  	s3 =	sld [smem:$0x3FA8]  }
0x31: {  	[smem:$0x3FB1] =	sst s10  }
0x32: {  	s10 =	sld [smem:$0x3FAF];
	_ =	sdelay $0x3  }
0x33: {  	p0 =	seq.s32 s10, $0x1;
	s10 =	sld [smem:$0x3FB1];
	_ =	sdelay $0x3  }
0x34: {  	[smem:$0x3FB1] =	sst s10  }
0x35: {  	s10 =	sld [smem:$0x3FB0];
	_ =	sdelay $0x3  }
0x36: {  	p1 =	seq.s32 s10, $0x1;
	s10 =	sld [smem:$0x3FB1];
	_ =	sdelay $0x3  }
0x37: {  	[smem:$0x3FB1] =	sst s10  }
0x38: {  	s10 =	sld [smem:$0x3FB2]  }
0x39: {  	_ = 	snop;
	(pc) =	sbr.ind lr, $3  }
0x3a: {  	_ = 	snop  }
0x3b: {  	_ = 	snop  }
0x3c: {  	p2 =	seq.s32 s10, $0x1;
	s10 =	sld [smem:$0x3FB1]  }
0x3d: {  	_ =	shalt  }
0x3e: {  	_ =	shalt  }
0x3f: {  	_ =	shalt  }
0x40: {  	_ =	shalt  }
0x41: {  	_ =	shalt  }
0x42: {  	_ =	shalt  }
0x43: {  	_ =	shalt  }
0x44: {  	_ =	shalt  }
0x45: {  	_ =	shalt  }
0x46: {  	_ =	shalt  }
0x47: {  	_ =	shalt  }
0x48: {  	_ =	shalt  }
0x49: {  	_ =	shalt  }
0x4a: {  	_ =	shalt  }
0x4b: {  	_ =	shalt  }
0x4c: {  	_ =	shalt  }
0x4d: {  	_ =	shalt  }
0x4e: {  	_ =	shalt  }
0x4f: {  	_ =	shalt  }
0x50: {  	_ =	shalt  }
0x51: {  	_ =	shalt  }
0x52: {  	_ =	shalt  }
0x53: {  	_ =	shalt  }
0x54: {  	_ =	shalt  }
0x55: {  	_ =	shalt  }
0x56: {  	_ =	shalt  }
0x57: {  	_ =	shalt  }
0x58: {  	_ =	shalt  }
0x59: {  	_ =	shalt  }
0x5a: {  	_ =	shalt  }
0x5b: {  	_ =	shalt  }
0x5c: {  	_ =	shalt  }
0x5d: {  	_ =	shalt  }
0x5e: {  	_ =	shalt  }
0x5f: {  	_ =	shalt  }
0x60: {  	_ =	shalt  }
0x61: {  	_ =	shalt  }
0x62: {  	_ =	shalt  }
0x63: {  	_ =	shalt  }
0x64: {  	_ =	shalt  }
0x65: {  	_ =	shalt  }
0x66: {  	_ =	shalt  }
0x67: {  	_ =	shalt  }
0x68: {  	_ =	shalt  }
0x69: {  	_ =	shalt  }
0x6a: {  	_ =	shalt  }
0x6b: {  	_ =	shalt  }
0x6c: {  	_ =	shalt  }
0x6d: {  	_ =	shalt  }
0x6e: {  	_ =	shalt  }
0x6f: {  	_ =	shalt  }
0x70: {  	_ =	shalt  }
0x71: {  	_ =	shalt  }
0x72: {  	_ =	shalt  }
0x73: {  	_ =	shalt  }
0x74: {  	_ =	shalt  }
0x75: {  	_ =	shalt  }
0x76: {  	_ =	shalt  }
0x77: {  	_ =	shalt  }
0x78: {  	_ =	shalt  }
0x79: {  	_ =	shalt  }
0x7a: {  	_ =	shalt  }
0x7b: {  	_ =	shalt  }
0x7c: {  	_ =	shalt  }
0x7d: {  	_ =	shalt  }
0x7e: {  	_ =	shalt  }
0x7f: {  	_ =	shalt  }
0x80: {  	_ =	shalt  }
0x81: {  	_ =	shalt  }
0x82: {  	_ =	shalt  }
0x83: {  	_ =	shalt  }
0x84: {  	_ =	shalt  }
0x85: {  	_ =	shalt  }
0x86: {  	_ =	shalt  }
0x87: {  	_ =	shalt  }
.Lfunc_end0:
.L_simem_size_0:
called_computation.1_lowered:
.L_overlay_start_0:
0x88: {  	s2 =	sld [smem:$0x3FD9]  }
0x89: {  	s3 =	sld [smem:$0x3FFE];
	_ =	sdelay $0x1  }
0x8a: {  	s1 =	srdreg.scid  }
0x8b: {  	s0 =	sand.u32 $0x1, s1  }
0x8c: {  	s17 =	sshll.u32 s0, $0xA;
	s2 =	sadd.s32 s3, s2  }
0x8d: {  	s2 =	sadd.s32 s2, s17  }
0x8e: {  	[smem:$0x3FBD] =	sst s2  }
0x8f: {  	_ = 	snop  }
0x90: {  	s2 =	sld [smem:$0x3FC9];
	(tm) =	ssettm $0x1  }
0x91: {  	s18 =	sld [smem:$0x3FFB];
	_ =	sdelay $0x3  }
0x92: {  	_ =	strace s18  }
0x93: {  	s3 =	sld [smem:$0x3FFC];
	_ =	sdelay $0x3  }
0x94: {  	_ =	strace s3  }
0x95: {  	s3 =	sld [smem:$0x3FFD];
	_ =	sdelay $0x3  }
0x96: {  	_ =	strace s3  }
0x97: {  	_ =	strace $0x8FFFFFFF  }
0x98: {  	s19 =	sld [smem:$0x3FDB];
	_ =	sdelay $0x1  }
0x99: {  	s4 =	simm.s32 $_scs_section_size  }
0x9a: {  	s5 =	simm.s32 $_size__tile_overlayer_lowered;
	s6 =	simm.s32 $_tile_overlayer_lowered  }
0x9b: {  	s22 =	simm.s32 $0x1BFF;
	s21 =	sshll.u32 s6, $0x1;
	s3 =	sadd.s32 s4, s19  }
0x9c: {  	s7 =	simm.s32 $0x0;
	s20 =	sshll.u32 s5, $0x1;
	s5 =	sadd.s32 s21, s3  }
0x9d: {  	[timem:s7], [sflag:s22] =	dma.local [hbm:s5], s20  }
0x9e: {  	_ =	swait.ge [sflag:s22], s20  }
0x9f: {  	s4 =	ssub.s32 $0x0, s20;
	[sflag:s22] =	ssyncset.done $0x0  }
0xa0: {  	[sflag:s22] =	ssyncadd.s32 s4;
	_ =	sdelay $0x1  }
0xa1: {  	s23 =	simm.s32 $0x1B8B  }
0xa2: {  	_ =	swait.ge [sflag:s23], $0x1  }
0xa3: {  	[sflag:s23] =	ssyncset.done $0x0  }
0xa4: {  	s25 =	simm.s32 $0x1B8E;
	s24 =	sld [smem:$0x3FFE];
	[sflag:s23] =	ssyncadd.s32 $0xFFFFFFFF  }
0xa5: {  	s26 =	simm.s32 $execute0_lowered;
	[smem:$0x3FD2] =	sst s25  }
0xa6: {  	s5 =	sshll.u32 s26, $0x1;
	_ =	strace $0x80000046;
	[dreg:$0x1] =	wrdreg $0xFFFFFFFF  }
0xa7: {  	s28 =	simm.s32 $_size_execute0_lowered;
	s3 =	sadd.s32 s3, s5;
	[dreg:$0x0] =	wrdreg $0x0  }
0xa8: {  	s5 =	sshll.u32 s28, $0x1;
	[dreg:$0x2] =	wrdreg s3  }
0xa9: {  	[dreg:$0x3] =	wrdreg s5  }
0xaa: {  	[dreg:$0x4] =	wrdreg $0xC0  }
0xab: {  	_ =	task [dreg:s7], $0x5FFFF  }
0xac: {  	[dreg:$0x1] =	wrdreg $0xFFFFFFFF  }
0xad: {  	[dreg:$0x0] =	wrdreg $0x60  }
0xae: {  	[dreg:$0x2] =	wrdreg s2  }
0xaf: {  	[dreg:$0x3] =	wrdreg s24  }
0xb0: {  	[dreg:$0x4] =	wrdreg $0x88000  }
0xb1: {  	[dreg:$0x5] =	wrdreg $0xA  }
0xb2: {  	_ =	task.clear_ibuf [dreg:s7], $0x6FFFF;
	_ =	strace $0x90000046  }
0xb3: {  	s29 =	simm.s32 $0xA;
	_ =	strace $0x80000048  }
0xb4: {  	_ =	swait.ge [sflag:s29], $0x1  }
0xb5: {  	[sflag:s29] =	ssyncadd.s32 $0xFFFFFFFF  }
0xb6: {  	_ =	strace $0x90000048  }
0xb7: {  	_ =	sfence  }
0xb8: {  	s30 =	sld [smem:$0x0];
	_ =	sdelay $0x2  }
0xb9: {  	s31 =	sshll.u32 s1, $0xD;
	s1 =	sshrl.u32 s1, $0x2  }
0xba: {  	s3 =	sand.u32 $0x4000, s31;
	s1 =	sadd.s32 s1, s30  }
0xbb: {  	s0 =	sor.u32 s3, s0;
	s1 =	sshll.u32 s1, $0x11  }
0xbc: {  	s0 =	sor.u32 s1, s0  }
0xbd: {  	s0 =	sadd.s32 $0x8F2B, s0  }
0xbe: {  	[sflag:s0] =	ssyncadd.remote.s32 $0x1  }
0xbf: {  	_ =	sfence.sel $0xFFFF  }
0xc0: {  	[dreg:$0x0] =	wrdreg $0xFFFFFFFF;
	(pc) =	sbr.abs _section_cstart, $3  }
0xc1: {  	[dreg:$0x1] =	wrdreg $0xFFFFFFFF  }
0xc2: {  	_ =	task.clear_ibuf [dreg:s7], $0x2FFFF;
	_ =	strace $0x9FFFFFFF  }
0xc3: {  	(tm) =	ssettm $0x7FFFFFFF  }
tec
execute0_lowered:
.L_overlay_start_1:
0x0: {  	(tag) =	ssettag $0x1  }
0x1: {  	s0 =	srdreg.scid;
	s1 =	rddreg [dreg:$0x0]  }
0x2: {  	s11 =	stileid.u32;
	s5 =	rddreg [dreg:$0x1]  }
0x3: {  	s3 =	rddreg [dreg:$0x2];
	s4 =	simm.s32 $0x0;
	s14 =	simm.s32 $0x800  }
0x4: {  	s15 =	simm.s32 $0x5;
	s16 =	simm.s32 $0x80;
	s6 =	smul.u32 $0x5000, s11  }
0x5: {  	s28 =	simm.s32 $0x280;
	s29 =	simm.s32 $0x400;
	s17 =	smul.u32 $0x4F000, s11  }
0x6: {  	s30 =	simm.s32 $0x380;
	s0 =	sand.u32 $0x1, s0;
	s7 =	smul.u32 $0x2780, s11  }
0x7: {  	s31 =	simm.s32 $0x500;
	[smem:$0x7FF] =	sst s4;
	s2 =	smul.u32 $0x50000, s0  }
0x8: {  	s8 =	sadd.s32 $0x20600, s5;
	p0 =	seq.s32 s11, $0xF;
	s9 =	smul.u32 $0x138800, s0  }
0x9: {  	_ =	strace $0x80000047;
	s18 =	ssub.s32 $0x2, s0;
	s0 =	smul.u32 $0x27100, s0  }
0xa: {  	s10 =	sshrl.u32 s18, $0x1;
	s2 =	sadd.s32 s6, s2;
	s6 =	sshrl.u32 s17, $0x2  }
0xb: {  	s10 =	ssub.s32 s18, s10;
	s19 =	sshrl.u32 s9, $0x3;
	s0 =	sadd.s32 s7, s0  }
0xc: {  	s17 =	simm.s32 $0x100;
	s18 =	simm.s32 $0x4800;
	s7 =	simm.s32 $0x700  }
0xd: {  	s9 =	simm.s32 $0x780;
	s2 =	sshrl.u32 s2, $0x3;
	s0 =	sadd.s32 s8, s0  }
0xe: {  	s25 =	sadd.s32 s6, s3;
	s22 =	smax.u32 s10, $0x1;
	[dreg:$0x6] =	wrdreg s0  }
0xf: {  	s6 =	sadd.s32 s8, s19;
	s19 =	simm.s32 $0x1;
	[dreg:$0x8] =	wrdreg s22  }
0x10: {  	s8 =	simm.s32 $0x680;
	s20 =	sadd.s32 $0x10000, s25;
	[dreg:$0x4] =	wrdreg s25  }
0x11: {  	s10 =	simm.s32 $0x0;
	s21 =	sadd.s32 $0x25080, s6;
	[dreg:$0x5] =	wrdreg s20  }
0x12: {  	s2 =	sadd.s32 s2, s5;
	s23 =	sadd.s32 $0x4000, s25;
	[dreg:$0x7] =	wrdreg s21  }
0x13: {  	s0 =	sadd.s32 $0x128400, s3;
	s24 =	sadd.s32 $0x8000, s25;
	[dreg:$0x9] =	wrdreg s23  }
0x14: {  	s26 =	sadd.s32 $0xC000, s25;
	s22 =	simm.s32 $0x2;
	[dreg:$0xa] =	wrdreg s24  }
0x15: {  	s6 =	simm.s32 $0x580;
	[dreg:$0xb] =	wrdreg s26;
	s13 =	sadd.s32 $0xC600, s2  }
0x16: {  	s20 =	simm.s32 $0x3;
	s21 =	simm.s32 $0x200;
	s23 =	simm.s32 $0x180  }
0x17: {  	s24 =	simm.s32 $0x4;
	s0 =	sshrl.u32 @p0 s0, $0x3;
	s26 =	simm.s32 $0x300  }
0x18: {  	v0 =	vimm.f32 $0.0e+00;
	s2 =	simm.s32 $0x480;
	[dreg:$0xc] =	wrdreg s0;
	s0 =	simm.s32 $0x600  }
.LBB2_1:
0x19: {  	s11 =	simm.s32 $0x0;
	s12 =	simm.s32 $0x200  }
.LBB2_2:
0x1a: {  	p1 =	sne.s32 s12, $0xFE00;
	[tilespmem:s11+$0x870] =	vst v0  }
0x1b: {  	[tilespmem:s11+$0x800] =	vst v0  }
0x1c: {  	[tilespmem:s11+$0x810] =	vst v0  }
.Ltmp0:
0x1d: {  	[tilespmem:s11+$0x820] =	vst v0;
	(pc) =	sbr.rel @p1 .LBB2_2-.Ltmp0, $4  }
0x1e: {  	[tilespmem:s11+$0x830] =	vst v0  }
0x1f: {  	[tilespmem:s11+$0x840] =	vst v0  }
0x20: {  	[tilespmem:s11+$0x850] =	vst v0  }
0x21: {  	[tilespmem:s11+$0x860] =	vst v0;
	s11 =	sshra.s32 s12, $0x2;
	s12 =	sadd.s32 $0x200, s12  }
0x22: {  	[tilespmem:s11+$0x870] =	vst v0  }
0x23: {  	[tilespmem:s11+$0x800] =	vst v0  }
0x24: {  	[tilespmem:s11+$0x810] =	vst v0  }
0x25: {  	[tilespmem:s11+$0x820] =	vst v0  }
0x26: {  	[tilespmem:s11+$0x830] =	vst v0  }
0x27: {  	[tilespmem:s11+$0x840] =	vst v0  }
0x28: {  	[tilespmem:s11+$0x850] =	vst v0  }
0x29: {  	[tilespmem:s11+$0x860] =	vst v0  }
0x2a: {  	[spmem:s25] =	stream.linear.scatter [tilespmem:s14], [sflag:$0x5], $0x4000, $0x38;
	[tilespmem:$0x1C400] =	vst v63  }
0x2b: {  	_ =	swait.ge [sflag:s15], $0x4000  }
0x2c: {  	[sflag:s15] =	ssyncset.done $0x0  }
0x2d: {  	s5 =	rddreg [dreg:$0x9];
	[sflag:s15] =	ssyncadd.s32 $0xFFFFC000  }
0x2e: {  	[spmem:s5] =	stream.linear.scatter [tilespmem:s14], [sflag:$0x5], $0x4000, $0x38;
	[tilespmem:$0x1C400] =	vst v63  }
0x2f: {  	_ =	swait.ge [sflag:s15], $0x4000  }
0x30: {  	[sflag:s15] =	ssyncset.done $0x0  }
0x31: {  	s25 =	rddreg [dreg:$0xa];
	[sflag:s15] =	ssyncadd.s32 $0xFFFFC000  }
0x32: {  	[spmem:s25] =	stream.linear.scatter [tilespmem:s14], [sflag:$0x5], $0x4000, $0x38;
	[tilespmem:$0x1C400] =	vst v63  }
0x33: {  	_ =	swait.ge [sflag:s15], $0x4000  }
0x34: {  	[sflag:s15] =	ssyncset.done $0x0  }
0x35: {  	s11 =	rddreg [dreg:$0xb];
	[sflag:s15] =	ssyncadd.s32 $0xFFFFC000  }
0x36: {  	[spmem:s11] =	stream.linear.scatter [tilespmem:s14], [sflag:$0x5], $0x4000, $0x38;
	[tilespmem:$0x1C400] =	vst v63  }
0x37: {  	_ =	swait.ge [sflag:s15], $0x4000  }
0x38: {  	[sflag:s15] =	ssyncset.done $0x0  }
0x39: {  	s12 =	rddreg [dreg:$0x5];
	[sflag:s15] =	ssyncadd.s32 $0xFFFFC000  }
0x3a: {  	[spmem:s12] =	stream.linear.scatter [tilespmem:s14], [sflag:$0x5], $0x3C00, $0x38;
	[tilespmem:$0x1C400] =	vst v63  }
0x3b: {  	_ =	swait.ge [sflag:s15], $0x3C00  }
0x3c: {  	[sflag:s15] =	ssyncset.done $0x0  }
0x3d: {  	[sflag:s15] =	ssyncadd.s32 $0xFFFFC400  }
0x3e: {  	s25 =	sadd.s32 $0x0, s13;
	[bflag:$0x0] =	sbarrier.arrive $0xFFFF  }
0x3f: {  	[tilespmem:s4], [sflag:$0x5] =	stream.linear.gather [hbm4b:s25+s4], $0x800, $0x38;
	[tilespmem:$0x1C400] =	vst v63  }
0x40: {  	_ =	swait.ge [sflag:s15], $0x800  }
0x41: {  	[sflag:s15] =	ssyncset.done $0x0  }
0x42: {  	[sflag:s15] =	ssyncadd.s32 $0xFFFFF800  }
0x43: {  	[tilespmem:s14], [sflag:$0x1] =	stream.indirect.gather [hbm4b:s1+s16], $0x80, s4, s16, $0xb8;
	[tilespmem:$0x1C400] =	vst v63  }
0x44: {  	_ = 	snop  }
0x45: {  	[tilespmem:s18], [sflag:$0x2] =	stream.indirect.gather [hbm4b:s1+s16], $0x80, s17, s16, $0xb8;
	[tilespmem:$0x1C400] =	vst v63  }
0x46: {  	_ =	swait.ge [sflag:s19], $0x4000  }
0x47: {  	[sflag:s19] =	ssyncset.done $0x0  }
0x48: {  	[sflag:s19] =	ssyncadd.s32 $0xFFFFC000  }
0x49: {  	[spmem:s3] =	stream.indirect.scatter.add.f32 [tilespmem:s14], [sflag:$0x3], $0x80, s16, s16, $0xb8;
	[tilespmem:$0x1C400] =	vst v63  }
0x4a: {  	_ =	swait.ge [sflag:s20], $0x4000  }
0x4b: {  	[sflag:s20] =	ssyncset.done $0x0  }
0x4c: {  	[sflag:s20] =	ssyncadd.s32 $0xFFFFC000  }
0x4d: {  	[tilespmem:s14], [sflag:$0x1] =	stream.indirect.gather [hbm4b:s1+s16], $0x80, s21, s16, $0xb8;
	[tilespmem:$0x1C400] =	vst v63  }
0x4e: {  	_ =	swait.ge [sflag:s22], $0x4000  }
0x4f: {  	[sflag:s22] =	ssyncset.done $0x0  }
0x50: {  	[sflag:s22] =	ssyncadd.s32 $0xFFFFC000  }
0x51: {  	[spmem:s3] =	stream.indirect.scatter.add.f32 [tilespmem:s18], [sflag:$0x4], $0x80, s23, s16, $0xb8;
	[tilespmem:$0x1C400] =	vst v63  }
0x52: {  	_ =	swait.ge [sflag:s24], $0x4000  }
0x53: {  	[sflag:s24] =	ssyncset.done $0x0  }
0x54: {  	[sflag:s24] =	ssyncadd.s32 $0xFFFFC000  }
0x55: {  	[tilespmem:s18], [sflag:$0x2] =	stream.indirect.gather [hbm4b:s1+s16], $0x80, s26, s16, $0xb8;
	[tilespmem:$0x1C400] =	vst v63  }
0x56: {  	_ =	swait.ge [sflag:s19], $0x4000  }
0x57: {  	[sflag:s19] =	ssyncset.done $0x0  }
0x58: {  	[sflag:s19] =	ssyncadd.s32 $0xFFFFC000  }
0x59: {  	[spmem:s3] =	stream.indirect.scatter.add.f32 [tilespmem:s14], [sflag:$0x3], $0x80, s28, s16, $0xb8;
	[tilespmem:$0x1C400] =	vst v63  }
0x5a: {  	_ =	swait.ge [sflag:s20], $0x4000  }
0x5b: {  	[sflag:s20] =	ssyncset.done $0x0  }
0x5c: {  	[sflag:s20] =	ssyncadd.s32 $0xFFFFC000  }
0x5d: {  	[tilespmem:s14], [sflag:$0x1] =	stream.indirect.gather [hbm4b:s1+s16], $0x80, s29, s16, $0xb8;
	[tilespmem:$0x1C400] =	vst v63  }
0x5e: {  	_ =	swait.ge [sflag:s22], $0x4000  }
0x5f: {  	[sflag:s22] =	ssyncset.done $0x0  }
0x60: {  	[sflag:s22] =	ssyncadd.s32 $0xFFFFC000  }
0x61: {  	[spmem:s3] =	stream.indirect.scatter.add.f32 [tilespmem:s18], [sflag:$0x4], $0x80, s30, s16, $0xb8;
	[tilespmem:$0x1C400] =	vst v63  }
0x62: {  	_ =	swait.ge [sflag:s24], $0x4000  }
0x63: {  	[sflag:s24] =	ssyncset.done $0x0  }
0x64: {  	[sflag:s24] =	ssyncadd.s32 $0xFFFFC000  }
0x65: {  	[tilespmem:s18], [sflag:$0x2] =	stream.indirect.gather [hbm4b:s1+s16], $0x80, s31, s16, $0xb8;
	[tilespmem:$0x1C400] =	vst v63  }
0x66: {  	_ =	swait.ge [sflag:s19], $0x4000  }
0x67: {  	[sflag:s19] =	ssyncset.done $0x0  }
0x68: {  	[sflag:s19] =	ssyncadd.s32 $0xFFFFC000  }
0x69: {  	[spmem:s3] =	stream.indirect.scatter.add.f32 [tilespmem:s14], [sflag:$0x3], $0x80, s2, s16, $0xb8;
	[tilespmem:$0x1C400] =	vst v63  }
0x6a: {  	_ =	swait.ge [sflag:s20], $0x4000  }
0x6b: {  	[sflag:s20] =	ssyncset.done $0x0  }
0x6c: {  	[sflag:s20] =	ssyncadd.s32 $0xFFFFC000  }
0x6d: {  	[tilespmem:s14], [sflag:$0x1] =	stream.indirect.gather [hbm4b:s1+s16], $0x80, s0, s16, $0xb8;
	[tilespmem:$0x1C400] =	vst v63  }
0x6e: {  	_ =	swait.ge [sflag:s22], $0x4000  }
0x6f: {  	[sflag:s22] =	ssyncset.done $0x0  }
0x70: {  	[sflag:s22] =	ssyncadd.s32 $0xFFFFC000  }
0x71: {  	[spmem:s3] =	stream.indirect.scatter.add.f32 [tilespmem:s18], [sflag:$0x4], $0x80, s6, s16, $0xb8;
	[tilespmem:$0x1C400] =	vst v63  }
0x72: {  	_ =	swait.ge [sflag:s24], $0x4000  }
0x73: {  	[sflag:s24] =	ssyncset.done $0x0  }
0x74: {  	[sflag:s24] =	ssyncadd.s32 $0xFFFFC000  }
0x75: {  	[tilespmem:s18], [sflag:$0x2] =	stream.indirect.gather [hbm4b:s1+s16], $0x80, s7, s16, $0xb8;
	[tilespmem:$0x1C400] =	vst v63  }
0x76: {  	_ =	swait.ge [sflag:s19], $0x4000  }
0x77: {  	[sflag:s19] =	ssyncset.done $0x0  }
0x78: {  	[sflag:s19] =	ssyncadd.s32 $0xFFFFC000  }
0x79: {  	[spmem:s3] =	stream.indirect.scatter.add.f32 [tilespmem:s14], [sflag:$0x3], $0x80, s8, s16, $0xb8;
	[tilespmem:$0x1C400] =	vst v63  }
0x7a: {  	_ =	swait.ge [sflag:s22], $0x4000  }
0x7b: {  	[sflag:s22] =	ssyncset.done $0x0  }
0x7c: {  	[sflag:s22] =	ssyncadd.s32 $0xFFFFC000  }
0x7d: {  	[spmem:s3] =	stream.indirect.scatter.add.f32 [tilespmem:s18], [sflag:$0x4], $0x80, s9, s16, $0xb8;
	[tilespmem:$0x1C400] =	vst v63  }
0x7e: {  	_ =	swait.ge [sflag:s20], $0x4000  }
0x7f: {  	[sflag:s20] =	ssyncset.done $0x0  }
0x80: {  	[sflag:s20] =	ssyncadd.s32 $0xFFFFC000  }
0x81: {  	_ =	swait.ge [sflag:s24], $0x4000  }
0x82: {  	s11 =	simm.s32 $0x100;
	s12 =	simm.s32 $0x200;
	[sflag:s24] =	ssyncset.done $0x0  }
.LBB2_4:
0x83: {  	s5 =	sadd.s32 s11, s13  }
0x84: {  	[sflag:s24] =	ssyncadd.s32 $0xFFFFC000;
	s11 =	smov.u32 s12;
	s25 =	sadd.s32 $0x100, s12  }
0x85: {  	[tilespmem:s4], [sflag:$0x5] =	stream.linear.gather [hbm4b:s5+s4], $0x800, $0x38;
	[tilespmem:$0x1C400] =	vst v63  }
0x86: {  	p1 =	sne.s32 s12, $0x900;
	_ =	swait.ge [sflag:s15], $0x800  }
0x87: {  	[sflag:s15] =	ssyncset.done $0x0  }
0x88: {  	[sflag:s15] =	ssyncadd.s32 $0xFFFFF800  }
0x89: {  	[tilespmem:s14], [sflag:$0x1] =	stream.indirect.gather [hbm4b:s1+s16], $0x80, s4, s16, $0xb8;
	[tilespmem:$0x1C400] =	vst v63  }
0x8a: {  	_ = 	snop  }
0x8b: {  	[tilespmem:s18], [sflag:$0x2] =	stream.indirect.gather [hbm4b:s1+s16], $0x80, s17, s16, $0xb8;
	[tilespmem:$0x1C400] =	vst v63  }
0x8c: {  	_ =	swait.ge [sflag:s19], $0x4000  }
0x8d: {  	[sflag:s19] =	ssyncset.done $0x0  }
0x8e: {  	[sflag:s19] =	ssyncadd.s32 $0xFFFFC000  }
0x8f: {  	[spmem:s3] =	stream.indirect.scatter.add.f32 [tilespmem:s14], [sflag:$0x3], $0x80, s16, s16, $0xb8;
	[tilespmem:$0x1C400] =	vst v63  }
0x90: {  	_ =	swait.ge [sflag:s20], $0x4000  }
0x91: {  	[sflag:s20] =	ssyncset.done $0x0  }
0x92: {  	[sflag:s20] =	ssyncadd.s32 $0xFFFFC000  }
0x93: {  	[tilespmem:s14], [sflag:$0x1] =	stream.indirect.gather [hbm4b:s1+s16], $0x80, s21, s16, $0xb8;
	[tilespmem:$0x1C400] =	vst v63  }
0x94: {  	_ =	swait.ge [sflag:s22], $0x4000  }
0x95: {  	[sflag:s22] =	ssyncset.done $0x0  }
0x96: {  	[sflag:s22] =	ssyncadd.s32 $0xFFFFC000  }
0x97: {  	[spmem:s3] =	stream.indirect.scatter.add.f32 [tilespmem:s18], [sflag:$0x4], $0x80, s23, s16, $0xb8;
	[tilespmem:$0x1C400] =	vst v63  }
0x98: {  	_ =	swait.ge [sflag:s24], $0x4000  }
0x99: {  	[sflag:s24] =	ssyncset.done $0x0  }
0x9a: {  	[sflag:s24] =	ssyncadd.s32 $0xFFFFC000  }
0x9b: {  	[tilespmem:s18], [sflag:$0x2] =	stream.indirect.gather [hbm4b:s1+s16], $0x80, s26, s16, $0xb8;
	[tilespmem:$0x1C400] =	vst v63  }
0x9c: {  	_ =	swait.ge [sflag:s19], $0x4000  }
0x9d: {  	[sflag:s19] =	ssyncset.done $0x0  }
0x9e: {  	[sflag:s19] =	ssyncadd.s32 $0xFFFFC000  }
0x9f: {  	[spmem:s3] =	stream.indirect.scatter.add.f32 [tilespmem:s14], [sflag:$0x3], $0x80, s28, s16, $0xb8;
	[tilespmem:$0x1C400] =	vst v63  }
0xa0: {  	_ =	swait.ge [sflag:s20], $0x4000  }
0xa1: {  	[sflag:s20] =	ssyncset.done $0x0  }
0xa2: {  	[sflag:s20] =	ssyncadd.s32 $0xFFFFC000  }
0xa3: {  	[tilespmem:s14], [sflag:$0x1] =	stream.indirect.gather [hbm4b:s1+s16], $0x80, s29, s16, $0xb8;
	[tilespmem:$0x1C400] =	vst v63  }
0xa4: {  	_ =	swait.ge [sflag:s22], $0x4000  }
0xa5: {  	[sflag:s22] =	ssyncset.done $0x0  }
0xa6: {  	[sflag:s22] =	ssyncadd.s32 $0xFFFFC000  }
0xa7: {  	[spmem:s3] =	stream.indirect.scatter.add.f32 [tilespmem:s18], [sflag:$0x4], $0x80, s30, s16, $0xb8;
	[tilespmem:$0x1C400] =	vst v63  }
0xa8: {  	_ =	swait.ge [sflag:s24], $0x4000  }
0xa9: {  	[sflag:s24] =	ssyncset.done $0x0  }
0xaa: {  	[sflag:s24] =	ssyncadd.s32 $0xFFFFC000  }
0xab: {  	[tilespmem:s18], [sflag:$0x2] =	stream.indirect.gather [hbm4b:s1+s16], $0x80, s31, s16, $0xb8;
	[tilespmem:$0x1C400] =	vst v63  }
0xac: {  	_ =	swait.ge [sflag:s19], $0x4000  }
0xad: {  	[sflag:s19] =	ssyncset.done $0x0  }
0xae: {  	[sflag:s19] =	ssyncadd.s32 $0xFFFFC000  }
0xaf: {  	[spmem:s3] =	stream.indirect.scatter.add.f32 [tilespmem:s14], [sflag:$0x3], $0x80, s2, s16, $0xb8;
	[tilespmem:$0x1C400] =	vst v63  }
0xb0: {  	_ =	swait.ge [sflag:s20], $0x4000  }
0xb1: {  	[sflag:s20] =	ssyncset.done $0x0  }
0xb2: {  	[sflag:s20] =	ssyncadd.s32 $0xFFFFC000  }
0xb3: {  	[tilespmem:s14], [sflag:$0x1] =	stream.indirect.gather [hbm4b:s1+s16], $0x80, s0, s16, $0xb8;
	[tilespmem:$0x1C400] =	vst v63  }
0xb4: {  	_ =	swait.ge [sflag:s22], $0x4000  }
0xb5: {  	[sflag:s22] =	ssyncset.done $0x0  }
0xb6: {  	[sflag:s22] =	ssyncadd.s32 $0xFFFFC000  }
0xb7: {  	[spmem:s3] =	stream.indirect.scatter.add.f32 [tilespmem:s18], [sflag:$0x4], $0x80, s6, s16, $0xb8;
	[tilespmem:$0x1C400] =	vst v63  }
0xb8: {  	_ =	swait.ge [sflag:s24], $0x4000  }
0xb9: {  	[sflag:s24] =	ssyncset.done $0x0  }
0xba: {  	[sflag:s24] =	ssyncadd.s32 $0xFFFFC000  }
0xbb: {  	[tilespmem:s18], [sflag:$0x2] =	stream.indirect.gather [hbm4b:s1+s16], $0x80, s7, s16, $0xb8;
	[tilespmem:$0x1C400] =	vst v63  }
0xbc: {  	_ =	swait.ge [sflag:s19], $0x4000  }
0xbd: {  	[sflag:s19] =	ssyncset.done $0x0  }
0xbe: {  	[sflag:s19] =	ssyncadd.s32 $0xFFFFC000  }
0xbf: {  	[spmem:s3] =	stream.indirect.scatter.add.f32 [tilespmem:s14], [sflag:$0x3], $0x80, s8, s16, $0xb8;
	[tilespmem:$0x1C400] =	vst v63  }
0xc0: {  	_ =	swait.ge [sflag:s22], $0x4000  }
0xc1: {  	[sflag:s22] =	ssyncset.done $0x0  }
0xc2: {  	[sflag:s22] =	ssyncadd.s32 $0xFFFFC000  }
0xc3: {  	[spmem:s3] =	stream.indirect.scatter.add.f32 [tilespmem:s18], [sflag:$0x4], $0x80, s9, s16, $0xb8;
	[tilespmem:$0x1C400] =	vst v63  }
.Ltmp1:
0xc4: {  	_ =	swait.ge [sflag:s20], $0x4000;
	(pc) =	sbr.rel @p1 .LBB2_4-.Ltmp1, $4  }
0xc5: {  	[sflag:s20] =	ssyncset.done $0x0  }
0xc6: {  	[sflag:s20] =	ssyncadd.s32 $0xFFFFC000  }
0xc7: {  	_ =	swait.ge [sflag:s24], $0x4000  }
0xc8: {  	s12 =	smov.u32 s25;
	[sflag:s24] =	ssyncset.done $0x0  }
0xc9: {  	s5 =	sadd.s32 s11, s13;
	[sflag:s24] =	ssyncadd.s32 $0xFFFFC000  }
0xca: {  	[tilespmem:s4], [sflag:$0x5] =	stream.linear.gather [hbm4b:s5+s4], $0x800, $0x38;
	[tilespmem:$0x1C400] =	vst v63  }
0xcb: {  	_ =	swait.ge [sflag:s15], $0x800  }
0xcc: {  	[sflag:s15] =	ssyncset.done $0x0  }
0xcd: {  	[sflag:s15] =	ssyncadd.s32 $0xFFFFF800  }
0xce: {  	[tilespmem:s14], [sflag:$0x1] =	stream.indirect.gather [hbm4b:s1+s16], $0x80, s4, s16, $0xb8;
	[tilespmem:$0x1C400] =	vst v63  }
0xcf: {  	_ = 	snop  }
0xd0: {  	[tilespmem:s18], [sflag:$0x2] =	stream.indirect.gather [hbm4b:s1+s16], $0x80, s17, s16, $0xb8;
	[tilespmem:$0x1C400] =	vst v63  }
0xd1: {  	_ =	swait.ge [sflag:s19], $0x4000  }
0xd2: {  	[sflag:s19] =	ssyncset.done $0x0  }
0xd3: {  	[sflag:s19] =	ssyncadd.s32 $0xFFFFC000  }
0xd4: {  	[spmem:s3] =	stream.indirect.scatter.add.f32 [tilespmem:s14], [sflag:$0x3], $0x80, s16, s16, $0xb8;
	[tilespmem:$0x1C400] =	vst v63  }
0xd5: {  	_ =	swait.ge [sflag:s20], $0x4000  }
0xd6: {  	[sflag:s20] =	ssyncset.done $0x0  }
0xd7: {  	[sflag:s20] =	ssyncadd.s32 $0xFFFFC000  }
0xd8: {  	[tilespmem:s14], [sflag:$0x1] =	stream.indirect.gather [hbm4b:s1+s16], $0x80, s21, s16, $0xb8;
	[tilespmem:$0x1C400] =	vst v63  }
0xd9: {  	_ =	swait.ge [sflag:s22], $0x4000  }
0xda: {  	[sflag:s22] =	ssyncset.done $0x0  }
0xdb: {  	[sflag:s22] =	ssyncadd.s32 $0xFFFFC000  }
0xdc: {  	[spmem:s3] =	stream.indirect.scatter.add.f32 [tilespmem:s18], [sflag:$0x4], $0x80, s23, s16, $0xb8;
	[tilespmem:$0x1C400] =	vst v63  }
0xdd: {  	_ =	swait.ge [sflag:s24], $0x4000  }
0xde: {  	[sflag:s24] =	ssyncset.done $0x0  }
0xdf: {  	[sflag:s24] =	ssyncadd.s32 $0xFFFFC000  }
0xe0: {  	[tilespmem:s18], [sflag:$0x2] =	stream.indirect.gather [hbm4b:s1+s16], $0x80, s26, s16, $0xb8;
	[tilespmem:$0x1C400] =	vst v63  }
0xe1: {  	_ =	swait.ge [sflag:s19], $0x4000  }
0xe2: {  	[sflag:s19] =	ssyncset.done $0x0  }
0xe3: {  	[sflag:s19] =	ssyncadd.s32 $0xFFFFC000  }
0xe4: {  	[spmem:s3] =	stream.indirect.scatter.add.f32 [tilespmem:s14], [sflag:$0x3], $0x80, s28, s16, $0xb8;
	[tilespmem:$0x1C400] =	vst v63  }
0xe5: {  	_ =	swait.ge [sflag:s20], $0x4000  }
0xe6: {  	[sflag:s20] =	ssyncset.done $0x0  }
0xe7: {  	[sflag:s20] =	ssyncadd.s32 $0xFFFFC000  }
0xe8: {  	[tilespmem:s14], [sflag:$0x1] =	stream.indirect.gather [hbm4b:s1+s16], $0x80, s29, s16, $0xb8;
	[tilespmem:$0x1C400] =	vst v63  }
0xe9: {  	_ =	swait.ge [sflag:s22], $0x4000  }
0xea: {  	[sflag:s22] =	ssyncset.done $0x0  }
0xeb: {  	[sflag:s22] =	ssyncadd.s32 $0xFFFFC000  }
0xec: {  	[spmem:s3] =	stream.indirect.scatter.add.f32 [tilespmem:s18], [sflag:$0x4], $0x80, s30, s16, $0xb8;
	[tilespmem:$0x1C400] =	vst v63  }
0xed: {  	_ =	swait.ge [sflag:s24], $0x4000  }
0xee: {  	[sflag:s24] =	ssyncset.done $0x0  }
0xef: {  	[sflag:s24] =	ssyncadd.s32 $0xFFFFC000  }
0xf0: {  	[tilespmem:s18], [sflag:$0x2] =	stream.indirect.gather [hbm4b:s1+s16], $0x80, s31, s16, $0xb8;
	[tilespmem:$0x1C400] =	vst v63  }
0xf1: {  	_ =	swait.ge [sflag:s19], $0x4000  }
0xf2: {  	[sflag:s19] =	ssyncset.done $0x0  }
0xf3: {  	[sflag:s19] =	ssyncadd.s32 $0xFFFFC000  }
0xf4: {  	[spmem:s3] =	stream.indirect.scatter.add.f32 [tilespmem:s14], [sflag:$0x3], $0x80, s2, s16, $0xb8;
	[tilespmem:$0x1C400] =	vst v63  }
0xf5: {  	_ =	swait.ge [sflag:s20], $0x4000  }
0xf6: {  	[sflag:s20] =	ssyncset.done $0x0  }
0xf7: {  	[sflag:s20] =	ssyncadd.s32 $0xFFFFC000  }
0xf8: {  	[tilespmem:s14], [sflag:$0x1] =	stream.indirect.gather [hbm4b:s1+s16], $0x80, s0, s16, $0xb8;
	[tilespmem:$0x1C400] =	vst v63  }
0xf9: {  	_ =	swait.ge [sflag:s22], $0x4000  }
0xfa: {  	[sflag:s22] =	ssyncset.done $0x0  }
0xfb: {  	[sflag:s22] =	ssyncadd.s32 $0xFFFFC000  }
0xfc: {  	[spmem:s3] =	stream.indirect.scatter.add.f32 [tilespmem:s18], [sflag:$0x4], $0x80, s6, s16, $0xb8;
	[tilespmem:$0x1C400] =	vst v63  }
0xfd: {  	_ =	swait.ge [sflag:s24], $0x4000  }
0xfe: {  	[sflag:s24] =	ssyncset.done $0x0  }
0xff: {  	[sflag:s24] =	ssyncadd.s32 $0xFFFFC000  }
0x100: {  	[tilespmem:s18], [sflag:$0x2] =	stream.indirect.gather [hbm4b:s1+s16], $0x80, s7, s16, $0xb8;
	[tilespmem:$0x1C400] =	vst v63  }
0x101: {  	_ =	swait.ge [sflag:s19], $0x4000  }
0x102: {  	[sflag:s19] =	ssyncset.done $0x0  }
0x103: {  	[sflag:s19] =	ssyncadd.s32 $0xFFFFC000  }
0x104: {  	[spmem:s3] =	stream.indirect.scatter.add.f32 [tilespmem:s14], [sflag:$0x3], $0x80, s8, s16, $0xb8;
	[tilespmem:$0x1C400] =	vst v63  }
0x105: {  	_ =	swait.ge [sflag:s22], $0x4000  }
0x106: {  	[sflag:s22] =	ssyncset.done $0x0  }
0x107: {  	[sflag:s22] =	ssyncadd.s32 $0xFFFFC000  }
0x108: {  	[spmem:s3] =	stream.indirect.scatter.add.f32 [tilespmem:s18], [sflag:$0x4], $0x80, s9, s16, $0xb8;
	[tilespmem:$0x1C400] =	vst v63  }
0x109: {  	_ =	swait.ge [sflag:s20], $0x4000  }
0x10a: {  	[sflag:s20] =	ssyncset.done $0x0  }
0x10b: {  	[sflag:s20] =	ssyncadd.s32 $0xFFFFC000  }
0x10c: {  	_ =	swait.ge [sflag:s24], $0x4000  }
0x10d: {  	[sflag:s24] =	ssyncset.done $0x0  }
0x10e: {  	[sflag:s24] =	ssyncadd.s32 $0xFFFFC000  }
0x10f: {  	[bflag:$0x0] =	sbarrier.arrive $0xFFFF  }
0x110: {  	s11 =	rddreg [dreg:$0x7]  }
0x111: {  	s5 =	simm.s32 @p0 $0x1FC5;
	s12 =	rddreg [dreg:$0xc]  }
0x112: {  	[hbm:s11], [sflag:s5] =	dma.local @p0 [spmem:s12], $0x2080  }
0x113: {  	s5 =	simm.s32 @p0 $0x5  }
0x114: {  	_ =	swait.ge @p0 [sflag:s5], $0x2080  }
0x115: {  	s11 =	stileid.u32;
	s25 =	rddreg [dreg:$0x4]  }
0x116: {  	s11 =	sshll.u32 @!p0 s11, $0x6;
	[sflag:s5] =	ssyncset.done @p0 $0x0;
	s12 =	rddreg [dreg:$0x6]  }
0x117: {  	[sflag:s5] =	ssyncadd.s32 @p0 $0xFFFFDF80;
	s5 =	sor.u32 @!p0 $0x1C05, s11;
	s11 =	sshrl.u32 @!p0 s25, $0x3  }
0x118: {  	[hbm:s12], [sflag:s5] =	dma.local @!p0 [spmem:s11], $0x2780  }
0x119: {  	s5 =	simm.s32 @!p0 $0x5  }
0x11a: {  	_ =	swait.ge @!p0 [sflag:s5], $0x2780  }
0x11b: {  	s10 =	sadd.s32 $0x1, s10;
	s12 =	rddreg [dreg:$0x8]  }
0x11c: {  	p1 =	sne.s32 s10, s12  }
.Ltmp2:
0x11d: {  	_ = 	snop;
	(pc) =	sbr.rel @p1 .LBB2_1-.Ltmp2, $3  }
0x11e: {  	_ =	sdelay $0x1  }
0x11f: {  	[sflag:s5] =	ssyncset.done @!p0 $0x0  }
0x120: {  	[sflag:s5] =	ssyncadd.s32 @!p0 $0xFFFFD880  }
0x121: {  	_ =	sfence.sel $0x180000  }
0x122: {  	[bflag:$0x0] =	sbarrier.arrive $0xFFFF  }
0x123: {  	_ =	strace $0x90000047  }
0x124: {  	s0 =	stileid.u32;
	[bflag:$0x2] =	sbarrier.arrive $0xFFFF  }
0x125: {  	p0 =	sne.s32 s0, $0x0;
	s0 =	rddreg [dreg:$0x3]  }
0x126: {  	s0 =	sadd.s32 @!p0 $0x100000, s0  }
0x127: {  	[sflag:s0] =	ssyncadd.tile.s32 @!p0 $0x1;
	_ =	shalt  }
.Lfunc_end2:
_tile_overlayer_lowered:
.L_overlay_start_2:
0x128: {  	(tag) =	ssettag $0x2  }
0x129: {  	s0 =	rddreg [dreg:$0x0];
	s2 =	stileid.u32  }
0x12a: {  	s1 =	rddreg [dreg:$0x1];
	p0 =	sne.s32 s2, $0x0  }
0x12b: {  	s3 =	rddreg [dreg:$0x2];
	[bflag:$0x3] =	sbarrier.arrive $0xFFFF;
	s2 =	simm.s32 @!p0 $0x1C05  }
0x12c: {  	[timem:s3], [sflag:s2] =	dma.local @!p0 [hbm:s0], s1  }
0x12d: {  	s0 =	simm.s32 @!p0 $0x5  }
0x12e: {  	_ =	swait.ge @!p0 [sflag:s0], s1  }
0x12f: {  	s1 =	ssub.s32 @!p0 $0x0, s1;
	[sflag:s0] =	ssyncset.done @!p0 $0x0  }
0x130: {  	[sflag:s0] =	ssyncadd.s32 @!p0 s1  }
0x131: {  	[bflag:$0x3] =	sbarrier.arrive $0xFFFF  }
0x132: {  	_ =	shalt  }

// kernel: kernel.15.cloned.1.call-start
scs
__scs_entry_jumppad:
0x0: {  	(pc) =	sbr.rel $0x88, $3  }
0x1: {  	(tag) =	ssettag $0x0;
	lr =	simm.s32 $0x1  }
0x2: {  	[smem:$0x3F96] =	sst lr;
	_ =	strace $0xD0000000  }
0x3: {  	_ = 	snop  }
0x4: {  	_ = 	snop  }
0x5: {  	_ = 	snop  }
0x6: {  	_ = 	snop  }
0x7: {  	_ = 	snop  }
__scs_overlays_trampoline_lowered:
0x8: {  	[smem:$0x3FA5] =	sst s0  }
0x9: {  	[smem:$0x3FA6] =	sst s1  }
0xa: {  	[smem:$0x3FA7] =	sst s2  }
0xb: {  	[smem:$0x3FA8] =	sst s3  }
0xc: {  	[smem:$0x3FA9] =	sst s4  }
0xd: {  	[smem:$0x3FAA] =	sst s5  }
0xe: {  	[smem:$0x3FAB] =	sst s6  }
0xf: {  	[smem:$0x3FAC] =	sst s7  }
0x10: {  	[smem:$0x3FAD] =	sst s8  }
0x11: {  	[smem:$0x3FAE] =	sst s9;
	s0 =	simm.s32 @!p0 $0x0  }
0x12: {  	s1 =	sld [smem:$0x3F94];
	s0 =	simm.s32 @p0 $0x1  }
0x13: {  	[smem:$0x3FAF] =	sst s0;
	s0 =	simm.s32 @!p1 $0x0  }
0x14: {  	s2 =	sld [smem:$0x3F93];
	s0 =	simm.s32 @p1 $0x1  }
0x15: {  	[smem:$0x3FB0] =	sst s0;
	s0 =	simm.s32 @!p2 $0x0  }
0x16: {  	s3 =	sld [smem:$0x3FDB];
	s0 =	simm.s32 @p2 $0x1  }
0x17: {  	s4 =	simm.s32 $0x1BF5;
	[smem:$0x3FB2] =	sst s0  }
0x18: {  	s0 =	sld [smem:$0x3F95];
	_ =	swait.ge [sflag:s4], $0x0  }
0x19: {  	s7 =	sld [smem:$0x3F96]  }
0x1a: {  	s8 =	sadd.s32 $0xFFFFE003, lr  }
0x1b: {  	s9 =	sadd.s32 $0xFFFFFEF7, lr;
	s5 =	simm.s32 $0xFFFFFFFF;
	p2 =	slt.u32 s8, $0xFFFFF086  }
0x1c: {  	p1 =	slt.u32 s9, $0xF7A;
	s5 =	simm.s32 @!p2 $0x0  }
0x1d: {  	s5 =	simm.s32 @p1 $0x1;
	p0 =	seq.s32 s7, s2  }
0x1e: {  	s7 =	smul.u32 @!p0 $0xF7A, s2;
	p2 =	seq.s32 @!p0 s5, $0x0  }
0x1f: {  	s9 =	smul.u32 $0xF7A, s1;
	s8 =	simm.s32 @!p0 $0x1BF5;
	p2 =	por !p2, p0  }
0x20: {  	[sflag:s8] =	ssyncset.s32 @!p0 $0xFFFFF086;
	s6 =	sadd.s32 @!p0 s3, s7;
	s7 =	simm.s32 @!p0 $0x108  }
0x21: {  	s3 =	sadd.s32 s3, s9;
	s6 =	sadd.s32 @!p0 $0x88, s6;
	s7 =	simm.s32 @p2 $0x1082  }
0x22: {  	[simem:s7], [sflag:s8] =	dma.local @!p0 [hbm:s6], $0xF7A  }
0x23: {  	s9 =	sor.u32 $0xD0000000, s2;
	s6 =	simm.s32 $0x108;
	_ =	swait.ge @!p0 [sflag:s8], $0x0  }
0x24: {  	s3 =	sadd.s32 $0x88, s3;
	s6 =	simm.s32 @!p1 $0x1082;
	[sflag:s4] =	ssyncset.s32 $0xFFFFF086  }
0x25: {  	[simem:s6], [sflag:s4] =	dma.local [hbm:s3], $0xF7A  }
0x26: {  	[smem:$0x3F96] =	sst s1;
	(tag) =	ssettag s2;
	_ =	strace s9  }
0x27: {  	s1 =	sld [smem:$0x3FA6]  }
0x28: {  	s2 =	sld [smem:$0x3FA7]  }
0x29: {  	s4 =	sld [smem:$0x3FA9]  }
0x2a: {  	p0 =	seq.s32 s5, $0x0;
	s5 =	sld [smem:$0x3FAA]  }
0x2b: {  	s6 =	sld [smem:$0x3FAB]  }
0x2c: {  	s7 =	sld [smem:$0x3FAC]  }
0x2d: {  	s3 =	simm.s32 $0x108;
	s8 =	sld [smem:$0x3FAD]  }
0x2e: {  	s3 =	simm.s32 @!p0 $0x1082;
	s9 =	sld [smem:$0x3FAE]  }
0x2f: {  	lr =	sadd.s32 s0, s3;
	s0 =	sld [smem:$0x3FA5]  }
0x30: {  	s3 =	sld [smem:$0x3FA8]  }
0x31: {  	[smem:$0x3FB1] =	sst s10  }
0x32: {  	s10 =	sld [smem:$0x3FAF];
	_ =	sdelay $0x3  }
0x33: {  	p0 =	seq.s32 s10, $0x1;
	s10 =	sld [smem:$0x3FB1];
	_ =	sdelay $0x3  }
0x34: {  	[smem:$0x3FB1] =	sst s10  }
0x35: {  	s10 =	sld [smem:$0x3FB0];
	_ =	sdelay $0x3  }
0x36: {  	p1 =	seq.s32 s10, $0x1;
	s10 =	sld [smem:$0x3FB1];
	_ =	sdelay $0x3  }
0x37: {  	[smem:$0x3FB1] =	sst s10  }
0x38: {  	s10 =	sld [smem:$0x3FB2]  }
0x39: {  	_ = 	snop;
	(pc) =	sbr.ind lr, $3  }
0x3a: {  	_ = 	snop  }
0x3b: {  	_ = 	snop  }
0x3c: {  	p2 =	seq.s32 s10, $0x1;
	s10 =	sld [smem:$0x3FB1]  }
0x3d: {  	_ =	shalt  }
0x3e: {  	_ =	shalt  }
0x3f: {  	_ =	shalt  }
0x40: {  	_ =	shalt  }
0x41: {  	_ =	shalt  }
0x42: {  	_ =	shalt  }
0x43: {  	_ =	shalt  }
0x44: {  	_ =	shalt  }
0x45: {  	_ =	shalt  }
0x46: {  	_ =	shalt  }
0x47: {  	_ =	shalt  }
0x48: {  	_ =	shalt  }
0x49: {  	_ =	shalt  }
0x4a: {  	_ =	shalt  }
0x4b: {  	_ =	shalt  }
0x4c: {  	_ =	shalt  }
0x4d: {  	_ =	shalt  }
0x4e: {  	_ =	shalt  }
0x4f: {  	_ =	shalt  }
0x50: {  	_ =	shalt  }
0x51: {  	_ =	shalt  }
0x52: {  	_ =	shalt  }
0x53: {  	_ =	shalt  }
0x54: {  	_ =	shalt  }
0x55: {  	_ =	shalt  }
0x56: {  	_ =	shalt  }
0x57: {  	_ =	shalt  }
0x58: {  	_ =	shalt  }
0x59: {  	_ =	shalt  }
0x5a: {  	_ =	shalt  }
0x5b: {  	_ =	shalt  }
0x5c: {  	_ =	shalt  }
0x5d: {  	_ =	shalt  }
0x5e: {  	_ =	shalt  }
0x5f: {  	_ =	shalt  }
0x60: {  	_ =	shalt  }
0x61: {  	_ =	shalt  }
0x62: {  	_ =	shalt  }
0x63: {  	_ =	shalt  }
0x64: {  	_ =	shalt  }
0x65: {  	_ =	shalt  }
0x66: {  	_ =	shalt  }
0x67: {  	_ =	shalt  }
0x68: {  	_ =	shalt  }
0x69: {  	_ =	shalt  }
0x6a: {  	_ =	shalt  }
0x6b: {  	_ =	shalt  }
0x6c: {  	_ =	shalt  }
0x6d: {  	_ =	shalt  }
0x6e: {  	_ =	shalt  }
0x6f: {  	_ =	shalt  }
0x70: {  	_ =	shalt  }
0x71: {  	_ =	shalt  }
0x72: {  	_ =	shalt  }
0x73: {  	_ =	shalt  }
0x74: {  	_ =	shalt  }
0x75: {  	_ =	shalt  }
0x76: {  	_ =	shalt  }
0x77: {  	_ =	shalt  }
0x78: {  	_ =	shalt  }
0x79: {  	_ =	shalt  }
0x7a: {  	_ =	shalt  }
0x7b: {  	_ =	shalt  }
0x7c: {  	_ =	shalt  }
0x7d: {  	_ =	shalt  }
0x7e: {  	_ =	shalt  }
0x7f: {  	_ =	shalt  }
0x80: {  	_ =	shalt  }
0x81: {  	_ =	shalt  }
0x82: {  	_ =	shalt  }
0x83: {  	_ =	shalt  }
0x84: {  	_ =	shalt  }
0x85: {  	_ =	shalt  }
0x86: {  	_ =	shalt  }
0x87: {  	_ =	shalt  }
.Lfunc_end0:
.L_simem_size_0:
called_computation.2_lowered:
.L_overlay_start_0:
0x88: {  	s2 =	sld [smem:$0x3FD9]  }
0x89: {  	s3 =	sld [smem:$0x3FFE];
	_ =	sdelay $0x1  }
0x8a: {  	s1 =	srdreg.scid  }
0x8b: {  	s0 =	sand.u32 $0x1, s1  }
0x8c: {  	s16 =	sshll.u32 s0, $0xA;
	s2 =	sadd.s32 s3, s2  }
0x8d: {  	s2 =	sadd.s32 s2, s16  }
0x8e: {  	[smem:$0x3FBD] =	sst s2  }
0x8f: {  	_ = 	snop  }
0x90: {  	(tm) =	ssettm $0x1  }
0x91: {  	s17 =	sld [smem:$0x3FFB];
	_ =	sdelay $0x3  }
0x92: {  	_ =	strace s17  }
0x93: {  	s2 =	sld [smem:$0x3FFC];
	_ =	sdelay $0x3  }
0x94: {  	_ =	strace s2  }
0x95: {  	s2 =	sld [smem:$0x3FFD];
	_ =	sdelay $0x3  }
0x96: {  	_ =	strace s2  }
0x97: {  	_ =	strace $0x8FFFFFFF  }
0x98: {  	s18 =	sld [smem:$0x3FDB];
	_ =	sdelay $0x1  }
0x99: {  	s19 =	simm.s32 $_scs_section_size  }
0x9a: {  	s4 =	simm.s32 $_size__tile_overlayer_lowered;
	s5 =	simm.s32 $_tile_overlayer_lowered  }
0x9b: {  	s22 =	simm.s32 $0x1BFF;
	s21 =	sshll.u32 s5, $0x1;
	s2 =	sadd.s32 s19, s18  }
0x9c: {  	s6 =	simm.s32 $0x0;
	s20 =	sshll.u32 s4, $0x1;
	s4 =	sadd.s32 s21, s2  }
0x9d: {  	[timem:s6], [sflag:s22] =	dma.local [hbm:s4], s20  }
0x9e: {  	_ =	swait.ge [sflag:s22], s20  }
0x9f: {  	s3 =	ssub.s32 $0x0, s20;
	[sflag:s22] =	ssyncset.done $0x0  }
0xa0: {  	[sflag:s22] =	ssyncadd.s32 s3;
	_ =	sdelay $0x1  }
0xa1: {  	s23 =	simm.s32 $0x1B8B  }
0xa2: {  	_ =	swait.ge [sflag:s23], $0x1  }
0xa3: {  	[sflag:s23] =	ssyncset.done $0x0  }
0xa4: {  	s25 =	simm.s32 $0x1B8E;
	s24 =	sld [smem:$0x3FFE];
	[sflag:s23] =	ssyncadd.s32 $0xFFFFFFFF  }
0xa5: {  	s26 =	simm.s32 $execute0_lowered;
	[smem:$0x3FD2] =	sst s25  }
0xa6: {  	s4 =	sshll.u32 s26, $0x1;
	_ =	strace $0x8000004C;
	[dreg:$0x1] =	wrdreg $0xFFFFFFFF  }
0xa7: {  	s28 =	simm.s32 $_size_execute0_lowered;
	s2 =	sadd.s32 s2, s4;
	[dreg:$0x0] =	wrdreg $0x0  }
0xa8: {  	s4 =	sshll.u32 s28, $0x1;
	[dreg:$0x2] =	wrdreg s2  }
0xa9: {  	[dreg:$0x3] =	wrdreg s4  }
0xaa: {  	[dreg:$0x4] =	wrdreg $0xC0  }
0xab: {  	_ =	task [dreg:s6], $0x5FFFF  }
0xac: {  	[dreg:$0x1] =	wrdreg $0xFFFFFFFF  }
0xad: {  	[dreg:$0x0] =	wrdreg $0x60  }
0xae: {  	[dreg:$0x2] =	wrdreg s24  }
0xaf: {  	[dreg:$0x3] =	wrdreg $0x88000  }
0xb0: {  	[dreg:$0x4] =	wrdreg $0x9  }
0xb1: {  	_ =	task.clear_ibuf [dreg:s6], $0x5FFFF;
	_ =	strace $0x9000004C  }
0xb2: {  	s29 =	simm.s32 $0x9;
	_ =	strace $0x8000004E  }
0xb3: {  	_ =	swait.ge [sflag:s29], $0x1  }
0xb4: {  	[sflag:s29] =	ssyncadd.s32 $0xFFFFFFFF  }
0xb5: {  	_ =	strace $0x9000004E  }
0xb6: {  	_ =	sfence  }
0xb7: {  	s30 =	sld [smem:$0x0];
	_ =	sdelay $0x2  }
0xb8: {  	s31 =	sshll.u32 s1, $0xD;
	s1 =	sshrl.u32 s1, $0x2  }
0xb9: {  	s3 =	sand.u32 $0x4000, s31;
	s1 =	sadd.s32 s1, s30  }
0xba: {  	s0 =	sor.u32 s3, s0;
	s1 =	sshll.u32 s1, $0x11  }
0xbb: {  	s0 =	sor.u32 s1, s0  }
0xbc: {  	s0 =	sadd.s32 $0x8F2B, s0  }
0xbd: {  	[sflag:s0] =	ssyncadd.remote.s32 $0x1  }
0xbe: {  	_ =	sfence.sel $0xFFFF  }
0xbf: {  	[dreg:$0x0] =	wrdreg $0xFFFFFFFF;
	(pc) =	sbr.abs _section_cstart, $3  }
0xc0: {  	[dreg:$0x1] =	wrdreg $0xFFFFFFFF  }
0xc1: {  	_ =	task.clear_ibuf [dreg:s6], $0x2FFFF;
	_ =	strace $0x9FFFFFFF  }
0xc2: {  	(tm) =	ssettm $0x7FFFFFFF  }
0xc3: {  	_ =	shalt  }
tec
execute0_lowered:
.L_overlay_start_1:
0x0: {  	(tag) =	ssettag $0x1  }
0x1: {  	s0 =	srdreg.scid;
	s1 =	rddreg [dreg:$0x0]  }
0x2: {  	s11 =	stileid.u32;
	s2 =	rddreg [dreg:$0x1]  }
0x3: {  	s3 =	simm.s32 $0x0;
	s14 =	simm.s32 $0x800;
	s15 =	simm.s32 $0x5  }
0x4: {  	s16 =	simm.s32 $0x80;
	s17 =	simm.s32 $0x100;
	s5 =	smul.u32 $0x5000, s11  }
0x5: {  	s28 =	simm.s32 $0x280;
	s29 =	simm.s32 $0x400;
	s6 =	smul.u32 $0x4F000, s11  }
0x6: {  	s30 =	simm.s32 $0x380;
	s0 =	sand.u32 $0x1, s0;
	s8 =	smul.u32 $0x2780, s11  }
0x7: {  	s31 =	simm.s32 $0x500;
	[smem:$0x7FF] =	sst s3;
	s4 =	smul.u32 $0x50000, s0  }
0x8: {  	p0 =	seq.s32 s11, $0xF;
	s18 =	ssub.s32 $0x2, s0;
	s9 =	smul.u32 $0x138800, s0  }
0x9: {  	_ =	strace $0x8000004D;
	s0 =	smul.u32 $0x27100, s0;
	s10 =	sshrl.u32 s18, $0x1  }
0xa: {  	s6 =	sshrl.u32 s6, $0x2;
	s4 =	sadd.s32 s5, s4;
	s10 =	ssub.s32 s18, s10  }
0xb: {  	s25 =	sadd.s32 s6, s2;
	s19 =	sshrl.u32 s9, $0x3;
	s0 =	sadd.s32 s8, s0  }
0xc: {  	s18 =	simm.s32 $0x4800;
	s8 =	simm.s32 $0x680;
	s9 =	simm.s32 $0x780  }
0xd: {  	s5 =	sshrl.u32 s4, $0x3;
	s20 =	sadd.s32 $0x10000, s25;
	[dreg:$0x3] =	wrdreg s25  }
0xe: {  	s4 =	sadd.s32 $0x20600, s1;
	s22 =	smax.u32 s10, $0x1;
	[dreg:$0x4] =	wrdreg s20  }
0xf: {  	s23 =	sadd.s32 $0x4000, s25;
	s24 =	sadd.s32 $0x8000, s25;
	[dreg:$0x7] =	wrdreg s22  }
0x10: {  	s26 =	sadd.s32 $0xC000, s25;
	s10 =	simm.s32 $0x0;
	[dreg:$0x8] =	wrdreg s23  }
0x11: {  	s7 =	sadd.s32 s5, s1;
	s1 =	sadd.s32 $0x47800, s1;
	[dreg:$0x9] =	wrdreg s24  }
0x12: {  	[dreg:$0xa] =	wrdreg s26;
	s20 =	simm.s32 $0x3;
	s22 =	simm.s32 $0x2  }
0x13: {  	s23 =	simm.s32 $0x180;
	s24 =	simm.s32 $0x4;
	s26 =	simm.s32 $0x300  }
0x14: {  	s6 =	sadd.s32 s1, s19;
	s0 =	sadd.s32 s1, s0;
	s13 =	sadd.s32 $0xC600, s7  }
0x15: {  	s19 =	simm.s32 $0x1;
	s1 =	simm.s32 $0x480;
	s7 =	simm.s32 $0x700  }
0x16: {  	[dreg:$0x5] =	wrdreg s0;
	s0 =	sadd.s32 $0x128400, s2;
	s21 =	sadd.s32 $0x25080, s6  }
0x17: {  	s6 =	simm.s32 $0x580;
	[dreg:$0x6] =	wrdreg s21;
	s0 =	sshrl.u32 @p0 s0, $0x3  }
0x18: {  	v0 =	vimm.f32 $0.0e+00;
	s21 =	simm.s32 $0x200;
	[dreg:$0xb] =	wrdreg s0;
	s0 =	simm.s32 $0x600  }
.LBB2_1:
0x19: {  	s11 =	simm.s32 $0x0;
	s12 =	simm.s32 $0x200  }
.LBB2_2:
0x1a: {  	p1 =	sne.s32 s12, $0xFE00;
	[tilespmem:s11+$0x870] =	vst v0  }
0x1b: {  	[tilespmem:s11+$0x800] =	vst v0  }
0x1c: {  	[tilespmem:s11+$0x810] =	vst v0  }
.Ltmp0:
0x1d: {  	[tilespmem:s11+$0x820] =	vst v0;
	(pc) =	sbr.rel @p1 .LBB2_2-.Ltmp0, $4  }
0x1e: {  	[tilespmem:s11+$0x830] =	vst v0  }
0x1f: {  	[tilespmem:s11+$0x840] =	vst v0  }
0x20: {  	[tilespmem:s11+$0x850] =	vst v0  }
0x21: {  	[tilespmem:s11+$0x860] =	vst v0;
	s11 =	sshra.s32 s12, $0x2;
	s12 =	sadd.s32 $0x200, s12  }
0x22: {  	[tilespmem:s11+$0x870] =	vst v0  }
0x23: {  	[tilespmem:s11+$0x800] =	vst v0  }
0x24: {  	[tilespmem:s11+$0x810] =	vst v0  }
0x25: {  	[tilespmem:s11+$0x820] =	vst v0  }
0x26: {  	[tilespmem:s11+$0x830] =	vst v0  }
0x27: {  	[tilespmem:s11+$0x840] =	vst v0  }
0x28: {  	[tilespmem:s11+$0x850] =	vst v0  }
0x29: {  	[tilespmem:s11+$0x860] =	vst v0  }
0x2a: {  	[spmem:s25] =	stream.linear.scatter [tilespmem:s14], [sflag:$0x5], $0x4000, $0x38;
	[tilespmem:$0x1C400] =	vst v63  }
0x2b: {  	_ =	swait.ge [sflag:s15], $0x4000  }
0x2c: {  	[sflag:s15] =	ssyncset.done $0x0  }
0x2d: {  	s5 =	rddreg [dreg:$0x8];
	[sflag:s15] =	ssyncadd.s32 $0xFFFFC000  }
0x2e: {  	[spmem:s5] =	stream.linear.scatter [tilespmem:s14], [sflag:$0x5], $0x4000, $0x38;
	[tilespmem:$0x1C400] =	vst v63  }
0x2f: {  	_ =	swait.ge [sflag:s15], $0x4000  }
0x30: {  	[sflag:s15] =	ssyncset.done $0x0  }
0x31: {  	s25 =	rddreg [dreg:$0x9];
	[sflag:s15] =	ssyncadd.s32 $0xFFFFC000  }
0x32: {  	[spmem:s25] =	stream.linear.scatter [tilespmem:s14], [sflag:$0x5], $0x4000, $0x38;
	[tilespmem:$0x1C400] =	vst v63  }
0x33: {  	_ =	swait.ge [sflag:s15], $0x4000  }
0x34: {  	[sflag:s15] =	ssyncset.done $0x0  }
0x35: {  	s11 =	rddreg [dreg:$0xa];
	[sflag:s15] =	ssyncadd.s32 $0xFFFFC000  }
0x36: {  	[spmem:s11] =	stream.linear.scatter [tilespmem:s14], [sflag:$0x5], $0x4000, $0x38;
	[tilespmem:$0x1C400] =	vst v63  }
0x37: {  	_ =	swait.ge [sflag:s15], $0x4000  }
0x38: {  	[sflag:s15] =	ssyncset.done $0x0  }
0x39: {  	s12 =	rddreg [dreg:$0x4];
	[sflag:s15] =	ssyncadd.s32 $0xFFFFC000  }
0x3a: {  	[spmem:s12] =	stream.linear.scatter [tilespmem:s14], [sflag:$0x5], $0x3C00, $0x38;
	[tilespmem:$0x1C400] =	vst v63  }
0x3b: {  	_ =	swait.ge [sflag:s15], $0x3C00  }
0x3c: {  	[sflag:s15] =	ssyncset.done $0x0  }
0x3d: {  	[sflag:s15] =	ssyncadd.s32 $0xFFFFC400  }
0x3e: {  	s25 =	sadd.s32 $0x0, s13;
	[bflag:$0x0] =	sbarrier.arrive $0xFFFF  }
0x3f: {  	[tilespmem:s3], [sflag:$0x5] =	stream.linear.gather [hbm4b:s25+s3], $0x800, $0x38;
	[tilespmem:$0x1C400] =	vst v63  }
0x40: {  	_ =	swait.ge [sflag:s15], $0x800  }
0x41: {  	[sflag:s15] =	ssyncset.done $0x0  }
0x42: {  	[sflag:s15] =	ssyncadd.s32 $0xFFFFF800  }
0x43: {  	[tilespmem:s14], [sflag:$0x1] =	stream.indirect.gather [hbm4b:s4+s16], $0x80, s3, s16, $0xb8;
	[tilespmem:$0x1C400] =	vst v63  }
0x44: {  	_ = 	snop  }
0x45: {  	[tilespmem:s18], [sflag:$0x2] =	stream.indirect.gather [hbm4b:s4+s16], $0x80, s17, s16, $0xb8;
	[tilespmem:$0x1C400] =	vst v63  }
0x46: {  	_ =	swait.ge [sflag:s19], $0x4000  }
0x47: {  	[sflag:s19] =	ssyncset.done $0x0  }
0x48: {  	[sflag:s19] =	ssyncadd.s32 $0xFFFFC000  }
0x49: {  	[spmem:s2] =	stream.indirect.scatter.add.f32 [tilespmem:s14], [sflag:$0x3], $0x80, s16, s16, $0xb8;
	[tilespmem:$0x1C400] =	vst v63  }
0x4a: {  	_ =	swait.ge [sflag:s20], $0x4000  }
0x4b: {  	[sflag:s20] =	ssyncset.done $0x0  }
0x4c: {  	[sflag:s20] =	ssyncadd.s32 $0xFFFFC000  }
0x4d: {  	[tilespmem:s14], [sflag:$0x1] =	stream.indirect.gather [hbm4b:s4+s16], $0x80, s21, s16, $0xb8;
	[tilespmem:$0x1C400] =	vst v63  }
0x4e: {  	_ =	swait.ge [sflag:s22], $0x4000  }
0x4f: {  	[sflag:s22] =	ssyncset.done $0x0  }
0x50: {  	[sflag:s22] =	ssyncadd.s32 $0xFFFFC000  }
0x51: {  	[spmem:s2] =	stream.indirect.scatter.add.f32 [tilespmem:s18], [sflag:$0x4], $0x80, s23, s16, $0xb8;
	[tilespmem:$0x1C400] =	vst v63  }
0x52: {  	_ =	swait.ge [sflag:s24], $0x4000  }
0x53: {  	[sflag:s24] =	ssyncset.done $0x0  }
0x54: {  	[sflag:s24] =	ssyncadd.s32 $0xFFFFC000  }
0x55: {  	[tilespmem:s18], [sflag:$0x2] =	stream.indirect.gather [hbm4b:s4+s16], $0x80, s26, s16, $0xb8;
	[tilespmem:$0x1C400] =	vst v63  }
0x56: {  	_ =	swait.ge [sflag:s19], $0x4000  }
0x57: {  	[sflag:s19] =	ssyncset.done $0x0  }
0x58: {  	[sflag:s19] =	ssyncadd.s32 $0xFFFFC000  }
0x59: {  	[spmem:s2] =	stream.indirect.scatter.add.f32 [tilespmem:s14], [sflag:$0x3], $0x80, s28, s16, $0xb8;
	[tilespmem:$0x1C400] =	vst v63  }
0x5a: {  	_ =	swait.ge [sflag:s20], $0x4000  }
0x5b: {  	[sflag:s20] =	ssyncset.done $0x0  }
0x5c: {  	[sflag:s20] =	ssyncadd.s32 $0xFFFFC000  }
0x5d: {  	[tilespmem:s14], [sflag:$0x1] =	stream.indirect.gather [hbm4b:s4+s16], $0x80, s29, s16, $0xb8;
	[tilespmem:$0x1C400] =	vst v63  }
0x5e: {  	_ =	swait.ge [sflag:s22], $0x4000  }
0x5f: {  	[sflag:s22] =	ssyncset.done $0x0  }
0x60: {  	[sflag:s22] =	ssyncadd.s32 $0xFFFFC000  }
0x61: {  	[spmem:s2] =	stream.indirect.scatter.add.f32 [tilespmem:s18], [sflag:$0x4], $0x80, s30, s16, $0xb8;
	[tilespmem:$0x1C400] =	vst v63  }
0x62: {  	_ =	swait.ge [sflag:s24], $0x4000  }
0x63: {  	[sflag:s24] =	ssyncset.done $0x0  }
0x64: {  	[sflag:s24] =	ssyncadd.s32 $0xFFFFC000  }
0x65: {  	[tilespmem:s18], [sflag:$0x2] =	stream.indirect.gather [hbm4b:s4+s16], $0x80, s31, s16, $0xb8;
	[tilespmem:$0x1C400] =	vst v63  }
0x66: {  	_ =	swait.ge [sflag:s19], $0x4000  }
0x67: {  	[sflag:s19] =	ssyncset.done $0x0  }
0x68: {  	[sflag:s19] =	ssyncadd.s32 $0xFFFFC000  }
0x69: {  	[spmem:s2] =	stream.indirect.scatter.add.f32 [tilespmem:s14], [sflag:$0x3], $0x80, s1, s16, $0xb8;
	[tilespmem:$0x1C400] =	vst v63  }
0x6a: {  	_ =	swait.ge [sflag:s20], $0x4000  }
0x6b: {  	[sflag:s20] =	ssyncset.done $0x0  }
0x6c: {  	[sflag:s20] =	ssyncadd.s32 $0xFFFFC000  }
0x6d: {  	[tilespmem:s14], [sflag:$0x1] =	stream.indirect.gather [hbm4b:s4+s16], $0x80, s0, s16, $0xb8;
	[tilespmem:$0x1C400] =	vst v63  }
0x6e: {  	_ =	swait.ge [sflag:s22], $0x4000  }
0x6f: {  	[sflag:s22] =	ssyncset.done $0x0  }
0x70: {  	[sflag:s22] =	ssyncadd.s32 $0xFFFFC000  }
0x71: {  	[spmem:s2] =	stream.indirect.scatter.add.f32 [tilespmem:s18], [sflag:$0x4], $0x80, s6, s16, $0xb8;
	[tilespmem:$0x1C400] =	vst v63  }
0x72: {  	_ =	swait.ge [sflag:s24], $0x4000  }
0x73: {  	[sflag:s24] =	ssyncset.done $0x0  }
0x74: {  	[sflag:s24] =	ssyncadd.s32 $0xFFFFC000  }
0x75: {  	[tilespmem:s18], [sflag:$0x2] =	stream.indirect.gather [hbm4b:s4+s16], $0x80, s7, s16, $0xb8;
	[tilespmem:$0x1C400] =	vst v63  }
0x76: {  	_ =	swait.ge [sflag:s19], $0x4000  }
0x77: {  	[sflag:s19] =	ssyncset.done $0x0  }
0x78: {  	[sflag:s19] =	ssyncadd.s32 $0xFFFFC000  }
0x79: {  	[spmem:s2] =	stream.indirect.scatter.add.f32 [tilespmem:s14], [sflag:$0x3], $0x80, s8, s16, $0xb8;
	[tilespmem:$0x1C400] =	vst v63  }
0x7a: {  	_ =	swait.ge [sflag:s22], $0x4000  }
0x7b: {  	[sflag:s22] =	ssyncset.done $0x0  }
0x7c: {  	[sflag:s22] =	ssyncadd.s32 $0xFFFFC000  }
0x7d: {  	[spmem:s2] =	stream.indirect.scatter.add.f32 [tilespmem:s18], [sflag:$0x4], $0x80, s9, s16, $0xb8;
	[tilespmem:$0x1C400] =	vst v63  }
0x7e: {  	_ =	swait.ge [sflag:s20], $0x4000  }
0x7f: {  	[sflag:s20] =	ssyncset.done $0x0  }
0x80: {  	[sflag:s20] =	ssyncadd.s32 $0xFFFFC000  }
0x81: {  	_ =	swait.ge [sflag:s24], $0x4000  }
0x82: {  	s11 =	simm.s32 $0x100;
	s12 =	simm.s32 $0x200;
	[sflag:s24] =	ssyncset.done $0x0  }
.LBB2_4:
0x83: {  	s5 =	sadd.s32 s11, s13  }
0x84: {  	[sflag:s24] =	ssyncadd.s32 $0xFFFFC000;
	s11 =	smov.u32 s12;
	s25 =	sadd.s32 $0x100, s12  }
0x85: {  	[tilespmem:s3], [sflag:$0x5] =	stream.linear.gather [hbm4b:s5+s3], $0x800, $0x38;
	[tilespmem:$0x1C400] =	vst v63  }
0x86: {  	p1 =	sne.s32 s12, $0x900;
	_ =	swait.ge [sflag:s15], $0x800  }
0x87: {  	[sflag:s15] =	ssyncset.done $0x0  }
0x88: {  	[sflag:s15] =	ssyncadd.s32 $0xFFFFF800  }
0x89: {  	[tilespmem:s14], [sflag:$0x1] =	stream.indirect.gather [hbm4b:s4+s16], $0x80, s3, s16, $0xb8;
	[tilespmem:$0x1C400] =	vst v63  }
0x8a: {  	_ = 	snop  }
0x8b: {  	[tilespmem:s18], [sflag:$0x2] =	stream.indirect.gather [hbm4b:s4+s16], $0x80, s17, s16, $0xb8;
	[tilespmem:$0x1C400] =	vst v63  }
0x8c: {  	_ =	swait.ge [sflag:s19], $0x4000  }
0x8d: {  	[sflag:s19] =	ssyncset.done $0x0  }
0x8e: {  	[sflag:s19] =	ssyncadd.s32 $0xFFFFC000  }
0x8f: {  	[spmem:s2] =	stream.indirect.scatter.add.f32 [tilespmem:s14], [sflag:$0x3], $0x80, s16, s16, $0xb8;
	[tilespmem:$0x1C400] =	vst v63  }
0x90: {  	_ =	swait.ge [sflag:s20], $0x4000  }
0x91: {  	[sflag:s20] =	ssyncset.done $0x0  }
0x92: {  	[sflag:s20] =	ssyncadd.s32 $0xFFFFC000  }
0x93: {  	[tilespmem:s14], [sflag:$0x1] =	stream.indirect.gather [hbm4b:s4+s16], $0x80, s21, s16, $0xb8;
	[tilespmem:$0x1C400] =	vst v63  }
0x94: {  	_ =	swait.ge [sflag:s22], $0x4000  }
0x95: {  	[sflag:s22] =	ssyncset.done $0x0  }
0x96: {  	[sflag:s22] =	ssyncadd.s32 $0xFFFFC000  }
0x97: {  	[spmem:s2] =	stream.indirect.scatter.add.f32 [tilespmem:s18], [sflag:$0x4], $0x80, s23, s16, $0xb8;
	[tilespmem:$0x1C400] =	vst v63  }
0x98: {  	_ =	swait.ge [sflag:s24], $0x4000  }
0x99: {  	[sflag:s24] =	ssyncset.done $0x0  }
0x9a: {  	[sflag:s24] =	ssyncadd.s32 $0xFFFFC000  }
0x9b: {  	[tilespmem:s18], [sflag:$0x2] =	stream.indirect.gather [hbm4b:s4+s16], $0x80, s26, s16, $0xb8;
	[tilespmem:$0x1C400] =	vst v63  }
0x9c: {  	_ =	swait.ge [sflag:s19], $0x4000  }
0x9d: {  	[sflag:s19] =	ssyncset.done $0x0  }
0x9e: {  	[sflag:s19] =	ssyncadd.s32 $0xFFFFC000  }
0x9f: {  	[spmem:s2] =	stream.indirect.scatter.add.f32 [tilespmem:s14], [sflag:$0x3], $0x80, s28, s16, $0xb8;
	[tilespmem:$0x1C400] =	vst v63  }
0xa0: {  	_ =	swait.ge [sflag:s20], $0x4000  }
0xa1: {  	[sflag:s20] =	ssyncset.done $0x0  }
0xa2: {  	[sflag:s20] =	ssyncadd.s32 $0xFFFFC000  }
0xa3: {  	[tilespmem:s14], [sflag:$0x1] =	stream.indirect.gather [hbm4b:s4+s16], $0x80, s29, s16, $0xb8;
	[tilespmem:$0x1C400] =	vst v63  }
0xa4: {  	_ =	swait.ge [sflag:s22], $0x4000  }
0xa5: {  	[sflag:s22] =	ssyncset.done $0x0  }
0xa6: {  	[sflag:s22] =	ssyncadd.s32 $0xFFFFC000  }
0xa7: {  	[spmem:s2] =	stream.indirect.scatter.add.f32 [tilespmem:s18], [sflag:$0x4], $0x80, s30, s16, $0xb8;
	[tilespmem:$0x1C400] =	vst v63  }
0xa8: {  	_ =	swait.ge [sflag:s24], $0x4000  }
0xa9: {  	[sflag:s24] =	ssyncset.done $0x0  }
0xaa: {  	[sflag:s24] =	ssyncadd.s32 $0xFFFFC000  }
0xab: {  	[tilespmem:s18], [sflag:$0x2] =	stream.indirect.gather [hbm4b:s4+s16], $0x80, s31, s16, $0xb8;
	[tilespmem:$0x1C400] =	vst v63  }
0xac: {  	_ =	swait.ge [sflag:s19], $0x4000  }
0xad: {  	[sflag:s19] =	ssyncset.done $0x0  }
0xae: {  	[sflag:s19] =	ssyncadd.s32 $0xFFFFC000  }
0xaf: {  	[spmem:s2] =	stream.indirect.scatter.add.f32 [tilespmem:s14], [sflag:$0x3], $0x80, s1, s16, $0xb8;
	[tilespmem:$0x1C400] =	vst v63  }
0xb0: {  	_ =	swait.ge [sflag:s20], $0x4000  }
0xb1: {  	[sflag:s20] =	ssyncset.done $0x0  }
0xb2: {  	[sflag:s20] =	ssyncadd.s32 $0xFFFFC000  }
0xb3: {  	[tilespmem:s14], [sflag:$0x1] =	stream.indirect.gather [hbm4b:s4+s16], $0x80, s0, s16, $0xb8;
	[tilespmem:$0x1C400] =	vst v63  }
0xb4: {  	_ =	swait.ge [sflag:s22], $0x4000  }
0xb5: {  	[sflag:s22] =	ssyncset.done $0x0  }
0xb6: {  	[sflag:s22] =	ssyncadd.s32 $0xFFFFC000  }
0xb7: {  	[spmem:s2] =	stream.indirect.scatter.add.f32 [tilespmem:s18], [sflag:$0x4], $0x80, s6, s16, $0xb8;
	[tilespmem:$0x1C400] =	vst v63  }
0xb8: {  	_ =	swait.ge [sflag:s24], $0x4000  }
0xb9: {  	[sflag:s24] =	ssyncset.done $0x0  }
0xba: {  	[sflag:s24] =	ssyncadd.s32 $0xFFFFC000  }
0xbb: {  	[tilespmem:s18], [sflag:$0x2] =	stream.indirect.gather [hbm4b:s4+s16], $0x80, s7, s16, $0xb8;
	[tilespmem:$0x1C400] =	vst v63  }
0xbc: {  	_ =	swait.ge [sflag:s19], $0x4000  }
0xbd: {  	[sflag:s19] =	ssyncset.done $0x0  }
0xbe: {  	[sflag:s19] =	ssyncadd.s32 $0xFFFFC000  }
0xbf: {  	[spmem:s2] =	stream.indirect.scatter.add.f32 [tilespmem:s14], [sflag:$0x3], $0x80, s8, s16, $0xb8;
	[tilespmem:$0x1C400] =	vst v63  }
0xc0: {  	_ =	swait.ge [sflag:s22], $0x4000  }
0xc1: {  	[sflag:s22] =	ssyncset.done $0x0  }
0xc2: {  	[sflag:s22] =	ssyncadd.s32 $0xFFFFC000  }
0xc3: {  	[spmem:s2] =	stream.indirect.scatter.add.f32 [tilespmem:s18], [sflag:$0x4], $0x80, s9, s16, $0xb8;
	[tilespmem:$0x1C400] =	vst v63  }
.Ltmp1:
0xc4: {  	_ =	swait.ge [sflag:s20], $0x4000;
	(pc) =	sbr.rel @p1 .LBB2_4-.Ltmp1, $4  }
0xc5: {  	[sflag:s20] =	ssyncset.done $0x0  }
0xc6: {  	[sflag:s20] =	ssyncadd.s32 $0xFFFFC000  }
0xc7: {  	_ =	swait.ge [sflag:s24], $0x4000  }
0xc8: {  	s12 =	smov.u32 s25;
	[sflag:s24] =	ssyncset.done $0x0  }
0xc9: {  	s5 =	sadd.s32 s11, s13;
	[sflag:s24] =	ssyncadd.s32 $0xFFFFC000  }
0xca: {  	[tilespmem:s3], [sflag:$0x5] =	stream.linear.gather [hbm4b:s5+s3], $0x800, $0x38;
	[tilespmem:$0x1C400] =	vst v63  }
0xcb: {  	_ =	swait.ge [sflag:s15], $0x800  }
0xcc: {  	[sflag:s15] =	ssyncset.done $0x0  }
0xcd: {  	[sflag:s15] =	ssyncadd.s32 $0xFFFFF800  }
0xce: {  	[tilespmem:s14], [sflag:$0x1] =	stream.indirect.gather [hbm4b:s4+s16], $0x80, s3, s16, $0xb8;
	[tilespmem:$0x1C400] =	vst v63  }
0xcf: {  	_ = 	snop  }
0xd0: {  	[tilespmem:s18], [sflag:$0x2] =	stream.indirect.gather [hbm4b:s4+s16], $0x80, s17, s16, $0xb8;
	[tilespmem:$0x1C400] =	vst v63  }
0xd1: {  	_ =	swait.ge [sflag:s19], $0x4000  }
0xd2: {  	[sflag:s19] =	ssyncset.done $0x0  }
0xd3: {  	[sflag:s19] =	ssyncadd.s32 $0xFFFFC000  }
0xd4: {  	[spmem:s2] =	stream.indirect.scatter.add.f32 [tilespmem:s14], [sflag:$0x3], $0x80, s16, s16, $0xb8;
	[tilespmem:$0x1C400] =	vst v63  }
0xd5: {  	_ =	swait.ge [sflag:s20], $0x4000  }
0xd6: {  	[sflag:s20] =	ssyncset.done $0x0  }
0xd7: {  	[sflag:s20] =	ssyncadd.s32 $0xFFFFC000  }
0xd8: {  	[tilespmem:s14], [sflag:$0x1] =	stream.indirect.gather [hbm4b:s4+s16], $0x80, s21, s16, $0xb8;
	[tilespmem:$0x1C400] =	vst v63  }
0xd9: {  	_ =	swait.ge [sflag:s22], $0x4000  }
0xda: {  	[sflag:s22] =	ssyncset.done $0x0  }
0xdb: {  	[sflag:s22] =	ssyncadd.s32 $0xFFFFC000  }
0xdc: {  	[spmem:s2] =	stream.indirect.scatter.add.f32 [tilespmem:s18], [sflag:$0x4], $0x80, s23, s16, $0xb8;
	[tilespmem:$0x1C400] =	vst v63  }
0xdd: {  	_ =	swait.ge [sflag:s24], $0x4000  }
0xde: {  	[sflag:s24] =	ssyncset.done $0x0  }
0xdf: {  	[sflag:s24] =	ssyncadd.s32 $0xFFFFC000  }
0xe0: {  	[tilespmem:s18], [sflag:$0x2] =	stream.indirect.gather [hbm4b:s4+s16], $0x80, s26, s16, $0xb8;
	[tilespmem:$0x1C400] =	vst v63  }
0xe1: {  	_ =	swait.ge [sflag:s19], $0x4000  }
0xe2: {  	[sflag:s19] =	ssyncset.done $0x0  }
0xe3: {  	[sflag:s19] =	ssyncadd.s32 $0xFFFFC000  }
0xe4: {  	[spmem:s2] =	stream.indirect.scatter.add.f32 [tilespmem:s14], [sflag:$0x3], $0x80, s28, s16, $0xb8;
	[tilespmem:$0x1C400] =	vst v63  }
0xe5: {  	_ =	swait.ge [sflag:s20], $0x4000  }
0xe6: {  	[sflag:s20] =	ssyncset.done $0x0  }
0xe7: {  	[sflag:s20] =	ssyncadd.s32 $0xFFFFC000  }
0xe8: {  	[tilespmem:s14], [sflag:$0x1] =	stream.indirect.gather [hbm4b:s4+s16], $0x80, s29, s16, $0xb8;
	[tilespmem:$0x1C400] =	vst v63  }
0xe9: {  	_ =	swait.ge [sflag:s22], $0x4000  }
0xea: {  	[sflag:s22] =	ssyncset.done $0x0  }
0xeb: {  	[sflag:s22] =	ssyncadd.s32 $0xFFFFC000  }
0xec: {  	[spmem:s2] =	stream.indirect.scatter.add.f32 [tilespmem:s18], [sflag:$0x4], $0x80, s30, s16, $0xb8;
	[tilespmem:$0x1C400] =	vst v63  }
0xed: {  	_ =	swait.ge [sflag:s24], $0x4000  }
0xee: {  	[sflag:s24] =	ssyncset.done $0x0  }
0xef: {  	[sflag:s24] =	ssyncadd.s32 $0xFFFFC000  }
0xf0: {  	[tilespmem:s18], [sflag:$0x2] =	stream.indirect.gather [hbm4b:s4+s16], $0x80, s31, s16, $0xb8;
	[tilespmem:$0x1C400] =	vst v63  }
0xf1: {  	_ =	swait.ge [sflag:s19], $0x4000  }
0xf2: {  	[sflag:s19] =	ssyncset.done $0x0  }
0xf3: {  	[sflag:s19] =	ssyncadd.s32 $0xFFFFC000  }
0xf4: {  	[spmem:s2] =	stream.indirect.scatter.add.f32 [tilespmem:s14], [sflag:$0x3], $0x80, s1, s16, $0xb8;
	[tilespmem:$0x1C400] =	vst v63  }
0xf5: {  	_ =	swait.ge [sflag:s20], $0x4000  }
0xf6: {  	[sflag:s20] =	ssyncset.done $0x0  }
0xf7: {  	[sflag:s20] =	ssyncadd.s32 $0xFFFFC000  }
0xf8: {  	[tilespmem:s14], [sflag:$0x1] =	stream.indirect.gather [hbm4b:s4+s16], $0x80, s0, s16, $0xb8;
	[tilespmem:$0x1C400] =	vst v63  }
0xf9: {  	_ =	swait.ge [sflag:s22], $0x4000  }
0xfa: {  	[sflag:s22] =	ssyncset.done $0x0  }
0xfb: {  	[sflag:s22] =	ssyncadd.s32 $0xFFFFC000  }
0xfc: {  	[spmem:s2] =	stream.indirect.scatter.add.f32 [tilespmem:s18], [sflag:$0x4], $0x80, s6, s16, $0xb8;
	[tilespmem:$0x1C400] =	vst v63  }
0xfd: {  	_ =	swait.ge [sflag:s24], $0x4000  }
0xfe: {  	[sflag:s24] =	ssyncset.done $0x0  }
0xff: {  	[sflag:s24] =	ssyncadd.s32 $0xFFFFC000  }
0x100: {  	[tilespmem:s18], [sflag:$0x2] =	stream.indirect.gather [hbm4b:s4+s16], $0x80, s7, s16, $0xb8;
	[tilespmem:$0x1C400] =	vst v63  }
0x101: {  	_ =	swait.ge [sflag:s19], $0x4000  }
0x102: {  	[sflag:s19] =	ssyncset.done $0x0  }
0x103: {  	[sflag:s19] =	ssyncadd.s32 $0xFFFFC000  }
0x104: {  	[spmem:s2] =	stream.indirect.scatter.add.f32 [tilespmem:s14], [sflag:$0x3], $0x80, s8, s16, $0xb8;
	[tilespmem:$0x1C400] =	vst v63  }
0x105: {  	_ =	swait.ge [sflag:s22], $0x4000  }
0x106: {  	[sflag:s22] =	ssyncset.done $0x0  }
0x107: {  	[sflag:s22] =	ssyncadd.s32 $0xFFFFC000  }
0x108: {  	[spmem:s2] =	stream.indirect.scatter.add.f32 [tilespmem:s18], [sflag:$0x4], $0x80, s9, s16, $0xb8;
	[tilespmem:$0x1C400] =	vst v63  }
0x109: {  	_ =	swait.ge [sflag:s20], $0x4000  }
0x10a: {  	[sflag:s20] =	ssyncset.done $0x0  }
0x10b: {  	[sflag:s20] =	ssyncadd.s32 $0xFFFFC000  }
0x10c: {  	_ =	swait.ge [sflag:s24], $0x4000  }
0x10d: {  	[sflag:s24] =	ssyncset.done $0x0  }
0x10e: {  	[sflag:s24] =	ssyncadd.s32 $0xFFFFC000  }
0x10f: {  	[bflag:$0x0] =	sbarrier.arrive $0xFFFF  }
0x110: {  	s11 =	rddreg [dreg:$0x6]  }
0x111: {  	s5 =	simm.s32 @p0 $0x1FC5;
	s12 =	rddreg [dreg:$0xb]  }
0x112: {  	[hbm:s11], [sflag:s5] =	dma.local @p0 [spmem:s12], $0x2080  }
0x113: {  	s5 =	simm.s32 @p0 $0x5  }
0x114: {  	_ =	swait.ge @p0 [sflag:s5], $0x2080  }
0x115: {  	s11 =	stileid.u32;
	s25 =	rddreg [dreg:$0x3]  }
0x116: {  	s11 =	sshll.u32 @!p0 s11, $0x6;
	[sflag:s5] =	ssyncset.done @p0 $0x0;
	s12 =	rddreg [dreg:$0x5]  }
0x117: {  	[sflag:s5] =	ssyncadd.s32 @p0 $0xFFFFDF80;
	s5 =	sor.u32 @!p0 $0x1C05, s11;
	s11 =	sshrl.u32 @!p0 s25, $0x3  }
0x118: {  	[hbm:s12], [sflag:s5] =	dma.local @!p0 [spmem:s11], $0x2780  }
0x119: {  	s5 =	simm.s32 @!p0 $0x5  }
0x11a: {  	_ =	swait.ge @!p0 [sflag:s5], $0x2780  }
0x11b: {  	s10 =	sadd.s32 $0x1, s10;
	s12 =	rddreg [dreg:$0x7]  }
0x11c: {  	p1 =	sne.s32 s10, s12  }
.Ltmp2:
0x11d: {  	_ = 	snop;
	(pc) =	sbr.rel @p1 .LBB2_1-.Ltmp2, $3  }
0x11e: {  	_ =	sdelay $0x1  }
0x11f: {  	[sflag:s5] =	ssyncset.done @!p0 $0x0  }
0x120: {  	[sflag:s5] =	ssyncadd.s32 @!p0 $0xFFFFD880  }
0x121: {  	_ =	sfence.sel $0x180000  }
0x122: {  	[bflag:$0x0] =	sbarrier.arrive $0xFFFF  }
0x123: {  	_ =	strace $0x9000004D  }
0x124: {  	s0 =	stileid.u32;
	[bflag:$0x2] =	sbarrier.arrive $0xFFFF  }
0x125: {  	p0 =	sne.s32 s0, $0x0;
	s0 =	rddreg [dreg:$0x2]  }
0x126: {  	s0 =	sadd.s32 @!p0 $0x100000, s0  }
0x127: {  	[sflag:s0] =	ssyncadd.tile.s32 @!p0 $0x1;
	_ =	shalt  }
.Lfunc_end2:
_tile_overlayer_lowered:
.L_overlay_start_2:
0x128: {  	(tag) =	ssettag $0x2  }
0x129: {  	s0 =	rddreg [dreg:$0x0];
	s2 =	stileid.u32  }
0x12a: {  	s1 =	rddreg [dreg:$0x1];
	p0 =	sne.s32 s2, $0x0  }
0x12b: {  	s3 =	rddreg [dreg:$0x2];
	[bflag:$0x3] =	sbarrier.arrive $0xFFFF;
	s2 =	simm.s32 @!p0 $0x1C05  }
0x12c: {  	[timem:s3], [sflag:s2] =	dma.local @!p0 [hbm:s0], s1  }
0x12d: {  	s0 =	simm.s32 @!p0 $0x5  }
0x12e: {  	_ =	swait.ge @!p0 [sflag:s0], s1  }
0x12f: {  	s1 =	ssub.s32 @!p0 $0x0, s1;
	[sflag:s0] =	ssyncset.done @!p0 $0x0  }
0x130: {  	[sflag:s0] =	ssyncadd.s32 @!p0 s1  }
0x131: {  	[bflag:$0x3] =	sbarrier.arrive $0xFFFF  }
0x132: {  	_ =	shalt  }

// kernel: kernel.9.cloned.1.call-start
scs
__scs_entry_jumppad:
0x0: {  	(pc) =	sbr.rel $0x88, $3  }
0x1: {  	(tag) =	ssettag $0x0;
	lr =	simm.s32 $0x1  }
0x2: {  	[smem:$0x3F96] =	sst lr;
	_ =	strace $0xD0000000  }
0x3: {  	_ = 	snop  }
0x4: {  	_ = 	snop  }
0x5: {  	_ = 	snop  }
0x6: {  	_ = 	snop  }
0x7: {  	_ = 	snop  }
__scs_overlays_trampoline_lowered:
0x8: {  	[smem:$0x3FA5] =	sst s0  }
0x9: {  	[smem:$0x3FA6] =	sst s1  }
0xa: {  	[smem:$0x3FA7] =	sst s2  }
0xb: {  	[smem:$0x3FA8] =	sst s3  }
0xc: {  	[smem:$0x3FA9] =	sst s4  }
0xd: {  	[smem:$0x3FAA] =	sst s5  }
0xe: {  	[smem:$0x3FAB] =	sst s6  }
0xf: {  	[smem:$0x3FAC] =	sst s7  }
0x10: {  	[smem:$0x3FAD] =	sst s8  }
0x11: {  	[smem:$0x3FAE] =	sst s9;
	s0 =	simm.s32 @!p0 $0x0  }
0x12: {  	s1 =	sld [smem:$0x3F94];
	s0 =	simm.s32 @p0 $0x1  }
0x13: {  	[smem:$0x3FAF] =	sst s0;
	s0 =	simm.s32 @!p1 $0x0  }
0x14: {  	s2 =	sld [smem:$0x3F93];
	s0 =	simm.s32 @p1 $0x1  }
0x15: {  	[smem:$0x3FB0] =	sst s0;
	s0 =	simm.s32 @!p2 $0x0  }
0x16: {  	s3 =	sld [smem:$0x3FDB];
	s0 =	simm.s32 @p2 $0x1  }
0x17: {  	s4 =	simm.s32 $0x1BF5;
	[smem:$0x3FB2] =	sst s0  }
0x18: {  	s0 =	sld [smem:$0x3F95];
	_ =	swait.ge [sflag:s4], $0x0  }
0x19: {  	s7 =	sld [smem:$0x3F96]  }
0x1a: {  	s8 =	sadd.s32 $0xFFFFE003, lr  }
0x1b: {  	s9 =	sadd.s32 $0xFFFFFEF7, lr;
	s5 =	simm.s32 $0xFFFFFFFF;
	p2 =	slt.u32 s8, $0xFFFFF086  }
0x1c: {  	p1 =	slt.u32 s9, $0xF7A;
	s5 =	simm.s32 @!p2 $0x0  }
0x1d: {  	s5 =	simm.s32 @p1 $0x1;
	p0 =	seq.s32 s7, s2  }
0x1e: {  	s7 =	smul.u32 @!p0 $0xF7A, s2;
	p2 =	seq.s32 @!p0 s5, $0x0  }
0x1f: {  	s9 =	smul.u32 $0xF7A, s1;
	s8 =	simm.s32 @!p0 $0x1BF5;
	p2 =	por !p2, p0  }
0x20: {  	[sflag:s8] =	ssyncset.s32 @!p0 $0xFFFFF086;
	s6 =	sadd.s32 @!p0 s3, s7;
	s7 =	simm.s32 @!p0 $0x108  }
0x21: {  	s3 =	sadd.s32 s3, s9;
	s6 =	sadd.s32 @!p0 $0x88, s6;
	s7 =	simm.s32 @p2 $0x1082  }
0x22: {  	[simem:s7], [sflag:s8] =	dma.local @!p0 [hbm:s6], $0xF7A  }
0x23: {  	s9 =	sor.u32 $0xD0000000, s2;
	s6 =	simm.s32 $0x108;
	_ =	swait.ge @!p0 [sflag:s8], $0x0  }
0x24: {  	s3 =	sadd.s32 $0x88, s3;
	s6 =	simm.s32 @!p1 $0x1082;
	[sflag:s4] =	ssyncset.s32 $0xFFFFF086  }
0x25: {  	[simem:s6], [sflag:s4] =	dma.local [hbm:s3], $0xF7A  }
0x26: {  	[smem:$0x3F96] =	sst s1;
	(tag) =	ssettag s2;
	_ =	strace s9  }
0x27: {  	s1 =	sld [smem:$0x3FA6]  }
0x28: {  	s2 =	sld [smem:$0x3FA7]  }
0x29: {  	s4 =	sld [smem:$0x3FA9]  }
0x2a: {  	p0 =	seq.s32 s5, $0x0;
	s5 =	sld [smem:$0x3FAA]  }
0x2b: {  	s6 =	sld [smem:$0x3FAB]  }
0x2c: {  	s7 =	sld [smem:$0x3FAC]  }
0x2d: {  	s3 =	simm.s32 $0x108;
	s8 =	sld [smem:$0x3FAD]  }
0x2e: {  	s3 =	simm.s32 @!p0 $0x1082;
	s9 =	sld [smem:$0x3FAE]  }
0x2f: {  	lr =	sadd.s32 s0, s3;
	s0 =	sld [smem:$0x3FA5]  }
0x30: {  	s3 =	sld [smem:$0x3FA8]  }
0x31: {  	[smem:$0x3FB1] =	sst s10  }
0x32: {  	s10 =	sld [smem:$0x3FAF];
	_ =	sdelay $0x3  }
0x33: {  	p0 =	seq.s32 s10, $0x1;
	s10 =	sld [smem:$0x3FB1];
	_ =	sdelay $0x3  }
0x34: {  	[smem:$0x3FB1] =	sst s10  }
0x35: {  	s10 =	sld [smem:$0x3FB0];
	_ =	sdelay $0x3  }
0x36: {  	p1 =	seq.s32 s10, $0x1;
	s10 =	sld [smem:$0x3FB1];
	_ =	sdelay $0x3  }
0x37: {  	[smem:$0x3FB1] =	sst s10  }
0x38: {  	s10 =	sld [smem:$0x3FB2]  }
0x39: {  	_ = 	snop;
	(pc) =	sbr.ind lr, $3  }
0x3a: {  	_ = 	snop  }
0x3b: {  	_ = 	snop  }
0x3c: {  	p2 =	seq.s32 s10, $0x1;
	s10 =	sld [smem:$0x3FB1]  }
0x3d: {  	_ =	shalt  }
0x3e: {  	_ =	shalt  }
0x3f: {  	_ =	shalt  }
0x40: {  	_ =	shalt  }
0x41: {  	_ =	shalt  }
0x42: {  	_ =	shalt  }
0x43: {  	_ =	shalt  }
0x44: {  	_ =	shalt  }
0x45: {  	_ =	shalt  }
0x46: {  	_ =	shalt  }
0x47: {  	_ =	shalt  }
0x48: {  	_ =	shalt  }
0x49: {  	_ =	shalt  }
0x4a: {  	_ =	shalt  }
0x4b: {  	_ =	shalt  }
0x4c: {  	_ =	shalt  }
0x4d: {  	_ =	shalt  }
0x4e: {  	_ =	shalt  }
0x4f: {  	_ =	shalt  }
0x50: {  	_ =	shalt  }
0x51: {  	_ =	shalt  }
0x52: {  	_ =	shalt  }
0x53: {  	_ =	shalt  }
0x54: {  	_ =	shalt  }
0x55: {  	_ =	shalt  }
0x56: {  	_ =	shalt  }
0x57: {  	_ =	shalt  }
0x58: {  	_ =	shalt  }
0x59: {  	_ =	shalt  }
0x5a: {  	_ =	shalt  }
0x5b: {  	_ =	shalt  }
0x5c: {  	_ =	shalt  }
0x5d: {  	_ =	shalt  }
0x5e: {  	_ =	shalt  }
0x5f: {  	_ =	shalt  }
0x60: {  	_ =	shalt  }
0x61: {  	_ =	shalt  }
0x62: {  	_ =	shalt  }
0x63: {  	_ =	shalt  }
0x64: {  	_ =	shalt  }
0x65: {  	_ =	shalt  }
0x66: {  	_ =	shalt  }
0x67: {  	_ =	shalt  }
0x68: {  	_ =	shalt  }
0x69: {  	_ =	shalt  }
0x6a: {  	_ =	shalt  }
0x6b: {  	_ =	shalt  }
0x6c: {  	_ =	shalt  }
0x6d: {  	_ =	shalt  }
0x6e: {  	_ =	shalt  }
0x6f: {  	_ =	shalt  }
0x70: {  	_ =	shalt  }
0x71: {  	_ =	shalt  }
0x72: {  	_ =	shalt  }
0x73: {  	_ =	shalt  }
0x74: {  	_ =	shalt  }
0x75: {  	_ =	shalt  }
0x76: {  	_ =	shalt  }
0x77: {  	_ =	shalt  }
0x78: {  	_ =	shalt  }
0x79: {  	_ =	shalt  }
0x7a: {  	_ =	shalt  }
0x7b: {  	_ =	shalt  }
0x7c: {  	_ =	shalt  }
0x7d: {  	_ =	shalt  }
0x7e: {  	_ =	shalt  }
0x7f: {  	_ =	shalt  }
0x80: {  	_ =	shalt  }
0x81: {  	_ =	shalt  }
0x82: {  	_ =	shalt  }
0x83: {  	_ =	shalt  }
0x84: {  	_ =	shalt  }
0x85: {  	_ =	shalt  }
0x86: {  	_ =	shalt  }
0x87: {  	_ =	shalt  }
.Lfunc_end0:
.L_simem_size_0:
called_computation_lowered:
.L_overlay_start_0:
0x88: {  	s2 =	sld [smem:$0x3FD9]  }
0x89: {  	s3 =	sld [smem:$0x3FFE];
	_ =	sdelay $0x1  }
0x8a: {  	s1 =	srdreg.scid  }
0x8b: {  	s0 =	sand.u32 $0x1, s1  }
0x8c: {  	s17 =	sshll.u32 s0, $0xA;
	s2 =	sadd.s32 s3, s2  }
0x8d: {  	s2 =	sadd.s32 s2, s17  }
0x8e: {  	[smem:$0x3FBD] =	sst s2  }
0x8f: {  	_ = 	snop  }
0x90: {  	(tm) =	ssettm $0x1  }
0x91: {  	s18 =	sld [smem:$0x3FFB];
	_ =	sdelay $0x3  }
0x92: {  	_ =	strace s18  }
0x93: {  	s2 =	sld [smem:$0x3FFC];
	_ =	sdelay $0x3  }
0x94: {  	_ =	strace s2  }
0x95: {  	s2 =	sld [smem:$0x3FFD];
	_ =	sdelay $0x3  }
0x96: {  	_ =	strace s2  }
0x97: {  	_ =	strace $0x8FFFFFFF  }
0x98: {  	s19 =	sld [smem:$0x3FDB];
	_ =	sdelay $0x1  }
0x99: {  	s20 =	simm.s32 $_scs_section_size  }
0x9a: {  	s4 =	simm.s32 $_size__tile_overlayer_lowered;
	s5 =	simm.s32 $_tile_overlayer_lowered  }
0x9b: {  	s6 =	simm.s32 $0x1BFF;
	s21 =	sshll.u32 s5, $0x1;
	s3 =	sadd.s32 s20, s19  }
0x9c: {  	s22 =	simm.s32 $0x0;
	s4 =	sshll.u32 s4, $0x1;
	s5 =	sadd.s32 s21, s3  }
0x9d: {  	[timem:s22], [sflag:s6] =	dma.local [hbm:s5], s4  }
0x9e: {  	_ =	swait.ge [sflag:s6], s4  }
0x9f: {  	s4 =	ssub.s32 $0x0, s4;
	[sflag:s6] =	ssyncset.done $0x0  }
0xa0: {  	[sflag:s6] =	ssyncadd.s32 s4;
	_ =	sdelay $0x1  }
0xa1: {  	s23 =	simm.s32 $0x1B8B  }
0xa2: {  	_ =	swait.ge [sflag:s23], $0x1  }
0xa3: {  	[sflag:s23] =	ssyncset.done $0x0  }
0xa4: {  	[sflag:s23] =	ssyncadd.s32 $0xFFFFFFFF  }
0xa5: {  	s4 =	sld [smem:$0x0]  }
0xa6: {  	s5 =	sand.u32 $0xFFFFFFFE, s1  }
0xa7: {  	p0 =	sne.s32 s1, s5  }
0xa8: {  	s5 =	sshll.u32 @p0 s5, $0xE  }
0xa9: {  	s5 =	sadd.s32 @p0 $0x11B8D, s5;
	s6 =	sshll.u32 @p0 s4, $0x11  }
0xaa: {  	s5 =	sor.u32 @p0 s6, s5  }
0xab: {  	[sflag:s5] =	ssyncadd.remote.s32 @p0 $0x1;
	_ =	sdelay $0x1  }
0xac: {  	s5 =	simm.s32 @p0 $0x1B8D  }
0xad: {  	_ =	swait.eq @p0 [sflag:s5], $0x1  }
0xae: {  	[sflag:s5] =	ssyncadd.s32 @p0 $0xFFFFFFFF  }
0xaf: {  	s6 =	sshll.u32 @!p0 s1, $0xE  }
0xb0: {  	s6 =	sor.u32 @!p0 $0x4000, s6;
	s5 =	simm.s32 @!p0 $0x1B8D  }
0xb1: {  	s4 =	sshll.u32 @!p0 s4, $0x11;
	s6 =	sadd.s32 @!p0 $0x11B8D, s6;
	_ =	swait.eq @!p0 [sflag:s5], $0x1  }
0xb2: {  	s4 =	sor.u32 @!p0 s4, s6;
	[sflag:s5] =	ssyncadd.s32 @!p0 $0xFFFFFFFF  }
0xb3: {  	s25 =	simm.s32 $0x1B8E;
	s24 =	sld [smem:$0x3FFE];
	[sflag:s4] =	ssyncadd.remote.s32 @!p0 $0x1  }
0xb4: {  	s26 =	simm.s32 $execute0_lowered;
	[smem:$0x3FD2] =	sst s25  }
0xb5: {  	s5 =	sshll.u32 s26, $0x1;
	_ =	strace $0x80000049;
	[dreg:$0x1] =	wrdreg $0xFFFFFFFF  }
0xb6: {  	s28 =	simm.s32 $_size_execute0_lowered;
	s3 =	sadd.s32 s3, s5;
	[dreg:$0x0] =	wrdreg $0x0  }
0xb7: {  	s5 =	sshll.u32 s28, $0x1;
	[dreg:$0x2] =	wrdreg s3  }
0xb8: {  	[dreg:$0x3] =	wrdreg s5  }
0xb9: {  	[dreg:$0x4] =	wrdreg $0xC0  }
0xba: {  	_ =	task [dreg:s22], $0x5FFFF  }
0xbb: {  	[dreg:$0x1] =	wrdreg $0xFFFFFFFF  }
0xbc: {  	[dreg:$0x0] =	wrdreg $0x60  }
0xbd: {  	[dreg:$0x2] =	wrdreg s24  }
0xbe: {  	[dreg:$0x3] =	wrdreg $0x44000  }
0xbf: {  	[dreg:$0x4] =	wrdreg $0x9  }
0xc0: {  	_ =	task.clear_ibuf [dreg:s22], $0x5FFFF;
	_ =	strace $0x90000049  }
0xc1: {  	s29 =	simm.s32 $0x9;
	_ =	strace $0x8000004B  }
0xc2: {  	_ =	swait.ge [sflag:s29], $0x1  }
0xc3: {  	[sflag:s29] =	ssyncadd.s32 $0xFFFFFFFF  }
0xc4: {  	_ =	strace $0x9000004B  }
0xc5: {  	_ =	sfence  }
0xc6: {  	s30 =	sld [smem:$0x0];
	_ =	sdelay $0x2  }
0xc7: {  	s31 =	sshll.u32 s1, $0xD;
	s1 =	sshrl.u32 s1, $0x2  }
0xc8: {  	s4 =	sand.u32 $0x4000, s31;
	s1 =	sadd.s32 s1, s30  }
0xc9: {  	s0 =	sor.u32 s4, s0;
	s1 =	sshll.u32 s1, $0x11  }
0xca: {  	s0 =	sor.u32 s1, s0  }
0xcb: {  	s0 =	sadd.s32 $0x8F2B, s0  }
0xcc: {  	[sflag:s0] =	ssyncadd.remote.s32 $0x1  }
0xcd: {  	_ =	sfence.sel $0xFFFF  }
0xce: {  	[dreg:$0x0] =	wrdreg $0xFFFFFFFF;
	(pc) =	sbr.abs _section_cstart, $3  }
0xcf: {  	[dreg:$0x1] =	wrdreg $0xFFFFFFFF  }
0xd0: {  	_ =	task.clear_ibuf [dreg:s22], $0x2FFFF;
	_ =	strace $0x9FFFFFFF  }
0xd1: {  	(tm) =	ssettm $0x7FFFFFFF  }
tec
execute0_lowered:
.L_overlay_start_1:
0x0: {  	(tag) =	ssettag $0x1  }
0x1: {  	s5 =	rddreg [dreg:$0x0]  }
0x2: {  	s2 =	rddreg [dreg:$0x1]  }
0x3: {  	s0 =	srdreg.scid;
	s1 =	rddreg [dreg:$0x2]  }
0x4: {  	s3 =	simm.s32 $0x0;
	s14 =	simm.s32 $0x80;
	s15 =	simm.s32 $0x100  }
0x5: {  	s16 =	simm.s32 $0x180;
	s17 =	simm.s32 $0x200;
	s6 =	sand.u32 $0x1, s0  }
0x6: {  	s18 =	simm.s32 $0x280;
	s0 =	stileid.u32;
	s4 =	smul.u32 $0x28000, s6  }
0x7: {  	s19 =	simm.s32 $0x300;
	s20 =	simm.s32 $0x380;
	s7 =	smul.u32 $0x2800, s0  }
0x8: {  	s21 =	simm.s32 $0x1;
	s24 =	simm.s32 $0x0;
	s25 =	smul.u32 $0x2780, s0  }
0x9: {  	[smem:$0x7FF] =	sst s3;
	s22 =	sadd.s32 $0x128400, s2;
	s11 =	smul.u32 $0x4F000, s0  }
0xa: {  	s12 =	sadd.s32 $0x96800, s5;
	_ =	strace $0x8000004A;
	s13 =	smul.u32 $0x27100, s6  }
0xb: {  	s9 =	ssub.s32 $0x2, s6;
	s29 =	smul.u32 $0x138800, s6;
	s30 =	sshll.u32 s0, $0x6  }
0xc: {  	p0 =	seq.s32 s0, $0xF;
	s26 =	sshrl.u32 s9, $0x1;
	s6 =	sor.u32 $0x1C02, s30  }
0xd: {  	s22 =	sshrl.u32 @p0 s22, $0x3;
	s4 =	sadd.s32 s7, s4;
	s8 =	sadd.s32 s25, s5  }
0xe: {  	s9 =	ssub.s32 s9, s26;
	s28 =	sshrl.u32 s11, $0x2;
	s7 =	sadd.s32 s25, s13  }
0xf: {  	s31 =	sshrl.u32 s29, $0x3;
	s13 =	simm.s32 $0x400;
	s4 =	sshrl.u32 s4, $0x3  }
0x10: {  	s23 =	sadd.s32 s28, s2;
	s7 =	sadd.s32 s12, s7;
	s9 =	smax.u32 s9, $0x1  }
0x11: {  	s10 =	sadd.s32 s4, s5;
	s4 =	sadd.s32 $0x96000, s5;
	s5 =	sadd.s32 $0x6E800, s8  }
0x12: {  	s8 =	sadd.s32 s12, s31;
	s11 =	sshrl.u32 s23, $0x3;
	s12 =	simm.s32 $0x2  }
0x13: {  	s23 =	sshrl.u32 @!p0 s23, $0x3;
	s8 =	sadd.s32 $0x25080, s8;
	s10 =	sadd.s32 $0x2600, s10  }
.LBB2_1:
0x14: {  	[spmem:s11], [sflag:s6] =	dma.local [hbm:s5], $0x2780  }
0x15: {  	_ =	swait.ge [sflag:s12], $0x2780  }
0x16: {  	[sflag:s12] =	ssyncset.done $0x0  }
0x17: {  	[sflag:s12] =	ssyncadd.s32 $0xFFFFD880  }
0x18: {  	[tilespmem:s13], [sflag:$0x2] =	stream.linear.gather [hbm4b:s4+s3], $0x4000, $0x38;
	[tilespmem:$0x18000] =	vst v63  }
0x19: {  	_ =	swait.ge [sflag:s12], $0x4000  }
0x1a: {  	[sflag:s12] =	ssyncset.done $0x0  }
0x1b: {  	[sflag:s12] =	ssyncadd.s32 $0xFFFFC000  }
0x1c: {  	s25 =	sadd.s32 $0x0, s10;
	[bflag:$0x0] =	sbarrier.arrive $0xFFFF  }
0x1d: {  	[tilespmem:s3], [sflag:$0x2] =	stream.linear.gather [hbm4b:s25+s3], $0x400, $0x38;
	[tilespmem:$0x18000] =	vst v63  }
0x1e: {  	_ =	swait.ge [sflag:s12], $0x400  }
0x1f: {  	[sflag:s12] =	ssyncset.done $0x0  }
0x20: {  	[sflag:s12] =	ssyncadd.s32 $0xFFFFFC00  }
0x21: {  	[spmem:s2] =	stream.indirect.scatter.add.f32 [tilespmem:s13], [sflag:$0x1], $0x80, s3, s14, $0xb8;
	[tilespmem:$0x18000] =	vst v63  }
0x22: {  	_ = 	snop  }
0x23: {  	[spmem:s2] =	stream.indirect.scatter.add.f32 [tilespmem:s13], [sflag:$0x1], $0x80, s14, s14, $0xb8;
	[tilespmem:$0x18000] =	vst v63  }
0x24: {  	_ = 	snop  }
0x25: {  	[spmem:s2] =	stream.indirect.scatter.add.f32 [tilespmem:s13], [sflag:$0x1], $0x80, s15, s14, $0xb8;
	[tilespmem:$0x18000] =	vst v63  }
0x26: {  	_ = 	snop  }
0x27: {  	[spmem:s2] =	stream.indirect.scatter.add.f32 [tilespmem:s13], [sflag:$0x1], $0x80, s16, s14, $0xb8;
	[tilespmem:$0x18000] =	vst v63  }
0x28: {  	_ = 	snop  }
0x29: {  	[spmem:s2] =	stream.indirect.scatter.add.f32 [tilespmem:s13], [sflag:$0x1], $0x80, s17, s14, $0xb8;
	[tilespmem:$0x18000] =	vst v63  }
0x2a: {  	_ = 	snop  }
0x2b: {  	[spmem:s2] =	stream.indirect.scatter.add.f32 [tilespmem:s13], [sflag:$0x1], $0x80, s18, s14, $0xb8;
	[tilespmem:$0x18000] =	vst v63  }
0x2c: {  	_ = 	snop  }
0x2d: {  	[spmem:s2] =	stream.indirect.scatter.add.f32 [tilespmem:s13], [sflag:$0x1], $0x80, s19, s14, $0xb8;
	[tilespmem:$0x18000] =	vst v63  }
0x2e: {  	_ = 	snop  }
0x2f: {  	[spmem:s2] =	stream.indirect.scatter.add.f32 [tilespmem:s13], [sflag:$0x1], $0x80, s20, s14, $0xb8;
	[tilespmem:$0x18000] =	vst v63  }
0x30: {  	_ =	swait.ge [sflag:s21], $0x4000  }
0x31: {  	[sflag:s21] =	ssyncset.done $0x0  }
0x32: {  	[sflag:s21] =	ssyncadd.s32 $0xFFFFC000  }
0x33: {  	_ =	swait.ge [sflag:s21], $0x4000  }
0x34: {  	[sflag:s21] =	ssyncset.done $0x0  }
0x35: {  	[sflag:s21] =	ssyncadd.s32 $0xFFFFC000  }
0x36: {  	_ =	swait.ge [sflag:s21], $0x4000  }
0x37: {  	[sflag:s21] =	ssyncset.done $0x0  }
0x38: {  	[sflag:s21] =	ssyncadd.s32 $0xFFFFC000  }
0x39: {  	_ =	swait.ge [sflag:s21], $0x4000  }
0x3a: {  	[sflag:s21] =	ssyncset.done $0x0  }
0x3b: {  	[sflag:s21] =	ssyncadd.s32 $0xFFFFC000  }
0x3c: {  	_ =	swait.ge [sflag:s21], $0x4000  }
0x3d: {  	[sflag:s21] =	ssyncset.done $0x0  }
0x3e: {  	[sflag:s21] =	ssyncadd.s32 $0xFFFFC000  }
0x3f: {  	_ =	swait.ge [sflag:s21], $0x4000  }
0x40: {  	[sflag:s21] =	ssyncset.done $0x0  }
0x41: {  	[sflag:s21] =	ssyncadd.s32 $0xFFFFC000  }
0x42: {  	_ =	swait.ge [sflag:s21], $0x4000  }
0x43: {  	[sflag:s21] =	ssyncset.done $0x0  }
0x44: {  	[sflag:s21] =	ssyncadd.s32 $0xFFFFC000  }
0x45: {  	_ =	swait.ge [sflag:s21], $0x4000  }
0x46: {  	s28 =	simm.s32 $0x100;
	s25 =	simm.s32 $0x80;
	[sflag:s21] =	ssyncset.done $0x0  }
.LBB2_2:
0x47: {  	s29 =	sadd.s32 s25, s10  }
0x48: {  	[sflag:s21] =	ssyncadd.s32 $0xFFFFC000;
	s25 =	smov.u32 s28;
	s26 =	sadd.s32 $0x80, s28  }
0x49: {  	[tilespmem:s3], [sflag:$0x2] =	stream.linear.gather [hbm4b:s29+s3], $0x400, $0x38;
	[tilespmem:$0x18000] =	vst v63  }
0x4a: {  	p1 =	sne.s32 s28, $0x480;
	_ =	swait.ge [sflag:s12], $0x400  }
0x4b: {  	[sflag:s12] =	ssyncset.done $0x0  }
0x4c: {  	[sflag:s12] =	ssyncadd.s32 $0xFFFFFC00  }
0x4d: {  	[spmem:s2] =	stream.indirect.scatter.add.f32 [tilespmem:s13], [sflag:$0x1], $0x80, s3, s14, $0xb8;
	[tilespmem:$0x18000] =	vst v63  }
0x4e: {  	_ = 	snop  }
0x4f: {  	[spmem:s2] =	stream.indirect.scatter.add.f32 [tilespmem:s13], [sflag:$0x1], $0x80, s14, s14, $0xb8;
	[tilespmem:$0x18000] =	vst v63  }
0x50: {  	_ = 	snop  }
0x51: {  	[spmem:s2] =	stream.indirect.scatter.add.f32 [tilespmem:s13], [sflag:$0x1], $0x80, s15, s14, $0xb8;
	[tilespmem:$0x18000] =	vst v63  }
0x52: {  	_ = 	snop  }
0x53: {  	[spmem:s2] =	stream.indirect.scatter.add.f32 [tilespmem:s13], [sflag:$0x1], $0x80, s16, s14, $0xb8;
	[tilespmem:$0x18000] =	vst v63  }
0x54: {  	_ = 	snop  }
0x55: {  	[spmem:s2] =	stream.indirect.scatter.add.f32 [tilespmem:s13], [sflag:$0x1], $0x80, s17, s14, $0xb8;
	[tilespmem:$0x18000] =	vst v63  }
0x56: {  	_ = 	snop  }
0x57: {  	[spmem:s2] =	stream.indirect.scatter.add.f32 [tilespmem:s13], [sflag:$0x1], $0x80, s18, s14, $0xb8;
	[tilespmem:$0x18000] =	vst v63  }
0x58: {  	_ = 	snop  }
0x59: {  	[spmem:s2] =	stream.indirect.scatter.add.f32 [tilespmem:s13], [sflag:$0x1], $0x80, s19, s14, $0xb8;
	[tilespmem:$0x18000] =	vst v63  }
0x5a: {  	_ = 	snop  }
0x5b: {  	[spmem:s2] =	stream.indirect.scatter.add.f32 [tilespmem:s13], [sflag:$0x1], $0x80, s20, s14, $0xb8;
	[tilespmem:$0x18000] =	vst v63  }
0x5c: {  	_ =	swait.ge [sflag:s21], $0x4000  }
0x5d: {  	[sflag:s21] =	ssyncset.done $0x0  }
0x5e: {  	[sflag:s21] =	ssyncadd.s32 $0xFFFFC000  }
0x5f: {  	_ =	swait.ge [sflag:s21], $0x4000  }
0x60: {  	[sflag:s21] =	ssyncset.done $0x0  }
0x61: {  	[sflag:s21] =	ssyncadd.s32 $0xFFFFC000  }
0x62: {  	_ =	swait.ge [sflag:s21], $0x4000  }
0x63: {  	[sflag:s21] =	ssyncset.done $0x0  }
0x64: {  	[sflag:s21] =	ssyncadd.s32 $0xFFFFC000  }
0x65: {  	_ =	swait.ge [sflag:s21], $0x4000  }
0x66: {  	[sflag:s21] =	ssyncset.done $0x0  }
0x67: {  	[sflag:s21] =	ssyncadd.s32 $0xFFFFC000  }
0x68: {  	_ =	swait.ge [sflag:s21], $0x4000  }
0x69: {  	[sflag:s21] =	ssyncset.done $0x0  }
0x6a: {  	[sflag:s21] =	ssyncadd.s32 $0xFFFFC000  }
0x6b: {  	_ =	swait.ge [sflag:s21], $0x4000  }
0x6c: {  	[sflag:s21] =	ssyncset.done $0x0  }
0x6d: {  	[sflag:s21] =	ssyncadd.s32 $0xFFFFC000  }
.Ltmp0:
0x6e: {  	_ =	swait.ge [sflag:s21], $0x4000;
	(pc) =	sbr.rel @p1 .LBB2_2-.Ltmp0, $4  }
0x6f: {  	[sflag:s21] =	ssyncset.done $0x0  }
0x70: {  	[sflag:s21] =	ssyncadd.s32 $0xFFFFC000  }
0x71: {  	_ =	swait.ge [sflag:s21], $0x4000  }
0x72: {  	s28 =	smov.u32 s26;
	[sflag:s21] =	ssyncset.done $0x0  }
0x73: {  	s25 =	sadd.s32 s25, s10;
	[sflag:s21] =	ssyncadd.s32 $0xFFFFC000  }
0x74: {  	[tilespmem:s3], [sflag:$0x2] =	stream.linear.gather [hbm4b:s25+s3], $0x400, $0x38;
	[tilespmem:$0x18000] =	vst v63  }
0x75: {  	_ =	swait.ge [sflag:s12], $0x400  }
0x76: {  	[sflag:s12] =	ssyncset.done $0x0  }
0x77: {  	[sflag:s12] =	ssyncadd.s32 $0xFFFFFC00  }
0x78: {  	[spmem:s2] =	stream.indirect.scatter.add.f32 [tilespmem:s13], [sflag:$0x1], $0x80, s3, s14, $0xb8;
	[tilespmem:$0x18000] =	vst v63  }
0x79: {  	_ = 	snop  }
0x7a: {  	[spmem:s2] =	stream.indirect.scatter.add.f32 [tilespmem:s13], [sflag:$0x1], $0x80, s14, s14, $0xb8;
	[tilespmem:$0x18000] =	vst v63  }
0x7b: {  	_ = 	snop  }
0x7c: {  	[spmem:s2] =	stream.indirect.scatter.add.f32 [tilespmem:s13], [sflag:$0x1], $0x80, s15, s14, $0xb8;
	[tilespmem:$0x18000] =	vst v63  }
0x7d: {  	_ = 	snop  }
0x7e: {  	[spmem:s2] =	stream.indirect.scatter.add.f32 [tilespmem:s13], [sflag:$0x1], $0x80, s16, s14, $0xb8;
	[tilespmem:$0x18000] =	vst v63  }
0x7f: {  	_ = 	snop  }
0x80: {  	[spmem:s2] =	stream.indirect.scatter.add.f32 [tilespmem:s13], [sflag:$0x1], $0x80, s17, s14, $0xb8;
	[tilespmem:$0x18000] =	vst v63  }
0x81: {  	_ = 	snop  }
0x82: {  	[spmem:s2] =	stream.indirect.scatter.add.f32 [tilespmem:s13], [sflag:$0x1], $0x80, s18, s14, $0xb8;
	[tilespmem:$0x18000] =	vst v63  }
0x83: {  	_ = 	snop  }
0x84: {  	[spmem:s2] =	stream.indirect.scatter.add.f32 [tilespmem:s13], [sflag:$0x1], $0x80, s19, s14, $0xb8;
	[tilespmem:$0x18000] =	vst v63  }
0x85: {  	_ = 	snop  }
0x86: {  	[spmem:s2] =	stream.indirect.scatter.add.f32 [tilespmem:s13], [sflag:$0x1], $0x80, s20, s14, $0xb8;
	[tilespmem:$0x18000] =	vst v63  }
0x87: {  	_ =	swait.ge [sflag:s21], $0x4000  }
0x88: {  	[sflag:s21] =	ssyncset.done $0x0  }
0x89: {  	[sflag:s21] =	ssyncadd.s32 $0xFFFFC000  }
0x8a: {  	_ =	swait.ge [sflag:s21], $0x4000  }
0x8b: {  	[sflag:s21] =	ssyncset.done $0x0  }
0x8c: {  	[sflag:s21] =	ssyncadd.s32 $0xFFFFC000  }
0x8d: {  	_ =	swait.ge [sflag:s21], $0x4000  }
0x8e: {  	[sflag:s21] =	ssyncset.done $0x0  }
0x8f: {  	[sflag:s21] =	ssyncadd.s32 $0xFFFFC000  }
0x90: {  	_ =	swait.ge [sflag:s21], $0x4000  }
0x91: {  	[sflag:s21] =	ssyncset.done $0x0  }
0x92: {  	[sflag:s21] =	ssyncadd.s32 $0xFFFFC000  }
0x93: {  	_ =	swait.ge [sflag:s21], $0x4000  }
0x94: {  	[sflag:s21] =	ssyncset.done $0x0  }
0x95: {  	[sflag:s21] =	ssyncadd.s32 $0xFFFFC000  }
0x96: {  	_ =	swait.ge [sflag:s21], $0x4000  }
0x97: {  	[sflag:s21] =	ssyncset.done $0x0  }
0x98: {  	[sflag:s21] =	ssyncadd.s32 $0xFFFFC000  }
0x99: {  	_ =	swait.ge [sflag:s21], $0x4000  }
0x9a: {  	[sflag:s21] =	ssyncset.done $0x0  }
0x9b: {  	[sflag:s21] =	ssyncadd.s32 $0xFFFFC000  }
0x9c: {  	_ =	swait.ge [sflag:s21], $0x4000  }
0x9d: {  	[sflag:s21] =	ssyncset.done $0x0  }
0x9e: {  	[sflag:s21] =	ssyncadd.s32 $0xFFFFC000  }
0x9f: {  	s25 =	simm.s32 @p0 $0x2;
	[bflag:$0x0] =	sbarrier.arrive $0xFFFF  }
0xa0: {  	[hbm:s8], [sflag:s6] =	dma.local @p0 [spmem:s22], $0x2080  }
0xa1: {  	s24 =	sadd.s32 $0x1, s24;
	_ =	swait.ge @p0 [sflag:s25], $0x2080  }
0xa2: {  	p1 =	sne.s32 s24, s9;
	[sflag:s25] =	ssyncset.done @p0 $0x0  }
.Ltmp1:
0xa3: {  	[sflag:s25] =	ssyncadd.s32 @p0 $0xFFFFDF80;
	s25 =	simm.s32 @!p0 $0x2;
	(pc) =	sbr.rel @p1 .LBB2_1-.Ltmp1, $4  }
0xa4: {  	[hbm:s7], [sflag:s6] =	dma.local @!p0 [spmem:s23], $0x2780  }
0xa5: {  	_ =	swait.ge @!p0 [sflag:s25], $0x2780  }
0xa6: {  	[sflag:s25] =	ssyncset.done @!p0 $0x0  }
0xa7: {  	[sflag:s25] =	ssyncadd.s32 @!p0 $0xFFFFD880  }
0xa8: {  	_ =	sfence.sel $0x180000  }
0xa9: {  	[bflag:$0x0] =	sbarrier.arrive $0xFFFF  }
0xaa: {  	p0 =	sne.s32 s0, $0x0;
	_ =	strace $0x9000004A  }
0xab: {  	s0 =	sadd.s32 @!p0 $0x100000, s1;
	[bflag:$0x2] =	sbarrier.arrive $0xFFFF  }
0xac: {  	[sflag:s0] =	ssyncadd.tile.s32 @!p0 $0x1;
	_ =	shalt  }
.Lfunc_end2:
_tile_overlayer_lowered:
.L_overlay_start_2:
0xad: {  	(tag) =	ssettag $0x2  }
0xae: {  	s0 =	rddreg [dreg:$0x0];
	s2 =	stileid.u32  }
0xaf: {  	s1 =	rddreg [dreg:$0x1];
	p0 =	sne.s32 s2, $0x0  }
0xb0: {  	s3 =	rddreg [dreg:$0x2];
	[bflag:$0x3] =	sbarrier.arrive $0xFFFF;
	s2 =	simm.s32 @!p0 $0x1C02  }
0xb1: {  	[timem:s3], [sflag:s2] =	dma.local @!p0 [hbm:s0], s1  }
0xb2: {  	s0 =	simm.s32 @!p0 $0x2  }
0xb3: {  	_ =	swait.ge @!p0 [sflag:s0], s1  }
0xb4: {  	s1 =	ssub.s32 @!p0 $0x0, s1;
	[sflag:s0] =	ssyncset.done @!p0 $0x0  }
0xb5: {  	[sflag:s0] =	ssyncadd.s32 @!p0 s1  }
0xb6: {  	[bflag:$0x3] =	sbarrier.arrive $0xFFFF  }
0xb7: {  	_ =	shalt  }

</sc_bundles>
